<compile_context>
chip_gen: v7x
topology: tpu7x:2x2x1
jax: 0.10.2.dev20260603
libtpu: 0.0.44.dev20260713+nightly
codegen_flags: <defaults>
</compile_context>

<pallas_src>
import jax
import jax.numpy as jnp
from jax import lax
from jax.experimental import pallas as pl
from jax.experimental.pallas import tpu as pltpu
from jax.experimental.pallas import tpu_sc as plsc

NN = 10000
NE = 160000
DIN = 128
H = 16
EHID = 64
NSTEPS = 3
ALPHA = 0.5
BETA = 1.0 / NSTEPS

NC = 2
NS = 16
NW = NC * NS
EPW = NE // NW
NPT = NN // NS
NEP = NE // 8

_SC_MESH = plsc.VectorSubcoreMesh(core_axis_name="c", subcore_axis_name="s")


def _sc_gather_body(table_hbm, idx_hbm, out_hbm, idx_v, rows_v, sem):
    wid = lax.axis_index("s") * NC + lax.axis_index("c")
    base = wid * EPW
    pltpu.sync_copy(idx_hbm.at[pl.ds(base, EPW)], idx_v)
    pltpu.async_copy(table_hbm.at[idx_v], rows_v, sem).wait()
    pltpu.sync_copy(rows_v, out_hbm.at[pl.ds(base, EPW)])


_sc_gather = pl.kernel(
    _sc_gather_body,
    out_type=jax.ShapeDtypeStruct((NE, H), jnp.float32),
    mesh=_SC_MESH,
    scratch_types=[
        pltpu.VMEM((EPW,), jnp.int32),
        pltpu.VMEM((EPW, H), jnp.float32),
        pltpu.SemaphoreType.DMA,
    ],
    compiler_params=pltpu.CompilerParams(use_tc_tiling_on_sc=False),
)


_G2C = 1000


def _sc_gather2_body(ta_hbm, tb_hbm, ia_hbm, ib_hbm, oa_hbm, ob_hbm,
                     ia_v, ib_v, ra_v, rb_v, sa, sb):
    wid = lax.axis_index("s") * NC + lax.axis_index("c")
    base = wid * EPW
    for c in range(EPW // _G2C):
        off = base + c * _G2C
        pltpu.sync_copy(ia_hbm.at[pl.ds(off, _G2C)], ia_v)
        da = pltpu.async_copy(ta_hbm.at[ia_v], ra_v, sa)
        pltpu.sync_copy(ib_hbm.at[pl.ds(off, _G2C)], ib_v)
        db = pltpu.async_copy(tb_hbm.at[ib_v], rb_v, sb)
        da.wait()
        pltpu.sync_copy(ra_v, oa_hbm.at[pl.ds(off, _G2C)])
        db.wait()
        pltpu.sync_copy(rb_v, ob_hbm.at[pl.ds(off, _G2C)])


_sc_gather2 = pl.kernel(
    _sc_gather2_body,
    out_type=(jax.ShapeDtypeStruct((NE, H), jnp.float32),
              jax.ShapeDtypeStruct((NE, H), jnp.float32)),
    mesh=_SC_MESH,
    scratch_types=[
        pltpu.VMEM((_G2C,), jnp.int32),
        pltpu.VMEM((_G2C,), jnp.int32),
        pltpu.VMEM((_G2C, H), jnp.float32),
        pltpu.VMEM((_G2C, H), jnp.float32),
        pltpu.SemaphoreType.DMA,
        pltpu.SemaphoreType.DMA,
    ],
    compiler_params=pltpu.CompilerParams(use_tc_tiling_on_sc=False),
)


def _sc_scatter_body(msg_hbm, dst_hbm, out_hbm, idx_v, msg_v, wb_v, acc_sh):
    cid = lax.axis_index("c")
    sid = lax.axis_index("s")
    wid = sid * NC + cid
    base = wid * EPW

    def zrow(i, carry):
        wb_v[i, :] = jnp.zeros((H,), jnp.float32)
        return carry

    lax.fori_loop(0, NPT, zrow, 0)
    pltpu.sync_copy(wb_v, acc_sh.at[pl.ds(sid * NPT, NPT)])
    plsc.subcore_barrier()
    pltpu.sync_copy(dst_hbm.at[pl.ds(base, EPW)], idx_v)
    pltpu.sync_copy(msg_hbm.at[pl.ds(base, EPW)], msg_v)
    pltpu.sync_copy(msg_v, acc_sh.at[idx_v], add=True)
    plsc.subcore_barrier()
    pltpu.sync_copy(acc_sh.at[pl.ds(sid * NPT, NPT)], wb_v)
    pltpu.sync_copy(wb_v, out_hbm.at[cid, pl.ds(sid * NPT, NPT)])


_sc_scatter = pl.kernel(
    _sc_scatter_body,
    out_type=jax.ShapeDtypeStruct((NC, NN, H), jnp.float32),
    mesh=_SC_MESH,
    scratch_types=[
        pltpu.VMEM((EPW,), jnp.int32),
        pltpu.VMEM((EPW, H), jnp.float32),
        pltpu.VMEM((NPT, H), jnp.float32),
        pltpu.VMEM_SHARED((NN, H), jnp.float32),
    ],
    compiler_params=pltpu.CompilerParams(use_tc_tiling_on_sc=False),
)


_NT = 5000
_ET = 16000
_EH = 32000


def _lin0_body(x_ref, w_ref, b_ref, o_ref):
    o_ref[...] = jnp.maximum(x_ref[...] @ w_ref[...] + b_ref[...], 0.0)


_lin0 = pl.pallas_call(
    _lin0_body,
    grid=(1,),
    in_specs=[pl.BlockSpec((NN, DIN), lambda i: (0, 0)),
              pl.BlockSpec((DIN, H), lambda i: (0, 0)),
              pl.BlockSpec((1, H), lambda i: (0, 0))],
    out_specs=pl.BlockSpec((NN, H), lambda i: (0, 0)),
    out_shape=jax.ShapeDtypeStruct((NN, H), jnp.float32),
)


def _msg_body(xs_ref, ef_ref, we1_ref, be1_ref, we2_ref, be2_ref, r_ref,
              o_ref):
    xs_t = xs_ref[...].T
    ef_t = ef_ref[...].T
    we1_t = we1_ref[...].T
    we2_t = we2_ref[...].T
    r_t = r_ref[...].T
    be1_t = be1_ref[...].reshape(EHID, 1)
    be2_t = be2_ref[...].reshape(H * H, 1)
    mt = []
    for j in range(8):
        ef_j = ef_t[16 * j:16 * j + 16, :]
        xs_j = xs_t[16 * j:16 * j + 16, :]
        u = jnp.maximum(we1_t @ ef_j + be1_t, 0.0)
        ew = we2_t @ u + be2_t
        p = (r_t @ xs_j) * ew
        p = p[:128, :] + p[128:, :]
        p = p[:64, :] + p[64:, :]
        p = p[:32, :] + p[32:, :]
        mt.append(p[:16, :] + p[16:, :])
    o_ref[...] = jnp.concatenate(mt, axis=0).T


_msg = pl.pallas_call(
    _msg_body,
    grid=(NE // _ET,),
    in_specs=[pl.BlockSpec((_ET // 8, 128), lambda i: (i, 0)),
              pl.BlockSpec((_ET // 8, 128), lambda i: (i, 0)),
              pl.BlockSpec((H, EHID), lambda i: (0, 0)),
              pl.BlockSpec((1, EHID), lambda i: (0, 0)),
              pl.BlockSpec((EHID, H * H), lambda i: (0, 0)),
              pl.BlockSpec((1, H * H), lambda i: (0, 0)),
              pl.BlockSpec((H, H * H), lambda i: (0, 0))],
    out_specs=pl.BlockSpec((_ET // 8, 128), lambda i: (i, 0)),
    out_shape=jax.ShapeDtypeStruct((NEP, 128), jnp.float32),
)


def _upd_body(ap_ref, out_ref, h0_ref, bc_ref, w1_ref, b1_ref, o_ref):
    rst = ap_ref[0] + ap_ref[1] + out_ref[...] + bc_ref[...]
    temp = ALPHA * rst + (1.0 - ALPHA) * h0_ref[...]
    z = temp @ w1_ref[...] + b1_ref[...]
    o_ref[...] = jnp.maximum(BETA * z + (1.0 - BETA) * temp, 0.0)


_upd = pl.pallas_call(
    _upd_body,
    grid=(NN // _NT,),
    in_specs=[pl.BlockSpec((2, _NT, H), lambda i: (0, i, 0)),
              pl.BlockSpec((_NT, H), lambda i: (i, 0)),
              pl.BlockSpec((_NT, H), lambda i: (i, 0)),
              pl.BlockSpec((1, H), lambda i: (0, 0)),
              pl.BlockSpec((H, H), lambda i: (0, 0)),
              pl.BlockSpec((1, H), lambda i: (0, 0))],
    out_specs=pl.BlockSpec((_NT, H), lambda i: (i, 0)),
    out_shape=jax.ShapeDtypeStruct((NN, H), jnp.float32),
)


def _ehead_body(a_ref, b_ref, g_ref, b2_ref, o_ref):
    s = (a_ref[...] * b_ref[...]) @ g_ref[...]
    o_ref[...] = jax.nn.sigmoid(s + b2_ref[...])


_ehead = pl.pallas_call(
    _ehead_body,
    grid=(NE // _EH,),
    in_specs=[pl.BlockSpec((_EH // 8, 128), lambda i: (i, 0)),
              pl.BlockSpec((_EH // 8, 128), lambda i: (i, 0)),
              pl.BlockSpec((128, 8), lambda i: (0, 0)),
              pl.BlockSpec((1, 1), lambda i: (0, 0))],
    out_specs=pl.BlockSpec((_EH // 8, 8), lambda i: (i, 0)),
    out_shape=jax.ShapeDtypeStruct((NEP, 8), jnp.float32),
)


def _updhead_body(ap_ref, out_ref, h0_ref, bc_ref, w1_ref, b1_ref,
                  mean_ref, var_ref, gam_ref, bet_ref, w2r_ref, w3_ref,
                  b3_ref, ybn_ref, yw_ref, ysig_ref):
    rst = ap_ref[0] + ap_ref[1] + out_ref[...] + bc_ref[...]
    temp = ALPHA * rst + (1.0 - ALPHA) * h0_ref[...]
    z = temp @ w1_ref[...] + b1_ref[...]
    out3 = jnp.maximum(BETA * z + (1.0 - BETA) * temp, 0.0)
    ybn = ((out3 - mean_ref[...]) * lax.rsqrt(var_ref[...] + 1e-5)
           * gam_ref[...] + bet_ref[...])
    ybn_ref[...] = ybn
    yw_ref[...] = ybn * w2r_ref[...]
    ysig_ref[...] = jax.nn.sigmoid(ybn @ w3_ref[...] + b3_ref[...])


_updhead = pl.pallas_call(
    _updhead_body,
    grid=(NN // _NT,),
    in_specs=[pl.BlockSpec((2, _NT, H), lambda i: (0, i, 0)),
              pl.BlockSpec((_NT, H), lambda i: (i, 0)),
              pl.BlockSpec((_NT, H), lambda i: (i, 0)),
              pl.BlockSpec((1, H), lambda i: (0, 0)),
              pl.BlockSpec((H, H), lambda i: (0, 0)),
              pl.BlockSpec((1, H), lambda i: (0, 0)),
              pl.BlockSpec((1, H), lambda i: (0, 0)),
              pl.BlockSpec((1, H), lambda i: (0, 0)),
              pl.BlockSpec((1, H), lambda i: (0, 0)),
              pl.BlockSpec((1, H), lambda i: (0, 0)),
              pl.BlockSpec((1, H), lambda i: (0, 0)),
              pl.BlockSpec((H, 3), lambda i: (0, 0)),
              pl.BlockSpec((1, 3), lambda i: (0, 0))],
    out_specs=(pl.BlockSpec((_NT, H), lambda i: (i, 0)),
               pl.BlockSpec((_NT, H), lambda i: (i, 0)),
               pl.BlockSpec((_NT, 3), lambda i: (i, 0))),
    out_shape=(jax.ShapeDtypeStruct((NN, H), jnp.float32),
               jax.ShapeDtypeStruct((NN, H), jnp.float32),
               jax.ShapeDtypeStruct((NN, 3), jnp.float32)),
)


def kernel(g, n_feat, e_feat, src_list, dst_list, W0, b0, We1, be1, We2, be2,
           b_conv, W1, b1, bn_gamma, bn_beta, bn_mean, bn_var, W3, b3, W2, b2):
    src = g[0].astype(jnp.int32)
    dst = g[1].astype(jnp.int32)
    sl = src_list.astype(jnp.int32)
    dl = dst_list.astype(jnp.int32)
    cols = jnp.arange(H * H, dtype=jnp.int32) // H
    r_mat = (cols[None, :] == jnp.arange(H, dtype=jnp.int32)[:, None]
             ).astype(jnp.float32)
    lanes = jnp.arange(128, dtype=jnp.int32) // H
    g_mat = (lanes[:, None] == jnp.arange(8, dtype=jnp.int32)[None, :]
             ).astype(jnp.float32)
    ef_p = e_feat.reshape(NEP, 128)

    out0 = _lin0(n_feat, W0, b0.reshape(1, H))
    out = out0
    for step in range(NSTEPS):
        xs = _sc_gather(out, src)
        msg_p = _msg(xs.reshape(NEP, 128), ef_p, We1, be1.reshape(1, EHID),
                     We2, be2.reshape(1, H * H), r_mat)
        msg = msg_p.reshape(NE, H)
        aggp = _sc_scatter(msg, dst)
        if step < NSTEPS - 1:
            out = _upd(aggp, out, out0, b_conv.reshape(1, H), W1,
                       b1.reshape(1, H))
    ybn, yw, ysig = _updhead(aggp, out, out0,
                             b_conv.reshape(1, H), W1, b1.reshape(1, H),
                             bn_mean.reshape(1, H), bn_var.reshape(1, H),
                             bn_gamma.reshape(1, H), bn_beta.reshape(1, H),
                             W2.reshape(1, H), W3, b3.reshape(1, 3))
    ga, gb = _sc_gather2(yw, ybn, sl, dl)
    ehop_p = _ehead(ga.reshape(NEP, 128), gb.reshape(NEP, 128), g_mat,
                    b2.reshape(1, 1))
    return (ysig, ehop_p.reshape(NE, 1))

# --- scband reference (transcript-rebuilt; emitter-appended) ---
"""Pipeline reference for scband-mpnn-49280454754409 (READ-ONLY COPY).

The authoritative reference and input builder live on the scoring server;
editing this copy changes nothing except your own understanding.
"""

import jax, jax.numpy as jnp
import numpy as np

N_NODES = 10000
N_EDGES = 160000
D_IN = 128
H = 16
E_IN = 16
E_HID = 64
N_STEPS = 3
ALPHA = 0.5


def setup_inputs(seed: int = 0) -> dict:
    key = jax.random.key(seed)
    ks = jax.random.split(key, 24)
    g = jax.random.randint(ks[0], (2, N_EDGES), 0, N_NODES, dtype=jnp.int64)
    n_feat = jax.random.normal(ks[1], (N_NODES, D_IN), dtype=jnp.float32)
    e_feat = jax.random.normal(ks[2], (N_EDGES, E_IN), dtype=jnp.float32)
    src_list = jax.random.randint(ks[3], (N_EDGES,), 0, N_NODES, dtype=jnp.int64)
    dst_list = jax.random.randint(ks[4], (N_EDGES,), 0, N_NODES, dtype=jnp.int64)
    s = 0.05
    W0 = jax.random.normal(ks[5], (D_IN, H), dtype=jnp.float32) * s
    b0 = jnp.zeros((H,), dtype=jnp.float32)
    We1 = jax.random.normal(ks[6], (E_IN, E_HID), dtype=jnp.float32) * s
    be1 = jnp.zeros((E_HID,), dtype=jnp.float32)
    We2 = jax.random.normal(ks[7], (E_HID, H * H), dtype=jnp.float32) * s
    be2 = jnp.zeros((H * H,), dtype=jnp.float32)
    b_conv = jnp.zeros((H,), dtype=jnp.float32)
    W1 = jax.random.normal(ks[8], (H, H), dtype=jnp.float32) * s
    b1 = jnp.zeros((H,), dtype=jnp.float32)
    bn_gamma = jnp.ones((H,), dtype=jnp.float32)
    bn_beta = jnp.zeros((H,), dtype=jnp.float32)
    bn_mean = jnp.zeros((H,), dtype=jnp.float32)
    bn_var = jnp.ones((H,), dtype=jnp.float32)
    W3 = jax.random.normal(ks[9], (H, 3), dtype=jnp.float32) * s
    b3 = jnp.zeros((3,), dtype=jnp.float32)
    W2 = jax.random.normal(ks[10], (H, 1), dtype=jnp.float32) * s
    b2 = jnp.zeros((1,), dtype=jnp.float32)
    return {
        'g': g, 'n_feat': n_feat, 'e_feat': e_feat,
        'src_list': src_list, 'dst_list': dst_list,
        'W0': W0, 'b0': b0, 'We1': We1, 'be1': be1, 'We2': We2, 'be2': be2,
        'b_conv': b_conv, 'W1': W1, 'b1': b1,
        'bn_gamma': bn_gamma, 'bn_beta': bn_beta, 'bn_mean': bn_mean, 'bn_var': bn_var,
        'W3': W3, 'b3': b3, 'W2': W2, 'b2': b2,
    }


def reference(g, n_feat, e_feat, src_list, dst_list,
              W0, b0, We1, be1, We2, be2, b_conv, W1, b1,
              bn_gamma, bn_beta, bn_mean, bn_var, W3, b3, W2, b2):
    src = g[0]
    dst = g[1]
    # lin0 + relu
    out = jax.nn.relu(n_feat @ W0 + b0)
    h0 = out
    beta = 1.0 / N_STEPS
    # edge network (dropout is identity in eval); per-edge [H, H] weight
    ew = jax.nn.relu(e_feat @ We1 + be1)
    ew = ew @ We2 + be2
    ew = ew.reshape(N_EDGES, H, H)
    for _ in range(N_STEPS):
        # NNConv with sum aggregator + residual (identity since in==out) + bias
        msg = jnp.einsum('ei,eio->eo', out[src], ew)
        agg = jax.ops.segment_sum(msg, dst, num_segments=N_NODES)
        rst = agg + out + b_conv
        temp = ALPHA * rst + (1.0 - ALPHA) * h0
        out = jax.nn.relu(beta * (temp @ W1 + b1) + (1.0 - beta) * temp)
    # BatchNorm1d in eval mode (running stats)
    y_bn = (out - bn_mean) / jnp.sqrt(bn_var + 1e-5) * bn_gamma + bn_beta
    edge_hop_out = jax.nn.sigmoid((y_bn[src_list] * y_bn[dst_list]) @ W2 + b2)
    y_sigmoid = jax.nn.sigmoid(y_bn @ W3 + b3)
    return (y_sigmoid, edge_hop_out)

if __name__ == "__main__":
    import jax
    _d = setup_inputs()
    print(jax.jit(kernel)(*tuple(_d.values())))

</pallas_src>

<mosaic_0001>
#map = affine_map<(d0, d1) -> (0, 0)>
#map1 = affine_map<(d0, d1) -> (0)>
#map2 = affine_map<(d0, d1) -> (0, 0, 0)>
module attributes {stable_mosaic.version = 14 : i64} {
  func.func @_sc_scatter_body(%arg0: i32, %arg1: i32, %arg2: memref<160000x16xf32, #tpu.memory_space<hbm>>, %arg3: memref<160000xi32, #tpu.memory_space<hbm>>, %arg4: memref<2x10000x16xf32, #tpu.memory_space<hbm>>, %arg5: memref<5000xi32, #tpu.memory_space<vmem>>, %arg6: memref<5000x16xf32, #tpu.memory_space<vmem>>, %arg7: memref<625x16xf32, #tpu.memory_space<vmem>>, %arg8: memref<10000x16xf32, #tpu.memory_space<vmem_shared>>) attributes {dimension_semantics = [#tpu.dimension_semantics<core_parallel>, #tpu.dimension_semantics<subcore_parallel>], iteration_bounds = array<i64: 2, 16>, scalar_prefetch = 0 : i64, scratch_operands = 4 : i64, tpu.core_type = #tpu.core_type<sc_vector_subcore>, window_params = [{transform_indices = #map}, {transform_indices = #map1}, {transform_indices = #map2}]} {
    %mul3A = arith.constant 2 : i32
    %mul3A_0 = arith.muli %arg1, %mul3A : i32
    %add3A = arith.addi %mul3A_0, %arg0 : i32
    %mul3A_1 = arith.constant 5000 : i32
    %mul3A_2 = arith.muli %add3A, %mul3A_1 : i32
    %scan3A = arith.constant 0 : i32
    %scan3A_3 = arith.constant 0 : i32
    %scan3A_4 = arith.constant 625 : i32
    %scan3A_5 = arith.addi %scan3A_3, %scan3A_4 : i32
    %scan3A_6 = arith.constant 1 : i32
    scf.for %scan3A_15 = %scan3A_3 to %scan3A_5 step %scan3A_6  : i32 {
      %broadcast_in_dim3A = arith.constant 0.000000e+00 : f32
      %broadcast_in_dim3A_16 = vector.broadcast %broadcast_in_dim3A : f32 to vector<16xf32>
      %swap3A = arith.index_cast %scan3A_15 : i32 to index
      %swap3A_17 = arith.constant 0 : index
      %swap3A_18 = tpu.vector_load %arg7[%swap3A, %swap3A_17] {strides = array<i32>} : memref<625x16xf32, #tpu.memory_space<vmem>>, vector<1x16xf32>,
      %swap3A_19 = vector.shape_cast %swap3A_18 : vector<1x16xf32> to vector<16xf32>
      %swap3A_20 = vector.shape_cast %broadcast_in_dim3A_16 : vector<16xf32> to vector<1x16xf32>
      tpu.vector_store %arg7[%swap3A, %swap3A_17], %swap3A_20 {strides = array<i32>} : memref<625x16xf32, #tpu.memory_space<vmem>>, vector<1x16xf32>,
    }
    %scan3A_7 = arith.constant 625 : i32
    %mul3A_8 = arith.constant 625 : i32
    %mul3A_9 = arith.muli %arg1, %mul3A_8 : i32
    "tpu.region"() ({
      %run_scoped3A = tpu.sem_alloc : memref<!tpu.dma_semaphore, #tpu.memory_space<semaphore_mem>>
      %dma_start3A = arith.constant 0 : i32
      %dma_start3A_15 = tpu.memref_slice %arg8[%mul3A_9, %dma_start3A] : memref<10000x16xf32, #tpu.memory_space<vmem_shared>> -> memref<625x16xf32, #tpu.memory_space<vmem_shared>>
      %dma_start3A_16 = arith.constant 0 : i32
      %dma_start3A_17 = tpu.memref_slice %arg8[%mul3A_9, %dma_start3A_16] : memref<10000x16xf32, #tpu.memory_space<vmem_shared>> -> memref<625x16xf32, #tpu.memory_space<vmem_shared>>
      tpu.enqueue_dma source(%arg7 : memref<625x16xf32, #tpu.memory_space<vmem>>) target(%dma_start3A_17 : memref<625x16xf32, #tpu.memory_space<vmem_shared>>) target_semaphore(%run_scoped3A : memref<!tpu.dma_semaphore, #tpu.memory_space<semaphore_mem>>)
      %dma_wait3A = arith.constant 0 : i32
      %dma_wait3A_18 = tpu.memref_slice %arg8[%mul3A_9, %dma_wait3A] : memref<10000x16xf32, #tpu.memory_space<vmem_shared>> -> memref<625x16xf32, #tpu.memory_space<vmem_shared>>
      %dma_wait3A_19 = arith.constant 0 : i32
      %dma_wait3A_20 = tpu.memref_slice %arg8[%mul3A_9, %dma_wait3A_19] : memref<10000x16xf32, #tpu.memory_space<vmem_shared>> -> memref<625x16xf32, #tpu.memory_space<vmem_shared>>
      tpu.wait_dma2 semaphore(%run_scoped3A : memref<!tpu.dma_semaphore, #tpu.memory_space<semaphore_mem>>) src(%arg7 : memref<625x16xf32, #tpu.memory_space<vmem>>) dst(%dma_wait3A_20 : memref<625x16xf32, #tpu.memory_space<vmem_shared>>)
      tpu.yield
    }) : () -> ()
    %barrier3A = arith.constant 0 : index
    tpu.barrier barrier_id(%barrier3A)
    "tpu.region"() ({
      %run_scoped3A = tpu.sem_alloc : memref<!tpu.dma_semaphore, #tpu.memory_space<semaphore_mem>>
      %dma_start3A = tpu.memref_slice %arg3[%mul3A_2] : memref<160000xi32, #tpu.memory_space<hbm>> -> memref<5000xi32, #tpu.memory_space<hbm>>
      %dma_start3A_15 = tpu.memref_slice %arg3[%mul3A_2] : memref<160000xi32, #tpu.memory_space<hbm>> -> memref<5000xi32, #tpu.memory_space<hbm>>
      tpu.enqueue_dma source(%dma_start3A_15 : memref<5000xi32, #tpu.memory_space<hbm>>) target(%arg5 : memref<5000xi32, #tpu.memory_space<vmem>>) target_semaphore(%run_scoped3A : memref<!tpu.dma_semaphore, #tpu.memory_space<semaphore_mem>>)
      %dma_wait3A = tpu.memref_slice %arg3[%mul3A_2] : memref<160000xi32, #tpu.memory_space<hbm>> -> memref<5000xi32, #tpu.memory_space<hbm>>
      %dma_wait3A_16 = tpu.memref_slice %arg3[%mul3A_2] : memref<160000xi32, #tpu.memory_space<hbm>> -> memref<5000xi32, #tpu.memory_space<hbm>>
      tpu.wait_dma2 semaphore(%run_scoped3A : memref<!tpu.dma_semaphore, #tpu.memory_space<semaphore_mem>>) src(%dma_wait3A_16 : memref<5000xi32, #tpu.memory_space<hbm>>) dst(%arg5 : memref<5000xi32, #tpu.memory_space<vmem>>)
      tpu.yield
    }) : () -> ()
    "tpu.region"() ({
      %run_scoped3A = tpu.sem_alloc : memref<!tpu.dma_semaphore, #tpu.memory_space<semaphore_mem>>
      %dma_start3A = arith.constant 0 : i32
      %dma_start3A_15 = tpu.memref_slice %arg2[%mul3A_2, %dma_start3A] : memref<160000x16xf32, #tpu.memory_space<hbm>> -> memref<5000x16xf32, #tpu.memory_space<hbm>>
      %dma_start3A_16 = arith.constant 0 : i32
      %dma_start3A_17 = tpu.memref_slice %arg2[%mul3A_2, %dma_start3A_16] : memref<160000x16xf32, #tpu.memory_space<hbm>> -> memref<5000x16xf32, #tpu.memory_space<hbm>>
      tpu.enqueue_dma source(%dma_start3A_17 : memref<5000x16xf32, #tpu.memory_space<hbm>>) target(%arg6 : memref<5000x16xf32, #tpu.memory_space<vmem>>) target_semaphore(%run_scoped3A : memref<!tpu.dma_semaphore, #tpu.memory_space<semaphore_mem>>)
      %dma_wait3A = arith.constant 0 : i32
      %dma_wait3A_18 = tpu.memref_slice %arg2[%mul3A_2, %dma_wait3A] : memref<160000x16xf32, #tpu.memory_space<hbm>> -> memref<5000x16xf32, #tpu.memory_space<hbm>>
      %dma_wait3A_19 = arith.constant 0 : i32
      %dma_wait3A_20 = tpu.memref_slice %arg2[%mul3A_2, %dma_wait3A_19] : memref<160000x16xf32, #tpu.memory_space<hbm>> -> memref<5000x16xf32, #tpu.memory_space<hbm>>
      tpu.wait_dma2 semaphore(%run_scoped3A : memref<!tpu.dma_semaphore, #tpu.memory_space<semaphore_mem>>) src(%dma_wait3A_20 : memref<5000x16xf32, #tpu.memory_space<hbm>>) dst(%arg6 : memref<5000x16xf32, #tpu.memory_space<vmem>>)
      tpu.yield
    }) : () -> ()
    "tpu.region"() ({
      %run_scoped3A = tpu.sem_alloc : memref<!tpu.dma_semaphore, #tpu.memory_space<semaphore_mem>>
      %dma_start3A = arith.constant 0 : i32
      %dma_start3A_15 = arith.constant 0 : i32
      %dma_start3A_16 = tpu.memref_slice %arg8[%dma_start3A, %dma_start3A_15] : memref<10000x16xf32, #tpu.memory_space<vmem_shared>> -> memref<10000x16xf32, #tpu.memory_space<vmem_shared>>
      tpu.enqueue_indirect_dma source(%arg6 : memref<5000x16xf32, #tpu.memory_space<vmem>>) target(%dma_start3A_16 : memref<10000x16xf32, #tpu.memory_space<vmem_shared>>) offsets(%arg5 : memref<5000xi32, #tpu.memory_space<vmem>>) semaphore(%run_scoped3A : memref<!tpu.dma_semaphore, #tpu.memory_space<semaphore_mem>>) {add = true}
      %dma_wait3A = arith.constant 0 : i32
      %dma_wait3A_17 = arith.constant 0 : i32
      %dma_wait3A_18 = tpu.memref_slice %arg8[%dma_wait3A, %dma_wait3A_17] : memref<10000x16xf32, #tpu.memory_space<vmem_shared>> -> memref<10000x16xf32, #tpu.memory_space<vmem_shared>>
      tpu.wait_indirect_dma semaphore(%run_scoped3A : memref<!tpu.dma_semaphore, #tpu.memory_space<semaphore_mem>>) src(%arg6 : memref<5000x16xf32, #tpu.memory_space<vmem>>) dst(%dma_wait3A_18 : memref<10000x16xf32, #tpu.memory_space<vmem_shared>>)
      tpu.yield
    }) : () -> ()
    %barrier3A_10 = arith.constant 0 : index
    tpu.barrier barrier_id(%barrier3A_10)
    %mul3A_11 = arith.constant 625 : i32
    %mul3A_12 = arith.muli %arg1, %mul3A_11 : i32
    "tpu.region"() ({
      %run_scoped3A = tpu.sem_alloc : memref<!tpu.dma_semaphore, #tpu.memory_space<semaphore_mem>>
      %dma_start3A = arith.constant 0 : i32
      %dma_start3A_15 = tpu.memref_slice %arg8[%mul3A_12, %dma_start3A] : memref<10000x16xf32, #tpu.memory_space<vmem_shared>> -> memref<625x16xf32, #tpu.memory_space<vmem_shared>>
      %dma_start3A_16 = arith.constant 0 : i32
      %dma_start3A_17 = tpu.memref_slice %arg8[%mul3A_12, %dma_start3A_16] : memref<10000x16xf32, #tpu.memory_space<vmem_shared>> -> memref<625x16xf32, #tpu.memory_space<vmem_shared>>
      tpu.enqueue_dma source(%dma_start3A_17 : memref<625x16xf32, #tpu.memory_space<vmem_shared>>) target(%arg7 : memref<625x16xf32, #tpu.memory_space<vmem>>) target_semaphore(%run_scoped3A : memref<!tpu.dma_semaphore, #tpu.memory_space<semaphore_mem>>)
      %dma_wait3A = arith.constant 0 : i32
      %dma_wait3A_18 = tpu.memref_slice %arg8[%mul3A_12, %dma_wait3A] : memref<10000x16xf32, #tpu.memory_space<vmem_shared>> -> memref<625x16xf32, #tpu.memory_space<vmem_shared>>
      %dma_wait3A_19 = arith.constant 0 : i32
      %dma_wait3A_20 = tpu.memref_slice %arg8[%mul3A_12, %dma_wait3A_19] : memref<10000x16xf32, #tpu.memory_space<vmem_shared>> -> memref<625x16xf32, #tpu.memory_space<vmem_shared>>
      tpu.wait_dma2 semaphore(%run_scoped3A : memref<!tpu.dma_semaphore, #tpu.memory_space<semaphore_mem>>) src(%dma_wait3A_20 : memref<625x16xf32, #tpu.memory_space<vmem_shared>>) dst(%arg7 : memref<625x16xf32, #tpu.memory_space<vmem>>)
      tpu.yield
    }) : () -> ()
    %mul3A_13 = arith.constant 625 : i32
    %mul3A_14 = arith.muli %arg1, %mul3A_13 : i32
    "tpu.region"() ({
      %run_scoped3A = tpu.sem_alloc : memref<!tpu.dma_semaphore, #tpu.memory_space<semaphore_mem>>
      %dma_start3A = arith.constant 0 : i32
      %dma_start3A_15 = tpu.memref_slice %arg4[%arg0, %mul3A_14, %dma_start3A] : memref<2x10000x16xf32, #tpu.memory_space<hbm>> -> memref<1x625x16xf32, #tpu.memory_space<hbm>>
      %dma_start3A_16 = tpu.memref_squeeze %dma_start3A_15 : memref<1x625x16xf32, #tpu.memory_space<hbm>> -> memref<625x16xf32, #tpu.memory_space<hbm>>
      %dma_start3A_17 = arith.constant 0 : i32
      %dma_start3A_18 = tpu.memref_slice %arg4[%arg0, %mul3A_14, %dma_start3A_17] : memref<2x10000x16xf32, #tpu.memory_space<hbm>> -> memref<1x625x16xf32, #tpu.memory_space<hbm>>
      %dma_start3A_19 = tpu.memref_squeeze %dma_start3A_18 : memref<1x625x16xf32, #tpu.memory_space<hbm>> -> memref<625x16xf32, #tpu.memory_space<hbm>>
      tpu.enqueue_dma source(%arg7 : memref<625x16xf32, #tpu.memory_space<vmem>>) target(%dma_start3A_19 : memref<625x16xf32, #tpu.memory_space<hbm>>) target_semaphore(%run_scoped3A : memref<!tpu.dma_semaphore, #tpu.memory_space<semaphore_mem>>)
      %dma_wait3A = arith.constant 0 : i32
      %dma_wait3A_20 = tpu.memref_slice %arg4[%arg0, %mul3A_14, %dma_wait3A] : memref<2x10000x16xf32, #tpu.memory_space<hbm>> -> memref<1x625x16xf32, #tpu.memory_space<hbm>>
      %dma_wait3A_21 = tpu.memref_squeeze %dma_wait3A_20 : memref<1x625x16xf32, #tpu.memory_space<hbm>> -> memref<625x16xf32, #tpu.memory_space<hbm>>
      %dma_wait3A_22 = arith.constant 0 : i32
      %dma_wait3A_23 = tpu.memref_slice %arg4[%arg0, %mul3A_14, %dma_wait3A_22] : memref<2x10000x16xf32, #tpu.memory_space<hbm>> -> memref<1x625x16xf32, #tpu.memory_space<hbm>>
      %dma_wait3A_24 = tpu.memref_squeeze %dma_wait3A_23 : memref<1x625x16xf32, #tpu.memory_space<hbm>> -> memref<625x16xf32, #tpu.memory_space<hbm>>
      tpu.wait_dma2 semaphore(%run_scoped3A : memref<!tpu.dma_semaphore, #tpu.memory_space<semaphore_mem>>) src(%arg7 : memref<625x16xf32, #tpu.memory_space<vmem>>) dst(%dma_wait3A_24 : memref<625x16xf32, #tpu.memory_space<hbm>>)
      tpu.yield
    }) : () -> ()
    return
  }
}

#map = affine_map<(d0, d1) -> (0, 0)>
#map1 = affine_map<(d0, d1) -> (0)>
#map2 = affine_map<(d0, d1) -> (0, 0, 0)>
module attributes {stable_mosaic.version = 14 : i64} {
  func.func @_sc_scatter_body(%arg0: i32, %arg1: i32, %arg2: memref<160000x16xf32, #tpu.memory_space<hbm>>, %arg3: memref<160000xi32, #tpu.memory_space<hbm>>, %arg4: memref<2x10000x16xf32, #tpu.memory_space<hbm>>, %arg5: memref<5000xi32, #tpu.memory_space<vmem>>, %arg6: memref<5000x16xf32, #tpu.memory_space<vmem>>, %arg7: memref<625x16xf32, #tpu.memory_space<vmem>>, %arg8: memref<10000x16xf32, #tpu.memory_space<vmem_shared>>) attributes {dimension_semantics = [#tpu.dimension_semantics<core_parallel>, #tpu.dimension_semantics<subcore_parallel>], iteration_bounds = array<i64: 2, 16>, scalar_prefetch = 0 : i64, scratch_operands = 4 : i64, tpu.core_type = #tpu.core_type<sc_vector_subcore>, window_params = [{transform_indices = #map}, {transform_indices = #map1}, {transform_indices = #map2}]} {
    %mul3A = arith.constant 2 : i32
    %mul3A_0 = arith.muli %arg1, %mul3A : i32
    %add3A = arith.addi %mul3A_0, %arg0 : i32
    %mul3A_1 = arith.constant 5000 : i32
    %mul3A_2 = arith.muli %add3A, %mul3A_1 : i32
    %scan3A = arith.constant 0 : i32
    %scan3A_3 = arith.constant 0 : i32
    %scan3A_4 = arith.constant 625 : i32
    %scan3A_5 = arith.addi %scan3A_3, %scan3A_4 : i32
    %scan3A_6 = arith.constant 1 : i32
    scf.for %scan3A_15 = %scan3A_3 to %scan3A_5 step %scan3A_6  : i32 {
      %broadcast_in_dim3A = arith.constant 0.000000e+00 : f32
      %broadcast_in_dim3A_16 = vector.broadcast %broadcast_in_dim3A : f32 to vector<16xf32>
      %swap3A = arith.index_cast %scan3A_15 : i32 to index
      %swap3A_17 = arith.constant 0 : index
      %swap3A_18 = tpu.vector_load %arg7[%swap3A, %swap3A_17] {strides = array<i32>} : memref<625x16xf32, #tpu.memory_space<vmem>>, vector<1x16xf32>,
      %swap3A_19 = vector.shape_cast %swap3A_18 : vector<1x16xf32> to vector<16xf32>
      %swap3A_20 = vector.shape_cast %broadcast_in_dim3A_16 : vector<16xf32> to vector<1x16xf32>
      tpu.vector_store %arg7[%swap3A, %swap3A_17], %swap3A_20 {strides = array<i32>} : memref<625x16xf32, #tpu.memory_space<vmem>>, vector<1x16xf32>,
    }
    %scan3A_7 = arith.constant 625 : i32
    %mul3A_8 = arith.constant 625 : i32
    %mul3A_9 = arith.muli %arg1, %mul3A_8 : i32
    "tpu.region"() ({
      %run_scoped3A = tpu.sem_alloc : memref<!tpu.dma_semaphore, #tpu.memory_space<semaphore_mem>>
      %dma_start3A = arith.constant 0 : i32
      %dma_start3A_15 = tpu.memref_slice %arg8[%mul3A_9, %dma_start3A] : memref<10000x16xf32, #tpu.memory_space<vmem_shared>> -> memref<625x16xf32, #tpu.memory_space<vmem_shared>>
      %dma_start3A_16 = arith.constant 0 : i32
      %dma_start3A_17 = tpu.memref_slice %arg8[%mul3A_9, %dma_start3A_16] : memref<10000x16xf32, #tpu.memory_space<vmem_shared>> -> memref<625x16xf32, #tpu.memory_space<vmem_shared>>
      tpu.enqueue_dma source(%arg7 : memref<625x16xf32, #tpu.memory_space<vmem>>) target(%dma_start3A_17 : memref<625x16xf32, #tpu.memory_space<vmem_shared>>) target_semaphore(%run_scoped3A : memref<!tpu.dma_semaphore, #tpu.memory_space<semaphore_mem>>)
      %dma_wait3A = arith.constant 0 : i32
      %dma_wait3A_18 = tpu.memref_slice %arg8[%mul3A_9, %dma_wait3A] : memref<10000x16xf32, #tpu.memory_space<vmem_shared>> -> memref<625x16xf32, #tpu.memory_space<vmem_shared>>
      %dma_wait3A_19 = arith.constant 0 : i32
      %dma_wait3A_20 = tpu.memref_slice %arg8[%mul3A_9, %dma_wait3A_19] : memref<10000x16xf32, #tpu.memory_space<vmem_shared>> -> memref<625x16xf32, #tpu.memory_space<vmem_shared>>
      tpu.wait_dma2 semaphore(%run_scoped3A : memref<!tpu.dma_semaphore, #tpu.memory_space<semaphore_mem>>) src(%arg7 : memref<625x16xf32, #tpu.memory_space<vmem>>) dst(%dma_wait3A_20 : memref<625x16xf32, #tpu.memory_space<vmem_shared>>)
      tpu.yield
    }) : () -> ()
    %barrier3A = arith.constant 0 : index
    tpu.barrier barrier_id(%barrier3A)
    "tpu.region"() ({
      %run_scoped3A = tpu.sem_alloc : memref<!tpu.dma_semaphore, #tpu.memory_space<semaphore_mem>>
      %dma_start3A = tpu.memref_slice %arg3[%mul3A_2] : memref<160000xi32, #tpu.memory_space<hbm>> -> memref<5000xi32, #tpu.memory_space<hbm>>
      %dma_start3A_15 = tpu.memref_slice %arg3[%mul3A_2] : memref<160000xi32, #tpu.memory_space<hbm>> -> memref<5000xi32, #tpu.memory_space<hbm>>
      tpu.enqueue_dma source(%dma_start3A_15 : memref<5000xi32, #tpu.memory_space<hbm>>) target(%arg5 : memref<5000xi32, #tpu.memory_space<vmem>>) target_semaphore(%run_scoped3A : memref<!tpu.dma_semaphore, #tpu.memory_space<semaphore_mem>>)
      %dma_wait3A = tpu.memref_slice %arg3[%mul3A_2] : memref<160000xi32, #tpu.memory_space<hbm>> -> memref<5000xi32, #tpu.memory_space<hbm>>
      %dma_wait3A_16 = tpu.memref_slice %arg3[%mul3A_2] : memref<160000xi32, #tpu.memory_space<hbm>> -> memref<5000xi32, #tpu.memory_space<hbm>>
      tpu.wait_dma2 semaphore(%run_scoped3A : memref<!tpu.dma_semaphore, #tpu.memory_space<semaphore_mem>>) src(%dma_wait3A_16 : memref<5000xi32, #tpu.memory_space<hbm>>) dst(%arg5 : memref<5000xi32, #tpu.memory_space<vmem>>)
      tpu.yield
    }) : () -> ()
    "tpu.region"() ({
      %run_scoped3A = tpu.sem_alloc : memref<!tpu.dma_semaphore, #tpu.memory_space<semaphore_mem>>
      %dma_start3A = arith.constant 0 : i32
      %dma_start3A_15 = tpu.memref_slice %arg2[%mul3A_2, %dma_start3A] : memref<160000x16xf32, #tpu.memory_space<hbm>> -> memref<5000x16xf32, #tpu.memory_space<hbm>>
      %dma_start3A_16 = arith.constant 0 : i32
      %dma_start3A_17 = tpu.memref_slice %arg2[%mul3A_2, %dma_start3A_16] : memref<160000x16xf32, #tpu.memory_space<hbm>> -> memref<5000x16xf32, #tpu.memory_space<hbm>>
      tpu.enqueue_dma source(%dma_start3A_17 : memref<5000x16xf32, #tpu.memory_space<hbm>>) target(%arg6 : memref<5000x16xf32, #tpu.memory_space<vmem>>) target_semaphore(%run_scoped3A : memref<!tpu.dma_semaphore, #tpu.memory_space<semaphore_mem>>)
      %dma_wait3A = arith.constant 0 : i32
      %dma_wait3A_18 = tpu.memref_slice %arg2[%mul3A_2, %dma_wait3A] : memref<160000x16xf32, #tpu.memory_space<hbm>> -> memref<5000x16xf32, #tpu.memory_space<hbm>>
      %dma_wait3A_19 = arith.constant 0 : i32
      %dma_wait3A_20 = tpu.memref_slice %arg2[%mul3A_2, %dma_wait3A_19] : memref<160000x16xf32, #tpu.memory_space<hbm>> -> memref<5000x16xf32, #tpu.memory_space<hbm>>
      tpu.wait_dma2 semaphore(%run_scoped3A : memref<!tpu.dma_semaphore, #tpu.memory_space<semaphore_mem>>) src(%dma_wait3A_20 : memref<5000x16xf32, #tpu.memory_space<hbm>>) dst(%arg6 : memref<5000x16xf32, #tpu.memory_space<vmem>>)
      tpu.yield
    }) : () -> ()
    "tpu.region"() ({
      %run_scoped3A = tpu.sem_alloc : memref<!tpu.dma_semaphore, #tpu.memory_space<semaphore_mem>>
      %dma_start3A = arith.constant 0 : i32
      %dma_start3A_15 = arith.constant 0 : i32
      %dma_start3A_16 = tpu.memref_slice %arg8[%dma_start3A, %dma_start3A_15] : memref<10000x16xf32, #tpu.memory_space<vmem_shared>> -> memref<10000x16xf32, #tpu.memory_space<vmem_shared>>
      tpu.enqueue_indirect_dma source(%arg6 : memref<5000x16xf32, #tpu.memory_space<vmem>>) target(%dma_start3A_16 : memref<10000x16xf32, #tpu.memory_space<vmem_shared>>) offsets(%arg5 : memref<5000xi32, #tpu.memory_space<vmem>>) semaphore(%run_scoped3A : memref<!tpu.dma_semaphore, #tpu.memory_space<semaphore_mem>>) {add = true}
      %dma_wait3A = arith.constant 0 : i32
      %dma_wait3A_17 = arith.constant 0 : i32
      %dma_wait3A_18 = tpu.memref_slice %arg8[%dma_wait3A, %dma_wait3A_17] : memref<10000x16xf32, #tpu.memory_space<vmem_shared>> -> memref<10000x16xf32, #tpu.memory_space<vmem_shared>>
      tpu.wait_indirect_dma semaphore(%run_scoped3A : memref<!tpu.dma_semaphore, #tpu.memory_space<semaphore_mem>>) src(%arg6 : memref<5000x16xf32, #tpu.memory_space<vmem>>) dst(%dma_wait3A_18 : memref<10000x16xf32, #tpu.memory_space<vmem_shared>>)
      tpu.yield
    }) : () -> ()
    %barrier3A_10 = arith.constant 0 : index
    tpu.barrier barrier_id(%barrier3A_10)
    %mul3A_11 = arith.constant 625 : i32
    %mul3A_12 = arith.muli %arg1, %mul3A_11 : i32
    "tpu.region"() ({
      %run_scoped3A = tpu.sem_alloc : memref<!tpu.dma_semaphore, #tpu.memory_space<semaphore_mem>>
      %dma_start3A = arith.constant 0 : i32
      %dma_start3A_15 = tpu.memref_slice %arg8[%mul3A_12, %dma_start3A] : memref<10000x16xf32, #tpu.memory_space<vmem_shared>> -> memref<625x16xf32, #tpu.memory_space<vmem_shared>>
      %dma_start3A_16 = arith.constant 0 : i32
      %dma_start3A_17 = tpu.memref_slice %arg8[%mul3A_12, %dma_start3A_16] : memref<10000x16xf32, #tpu.memory_space<vmem_shared>> -> memref<625x16xf32, #tpu.memory_space<vmem_shared>>
      tpu.enqueue_dma source(%dma_start3A_17 : memref<625x16xf32, #tpu.memory_space<vmem_shared>>) target(%arg7 : memref<625x16xf32, #tpu.memory_space<vmem>>) target_semaphore(%run_scoped3A : memref<!tpu.dma_semaphore, #tpu.memory_space<semaphore_mem>>)
      %dma_wait3A = arith.constant 0 : i32
      %dma_wait3A_18 = tpu.memref_slice %arg8[%mul3A_12, %dma_wait3A] : memref<10000x16xf32, #tpu.memory_space<vmem_shared>> -> memref<625x16xf32, #tpu.memory_space<vmem_shared>>
      %dma_wait3A_19 = arith.constant 0 : i32
      %dma_wait3A_20 = tpu.memref_slice %arg8[%mul3A_12, %dma_wait3A_19] : memref<10000x16xf32, #tpu.memory_space<vmem_shared>> -> memref<625x16xf32, #tpu.memory_space<vmem_shared>>
      tpu.wait_dma2 semaphore(%run_scoped3A : memref<!tpu.dma_semaphore, #tpu.memory_space<semaphore_mem>>) src(%dma_wait3A_20 : memref<625x16xf32, #tpu.memory_space<vmem_shared>>) dst(%arg7 : memref<625x16xf32, #tpu.memory_space<vmem>>)
      tpu.yield
    }) : () -> ()
    %mul3A_13 = arith.constant 625 : i32
    %mul3A_14 = arith.muli %arg1, %mul3A_13 : i32
    "tpu.region"() ({
      %run_scoped3A = tpu.sem_alloc : memref<!tpu.dma_semaphore, #tpu.memory_space<semaphore_mem>>
      %dma_start3A = arith.constant 0 : i32
      %dma_start3A_15 = tpu.memref_slice %arg4[%arg0, %mul3A_14, %dma_start3A] : memref<2x10000x16xf32, #tpu.memory_space<hbm>> -> memref<1x625x16xf32, #tpu.memory_space<hbm>>
      %dma_start3A_16 = tpu.memref_squeeze %dma_start3A_15 : memref<1x625x16xf32, #tpu.memory_space<hbm>> -> memref<625x16xf32, #tpu.memory_space<hbm>>
      %dma_start3A_17 = arith.constant 0 : i32
      %dma_start3A_18 = tpu.memref_slice %arg4[%arg0, %mul3A_14, %dma_start3A_17] : memref<2x10000x16xf32, #tpu.memory_space<hbm>> -> memref<1x625x16xf32, #tpu.memory_space<hbm>>
      %dma_start3A_19 = tpu.memref_squeeze %dma_start3A_18 : memref<1x625x16xf32, #tpu.memory_space<hbm>> -> memref<625x16xf32, #tpu.memory_space<hbm>>
      tpu.enqueue_dma source(%arg7 : memref<625x16xf32, #tpu.memory_space<vmem>>) target(%dma_start3A_19 : memref<625x16xf32, #tpu.memory_space<hbm>>) target_semaphore(%run_scoped3A : memref<!tpu.dma_semaphore, #tpu.memory_space<semaphore_mem>>)
      %dma_wait3A = arith.constant 0 : i32
      %dma_wait3A_20 = tpu.memref_slice %arg4[%arg0, %mul3A_14, %dma_wait3A] : memref<2x10000x16xf32, #tpu.memory_space<hbm>> -> memref<1x625x16xf32, #tpu.memory_space<hbm>>
      %dma_wait3A_21 = tpu.memref_squeeze %dma_wait3A_20 : memref<1x625x16xf32, #tpu.memory_space<hbm>> -> memref<625x16xf32, #tpu.memory_space<hbm>>
      %dma_wait3A_22 = arith.constant 0 : i32
      %dma_wait3A_23 = tpu.memref_slice %arg4[%arg0, %mul3A_14, %dma_wait3A_22] : memref<2x10000x16xf32, #tpu.memory_space<hbm>> -> memref<1x625x16xf32, #tpu.memory_space<hbm>>
      %dma_wait3A_24 = tpu.memref_squeeze %dma_wait3A_23 : memref<1x625x16xf32, #tpu.memory_space<hbm>> -> memref<625x16xf32, #tpu.memory_space<hbm>>
      tpu.wait_dma2 semaphore(%run_scoped3A : memref<!tpu.dma_semaphore, #tpu.memory_space<semaphore_mem>>) src(%arg7 : memref<625x16xf32, #tpu.memory_space<vmem>>) dst(%dma_wait3A_24 : memref<625x16xf32, #tpu.memory_space<hbm>>)
      tpu.yield
    }) : () -> ()
    return
  }
}

#map = affine_map<(d0, d1) -> (0, 0)>
#map1 = affine_map<(d0, d1) -> (0)>
module attributes {stable_mosaic.version = 14 : i64} {
  func.func @_sc_gather_body(%arg0: i32, %arg1: i32, %arg2: memref<10000x16xf32, #tpu.memory_space<hbm>>, %arg3: memref<160000xi32, #tpu.memory_space<hbm>>, %arg4: memref<160000x16xf32, #tpu.memory_space<hbm>>, %arg5: memref<5000xi32, #tpu.memory_space<vmem>>, %arg6: memref<5000x16xf32, #tpu.memory_space<vmem>>, %arg7: memref<!tpu.dma_semaphore, #tpu.memory_space<semaphore_mem>>) attributes {dimension_semantics = [#tpu.dimension_semantics<core_parallel>, #tpu.dimension_semantics<subcore_parallel>], iteration_bounds = array<i64: 2, 16>, scalar_prefetch = 0 : i64, scratch_operands = 3 : i64, tpu.core_type = #tpu.core_type<sc_vector_subcore>, window_params = [{transform_indices = #map}, {transform_indices = #map1}, {transform_indices = #map}]} {
    %mul3A = arith.constant 2 : i32
    %mul3A_0 = arith.muli %arg1, %mul3A : i32
    %add3A = arith.addi %mul3A_0, %arg0 : i32
    %mul3A_1 = arith.constant 5000 : i32
    %mul3A_2 = arith.muli %add3A, %mul3A_1 : i32
    "tpu.region"() ({
      %run_scoped3A = tpu.sem_alloc : memref<!tpu.dma_semaphore, #tpu.memory_space<semaphore_mem>>
      %dma_start3A_7 = tpu.memref_slice %arg3[%mul3A_2] : memref<160000xi32, #tpu.memory_space<hbm>> -> memref<5000xi32, #tpu.memory_space<hbm>>
      %dma_start3A_8 = tpu.memref_slice %arg3[%mul3A_2] : memref<160000xi32, #tpu.memory_space<hbm>> -> memref<5000xi32, #tpu.memory_space<hbm>>
      tpu.enqueue_dma source(%dma_start3A_8 : memref<5000xi32, #tpu.memory_space<hbm>>) target(%arg5 : memref<5000xi32, #tpu.memory_space<vmem>>) target_semaphore(%run_scoped3A : memref<!tpu.dma_semaphore, #tpu.memory_space<semaphore_mem>>)
      %dma_wait3A_9 = tpu.memref_slice %arg3[%mul3A_2] : memref<160000xi32, #tpu.memory_space<hbm>> -> memref<5000xi32, #tpu.memory_space<hbm>>
      %dma_wait3A_10 = tpu.memref_slice %arg3[%mul3A_2] : memref<160000xi32, #tpu.memory_space<hbm>> -> memref<5000xi32, #tpu.memory_space<hbm>>
      tpu.wait_dma2 semaphore(%run_scoped3A : memref<!tpu.dma_semaphore, #tpu.memory_space<semaphore_mem>>) src(%dma_wait3A_10 : memref<5000xi32, #tpu.memory_space<hbm>>) dst(%arg5 : memref<5000xi32, #tpu.memory_space<vmem>>)
      tpu.yield
    }) : () -> ()
    %dma_start3A = arith.constant 0 : i32
    %dma_start3A_3 = arith.constant 0 : i32
    %dma_start3A_4 = tpu.memref_slice %arg2[%dma_start3A, %dma_start3A_3] : memref<10000x16xf32, #tpu.memory_space<hbm>> -> memref<10000x16xf32, #tpu.memory_space<hbm>>
    tpu.enqueue_indirect_dma source(%dma_start3A_4 : memref<10000x16xf32, #tpu.memory_space<hbm>>) target(%arg6 : memref<5000x16xf32, #tpu.memory_space<vmem>>) offsets(%arg5 : memref<5000xi32, #tpu.memory_space<vmem>>) semaphore(%arg7 : memref<!tpu.dma_semaphore, #tpu.memory_space<semaphore_mem>>)
    %dma_wait3A = arith.constant 0 : i32
    %dma_wait3A_5 = arith.constant 0 : i32
    %dma_wait3A_6 = tpu.memref_slice %arg2[%dma_wait3A, %dma_wait3A_5] : memref<10000x16xf32, #tpu.memory_space<hbm>> -> memref<10000x16xf32, #tpu.memory_space<hbm>>
    tpu.wait_indirect_dma semaphore(%arg7 : memref<!tpu.dma_semaphore, #tpu.memory_space<semaphore_mem>>) src(%dma_wait3A_6 : memref<10000x16xf32, #tpu.memory_space<hbm>>) dst(%arg6 : memref<5000x16xf32, #tpu.memory_space<vmem>>)
    "tpu.region"() ({
      %run_scoped3A = tpu.sem_alloc : memref<!tpu.dma_semaphore, #tpu.memory_space<semaphore_mem>>
      %dma_start3A_7 = arith.constant 0 : i32
      %dma_start3A_8 = tpu.memref_slice %arg4[%mul3A_2, %dma_start3A_7] : memref<160000x16xf32, #tpu.memory_space<hbm>> -> memref<5000x16xf32, #tpu.memory_space<hbm>>
      %dma_start3A_9 = arith.constant 0 : i32
      %dma_start3A_10 = tpu.memref_slice %arg4[%mul3A_2, %dma_start3A_9] : memref<160000x16xf32, #tpu.memory_space<hbm>> -> memref<5000x16xf32, #tpu.memory_space<hbm>>
      tpu.enqueue_dma source(%arg6 : memref<5000x16xf32, #tpu.memory_space<vmem>>) target(%dma_start3A_10 : memref<5000x16xf32, #tpu.memory_space<hbm>>) target_semaphore(%run_scoped3A : memref<!tpu.dma_semaphore, #tpu.memory_space<semaphore_mem>>)
      %dma_wait3A_11 = arith.constant 0 : i32
      %dma_wait3A_12 = tpu.memref_slice %arg4[%mul3A_2, %dma_wait3A_11] : memref<160000x16xf32, #tpu.memory_space<hbm>> -> memref<5000x16xf32, #tpu.memory_space<hbm>>
      %dma_wait3A_13 = arith.constant 0 : i32
      %dma_wait3A_14 = tpu.memref_slice %arg4[%mul3A_2, %dma_wait3A_13] : memref<160000x16xf32, #tpu.memory_space<hbm>> -> memref<5000x16xf32, #tpu.memory_space<hbm>>
      tpu.wait_dma2 semaphore(%run_scoped3A : memref<!tpu.dma_semaphore, #tpu.memory_space<semaphore_mem>>) src(%arg6 : memref<5000x16xf32, #tpu.memory_space<vmem>>) dst(%dma_wait3A_14 : memref<5000x16xf32, #tpu.memory_space<hbm>>)
      tpu.yield
    }) : () -> ()
    return
  }
}

#map = affine_map<(d0, d1) -> (0, 0)>
#map1 = affine_map<(d0, d1) -> (0)>
module attributes {stable_mosaic.version = 14 : i64} {
  func.func @_sc_gather_body(%arg0: i32, %arg1: i32, %arg2: memref<10000x16xf32, #tpu.memory_space<hbm>>, %arg3: memref<160000xi32, #tpu.memory_space<hbm>>, %arg4: memref<160000x16xf32, #tpu.memory_space<hbm>>, %arg5: memref<5000xi32, #tpu.memory_space<vmem>>, %arg6: memref<5000x16xf32, #tpu.memory_space<vmem>>, %arg7: memref<!tpu.dma_semaphore, #tpu.memory_space<semaphore_mem>>) attributes {dimension_semantics = [#tpu.dimension_semantics<core_parallel>, #tpu.dimension_semantics<subcore_parallel>], iteration_bounds = array<i64: 2, 16>, scalar_prefetch = 0 : i64, scratch_operands = 3 : i64, tpu.core_type = #tpu.core_type<sc_vector_subcore>, window_params = [{transform_indices = #map}, {transform_indices = #map1}, {transform_indices = #map}]} {
    %mul3A = arith.constant 2 : i32
    %mul3A_0 = arith.muli %arg1, %mul3A : i32
    %add3A = arith.addi %mul3A_0, %arg0 : i32
    %mul3A_1 = arith.constant 5000 : i32
    %mul3A_2 = arith.muli %add3A, %mul3A_1 : i32
    "tpu.region"() ({
      %run_scoped3A = tpu.sem_alloc : memref<!tpu.dma_semaphore, #tpu.memory_space<semaphore_mem>>
      %dma_start3A_7 = tpu.memref_slice %arg3[%mul3A_2] : memref<160000xi32, #tpu.memory_space<hbm>> -> memref<5000xi32, #tpu.memory_space<hbm>>
      %dma_start3A_8 = tpu.memref_slice %arg3[%mul3A_2] : memref<160000xi32, #tpu.memory_space<hbm>> -> memref<5000xi32, #tpu.memory_space<hbm>>
      tpu.enqueue_dma source(%dma_start3A_8 : memref<5000xi32, #tpu.memory_space<hbm>>) target(%arg5 : memref<5000xi32, #tpu.memory_space<vmem>>) target_semaphore(%run_scoped3A : memref<!tpu.dma_semaphore, #tpu.memory_space<semaphore_mem>>)
      %dma_wait3A_9 = tpu.memref_slice %arg3[%mul3A_2] : memref<160000xi32, #tpu.memory_space<hbm>> -> memref<5000xi32, #tpu.memory_space<hbm>>
      %dma_wait3A_10 = tpu.memref_slice %arg3[%mul3A_2] : memref<160000xi32, #tpu.memory_space<hbm>> -> memref<5000xi32, #tpu.memory_space<hbm>>
      tpu.wait_dma2 semaphore(%run_scoped3A : memref<!tpu.dma_semaphore, #tpu.memory_space<semaphore_mem>>) src(%dma_wait3A_10 : memref<5000xi32, #tpu.memory_space<hbm>>) dst(%arg5 : memref<5000xi32, #tpu.memory_space<vmem>>)
      tpu.yield
    }) : () -> ()
    %dma_start3A = arith.constant 0 : i32
    %dma_start3A_3 = arith.constant 0 : i32
    %dma_start3A_4 = tpu.memref_slice %arg2[%dma_start3A, %dma_start3A_3] : memref<10000x16xf32, #tpu.memory_space<hbm>> -> memref<10000x16xf32, #tpu.memory_space<hbm>>
    tpu.enqueue_indirect_dma source(%dma_start3A_4 : memref<10000x16xf32, #tpu.memory_space<hbm>>) target(%arg6 : memref<5000x16xf32, #tpu.memory_space<vmem>>) offsets(%arg5 : memref<5000xi32, #tpu.memory_space<vmem>>) semaphore(%arg7 : memref<!tpu.dma_semaphore, #tpu.memory_space<semaphore_mem>>)
    %dma_wait3A = arith.constant 0 : i32
    %dma_wait3A_5 = arith.constant 0 : i32
    %dma_wait3A_6 = tpu.memref_slice %arg2[%dma_wait3A, %dma_wait3A_5] : memref<10000x16xf32, #tpu.memory_space<hbm>> -> memref<10000x16xf32, #tpu.memory_space<hbm>>
    tpu.wait_indirect_dma semaphore(%arg7 : memref<!tpu.dma_semaphore, #tpu.memory_space<semaphore_mem>>) src(%dma_wait3A_6 : memref<10000x16xf32, #tpu.memory_space<hbm>>) dst(%arg6 : memref<5000x16xf32, #tpu.memory_space<vmem>>)
    "tpu.region"() ({
      %run_scoped3A = tpu.sem_alloc : memref<!tpu.dma_semaphore, #tpu.memory_space<semaphore_mem>>
      %dma_start3A_7 = arith.constant 0 : i32
      %dma_start3A_8 = tpu.memref_slice %arg4[%mul3A_2, %dma_start3A_7] : memref<160000x16xf32, #tpu.memory_space<hbm>> -> memref<5000x16xf32, #tpu.memory_space<hbm>>
      %dma_start3A_9 = arith.constant 0 : i32
      %dma_start3A_10 = tpu.memref_slice %arg4[%mul3A_2, %dma_start3A_9] : memref<160000x16xf32, #tpu.memory_space<hbm>> -> memref<5000x16xf32, #tpu.memory_space<hbm>>
      tpu.enqueue_dma source(%arg6 : memref<5000x16xf32, #tpu.memory_space<vmem>>) target(%dma_start3A_10 : memref<5000x16xf32, #tpu.memory_space<hbm>>) target_semaphore(%run_scoped3A : memref<!tpu.dma_semaphore, #tpu.memory_space<semaphore_mem>>)
      %dma_wait3A_11 = arith.constant 0 : i32
      %dma_wait3A_12 = tpu.memref_slice %arg4[%mul3A_2, %dma_wait3A_11] : memref<160000x16xf32, #tpu.memory_space<hbm>> -> memref<5000x16xf32, #tpu.memory_space<hbm>>
      %dma_wait3A_13 = arith.constant 0 : i32
      %dma_wait3A_14 = tpu.memref_slice %arg4[%mul3A_2, %dma_wait3A_13] : memref<160000x16xf32, #tpu.memory_space<hbm>> -> memref<5000x16xf32, #tpu.memory_space<hbm>>
      tpu.wait_dma2 semaphore(%run_scoped3A : memref<!tpu.dma_semaphore, #tpu.memory_space<semaphore_mem>>) src(%arg6 : memref<5000x16xf32, #tpu.memory_space<vmem>>) dst(%dma_wait3A_14 : memref<5000x16xf32, #tpu.memory_space<hbm>>)
      tpu.yield
    }) : () -> ()
    return
  }
}

#map = affine_map<(d0, d1) -> (0, 0)>
#map1 = affine_map<(d0, d1) -> (0)>
module attributes {stable_mosaic.version = 14 : i64} {
  func.func @_sc_gather_body(%arg0: i32, %arg1: i32, %arg2: memref<10000x16xf32, #tpu.memory_space<hbm>>, %arg3: memref<160000xi32, #tpu.memory_space<hbm>>, %arg4: memref<160000x16xf32, #tpu.memory_space<hbm>>, %arg5: memref<5000xi32, #tpu.memory_space<vmem>>, %arg6: memref<5000x16xf32, #tpu.memory_space<vmem>>, %arg7: memref<!tpu.dma_semaphore, #tpu.memory_space<semaphore_mem>>) attributes {dimension_semantics = [#tpu.dimension_semantics<core_parallel>, #tpu.dimension_semantics<subcore_parallel>], iteration_bounds = array<i64: 2, 16>, scalar_prefetch = 0 : i64, scratch_operands = 3 : i64, tpu.core_type = #tpu.core_type<sc_vector_subcore>, window_params = [{transform_indices = #map}, {transform_indices = #map1}, {transform_indices = #map}]} {
    %mul3A = arith.constant 2 : i32
    %mul3A_0 = arith.muli %arg1, %mul3A : i32
    %add3A = arith.addi %mul3A_0, %arg0 : i32
    %mul3A_1 = arith.constant 5000 : i32
    %mul3A_2 = arith.muli %add3A, %mul3A_1 : i32
    "tpu.region"() ({
      %run_scoped3A = tpu.sem_alloc : memref<!tpu.dma_semaphore, #tpu.memory_space<semaphore_mem>>
      %dma_start3A_7 = tpu.memref_slice %arg3[%mul3A_2] : memref<160000xi32, #tpu.memory_space<hbm>> -> memref<5000xi32, #tpu.memory_space<hbm>>
      %dma_start3A_8 = tpu.memref_slice %arg3[%mul3A_2] : memref<160000xi32, #tpu.memory_space<hbm>> -> memref<5000xi32, #tpu.memory_space<hbm>>
      tpu.enqueue_dma source(%dma_start3A_8 : memref<5000xi32, #tpu.memory_space<hbm>>) target(%arg5 : memref<5000xi32, #tpu.memory_space<vmem>>) target_semaphore(%run_scoped3A : memref<!tpu.dma_semaphore, #tpu.memory_space<semaphore_mem>>)
      %dma_wait3A_9 = tpu.memref_slice %arg3[%mul3A_2] : memref<160000xi32, #tpu.memory_space<hbm>> -> memref<5000xi32, #tpu.memory_space<hbm>>
      %dma_wait3A_10 = tpu.memref_slice %arg3[%mul3A_2] : memref<160000xi32, #tpu.memory_space<hbm>> -> memref<5000xi32, #tpu.memory_space<hbm>>
      tpu.wait_dma2 semaphore(%run_scoped3A : memref<!tpu.dma_semaphore, #tpu.memory_space<semaphore_mem>>) src(%dma_wait3A_10 : memref<5000xi32, #tpu.memory_space<hbm>>) dst(%arg5 : memref<5000xi32, #tpu.memory_space<vmem>>)
      tpu.yield
    }) : () -> ()
    %dma_start3A = arith.constant 0 : i32
    %dma_start3A_3 = arith.constant 0 : i32
    %dma_start3A_4 = tpu.memref_slice %arg2[%dma_start3A, %dma_start3A_3] : memref<10000x16xf32, #tpu.memory_space<hbm>> -> memref<10000x16xf32, #tpu.memory_space<hbm>>
    tpu.enqueue_indirect_dma source(%dma_start3A_4 : memref<10000x16xf32, #tpu.memory_space<hbm>>) target(%arg6 : memref<5000x16xf32, #tpu.memory_space<vmem>>) offsets(%arg5 : memref<5000xi32, #tpu.memory_space<vmem>>) semaphore(%arg7 : memref<!tpu.dma_semaphore, #tpu.memory_space<semaphore_mem>>)
    %dma_wait3A = arith.constant 0 : i32
    %dma_wait3A_5 = arith.constant 0 : i32
    %dma_wait3A_6 = tpu.memref_slice %arg2[%dma_wait3A, %dma_wait3A_5] : memref<10000x16xf32, #tpu.memory_space<hbm>> -> memref<10000x16xf32, #tpu.memory_space<hbm>>
    tpu.wait_indirect_dma semaphore(%arg7 : memref<!tpu.dma_semaphore, #tpu.memory_space<semaphore_mem>>) src(%dma_wait3A_6 : memref<10000x16xf32, #tpu.memory_space<hbm>>) dst(%arg6 : memref<5000x16xf32, #tpu.memory_space<vmem>>)
    "tpu.region"() ({
      %run_scoped3A = tpu.sem_alloc : memref<!tpu.dma_semaphore, #tpu.memory_space<semaphore_mem>>
      %dma_start3A_7 = arith.constant 0 : i32
      %dma_start3A_8 = tpu.memref_slice %arg4[%mul3A_2, %dma_start3A_7] : memref<160000x16xf32, #tpu.memory_space<hbm>> -> memref<5000x16xf32, #tpu.memory_space<hbm>>
      %dma_start3A_9 = arith.constant 0 : i32
      %dma_start3A_10 = tpu.memref_slice %arg4[%mul3A_2, %dma_start3A_9] : memref<160000x16xf32, #tpu.memory_space<hbm>> -> memref<5000x16xf32, #tpu.memory_space<hbm>>
      tpu.enqueue_dma source(%arg6 : memref<5000x16xf32, #tpu.memory_space<vmem>>) target(%dma_start3A_10 : memref<5000x16xf32, #tpu.memory_space<hbm>>) target_semaphore(%run_scoped3A : memref<!tpu.dma_semaphore, #tpu.memory_space<semaphore_mem>>)
      %dma_wait3A_11 = arith.constant 0 : i32
      %dma_wait3A_12 = tpu.memref_slice %arg4[%mul3A_2, %dma_wait3A_11] : memref<160000x16xf32, #tpu.memory_space<hbm>> -> memref<5000x16xf32, #tpu.memory_space<hbm>>
      %dma_wait3A_13 = arith.constant 0 : i32
      %dma_wait3A_14 = tpu.memref_slice %arg4[%mul3A_2, %dma_wait3A_13] : memref<160000x16xf32, #tpu.memory_space<hbm>> -> memref<5000x16xf32, #tpu.memory_space<hbm>>
      tpu.wait_dma2 semaphore(%run_scoped3A : memref<!tpu.dma_semaphore, #tpu.memory_space<semaphore_mem>>) src(%arg6 : memref<5000x16xf32, #tpu.memory_space<vmem>>) dst(%dma_wait3A_14 : memref<5000x16xf32, #tpu.memory_space<hbm>>)
      tpu.yield
    }) : () -> ()
    return
  }
}

#map = affine_map<(d0, d1) -> (0, 0)>
#map1 = affine_map<(d0, d1) -> (0)>
#map2 = affine_map<(d0, d1) -> (0, 0, 0)>
module attributes {stable_mosaic.version = 14 : i64} {
  func.func @_sc_scatter_body(%arg0: i32, %arg1: i32, %arg2: memref<160000x16xf32, #tpu.memory_space<hbm>>, %arg3: memref<160000xi32, #tpu.memory_space<hbm>>, %arg4: memref<2x10000x16xf32, #tpu.memory_space<hbm>>, %arg5: memref<5000xi32, #tpu.memory_space<vmem>>, %arg6: memref<5000x16xf32, #tpu.memory_space<vmem>>, %arg7: memref<625x16xf32, #tpu.memory_space<vmem>>, %arg8: memref<10000x16xf32, #tpu.memory_space<vmem_shared>>) attributes {dimension_semantics = [#tpu.dimension_semantics<core_parallel>, #tpu.dimension_semantics<subcore_parallel>], iteration_bounds = array<i64: 2, 16>, scalar_prefetch = 0 : i64, scratch_operands = 4 : i64, tpu.core_type = #tpu.core_type<sc_vector_subcore>, window_params = [{transform_indices = #map}, {transform_indices = #map1}, {transform_indices = #map2}]} {
    %mul3A = arith.constant 2 : i32
    %mul3A_0 = arith.muli %arg1, %mul3A : i32
    %add3A = arith.addi %mul3A_0, %arg0 : i32
    %mul3A_1 = arith.constant 5000 : i32
    %mul3A_2 = arith.muli %add3A, %mul3A_1 : i32
    %scan3A = arith.constant 0 : i32
    %scan3A_3 = arith.constant 0 : i32
    %scan3A_4 = arith.constant 625 : i32
    %scan3A_5 = arith.addi %scan3A_3, %scan3A_4 : i32
    %scan3A_6 = arith.constant 1 : i32
    scf.for %scan3A_15 = %scan3A_3 to %scan3A_5 step %scan3A_6  : i32 {
      %broadcast_in_dim3A = arith.constant 0.000000e+00 : f32
      %broadcast_in_dim3A_16 = vector.broadcast %broadcast_in_dim3A : f32 to vector<16xf32>
      %swap3A = arith.index_cast %scan3A_15 : i32 to index
      %swap3A_17 = arith.constant 0 : index
      %swap3A_18 = tpu.vector_load %arg7[%swap3A, %swap3A_17] {strides = array<i32>} : memref<625x16xf32, #tpu.memory_space<vmem>>, vector<1x16xf32>,
      %swap3A_19 = vector.shape_cast %swap3A_18 : vector<1x16xf32> to vector<16xf32>
      %swap3A_20 = vector.shape_cast %broadcast_in_dim3A_16 : vector<16xf32> to vector<1x16xf32>
      tpu.vector_store %arg7[%swap3A, %swap3A_17], %swap3A_20 {strides = array<i32>} : memref<625x16xf32, #tpu.memory_space<vmem>>, vector<1x16xf32>,
    }
    %scan3A_7 = arith.constant 625 : i32
    %mul3A_8 = arith.constant 625 : i32
    %mul3A_9 = arith.muli %arg1, %mul3A_8 : i32
    "tpu.region"() ({
      %run_scoped3A = tpu.sem_alloc : memref<!tpu.dma_semaphore, #tpu.memory_space<semaphore_mem>>
      %dma_start3A = arith.constant 0 : i32
      %dma_start3A_15 = tpu.memref_slice %arg8[%mul3A_9, %dma_start3A] : memref<10000x16xf32, #tpu.memory_space<vmem_shared>> -> memref<625x16xf32, #tpu.memory_space<vmem_shared>>
      %dma_start3A_16 = arith.constant 0 : i32
      %dma_start3A_17 = tpu.memref_slice %arg8[%mul3A_9, %dma_start3A_16] : memref<10000x16xf32, #tpu.memory_space<vmem_shared>> -> memref<625x16xf32, #tpu.memory_space<vmem_shared>>
      tpu.enqueue_dma source(%arg7 : memref<625x16xf32, #tpu.memory_space<vmem>>) target(%dma_start3A_17 : memref<625x16xf32, #tpu.memory_space<vmem_shared>>) target_semaphore(%run_scoped3A : memref<!tpu.dma_semaphore, #tpu.memory_space<semaphore_mem>>)
      %dma_wait3A = arith.constant 0 : i32
      %dma_wait3A_18 = tpu.memref_slice %arg8[%mul3A_9, %dma_wait3A] : memref<10000x16xf32, #tpu.memory_space<vmem_shared>> -> memref<625x16xf32, #tpu.memory_space<vmem_shared>>
      %dma_wait3A_19 = arith.constant 0 : i32
      %dma_wait3A_20 = tpu.memref_slice %arg8[%mul3A_9, %dma_wait3A_19] : memref<10000x16xf32, #tpu.memory_space<vmem_shared>> -> memref<625x16xf32, #tpu.memory_space<vmem_shared>>
      tpu.wait_dma2 semaphore(%run_scoped3A : memref<!tpu.dma_semaphore, #tpu.memory_space<semaphore_mem>>) src(%arg7 : memref<625x16xf32, #tpu.memory_space<vmem>>) dst(%dma_wait3A_20 : memref<625x16xf32, #tpu.memory_space<vmem_shared>>)
      tpu.yield
    }) : () -> ()
    %barrier3A = arith.constant 0 : index
    tpu.barrier barrier_id(%barrier3A)
    "tpu.region"() ({
      %run_scoped3A = tpu.sem_alloc : memref<!tpu.dma_semaphore, #tpu.memory_space<semaphore_mem>>
      %dma_start3A = tpu.memref_slice %arg3[%mul3A_2] : memref<160000xi32, #tpu.memory_space<hbm>> -> memref<5000xi32, #tpu.memory_space<hbm>>
      %dma_start3A_15 = tpu.memref_slice %arg3[%mul3A_2] : memref<160000xi32, #tpu.memory_space<hbm>> -> memref<5000xi32, #tpu.memory_space<hbm>>
      tpu.enqueue_dma source(%dma_start3A_15 : memref<5000xi32, #tpu.memory_space<hbm>>) target(%arg5 : memref<5000xi32, #tpu.memory_space<vmem>>) target_semaphore(%run_scoped3A : memref<!tpu.dma_semaphore, #tpu.memory_space<semaphore_mem>>)
      %dma_wait3A = tpu.memref_slice %arg3[%mul3A_2] : memref<160000xi32, #tpu.memory_space<hbm>> -> memref<5000xi32, #tpu.memory_space<hbm>>
      %dma_wait3A_16 = tpu.memref_slice %arg3[%mul3A_2] : memref<160000xi32, #tpu.memory_space<hbm>> -> memref<5000xi32, #tpu.memory_space<hbm>>
      tpu.wait_dma2 semaphore(%run_scoped3A : memref<!tpu.dma_semaphore, #tpu.memory_space<semaphore_mem>>) src(%dma_wait3A_16 : memref<5000xi32, #tpu.memory_space<hbm>>) dst(%arg5 : memref<5000xi32, #tpu.memory_space<vmem>>)
      tpu.yield
    }) : () -> ()
    "tpu.region"() ({
      %run_scoped3A = tpu.sem_alloc : memref<!tpu.dma_semaphore, #tpu.memory_space<semaphore_mem>>
      %dma_start3A = arith.constant 0 : i32
      %dma_start3A_15 = tpu.memref_slice %arg2[%mul3A_2, %dma_start3A] : memref<160000x16xf32, #tpu.memory_space<hbm>> -> memref<5000x16xf32, #tpu.memory_space<hbm>>
      %dma_start3A_16 = arith.constant 0 : i32
      %dma_start3A_17 = tpu.memref_slice %arg2[%mul3A_2, %dma_start3A_16] : memref<160000x16xf32, #tpu.memory_space<hbm>> -> memref<5000x16xf32, #tpu.memory_space<hbm>>
      tpu.enqueue_dma source(%dma_start3A_17 : memref<5000x16xf32, #tpu.memory_space<hbm>>) target(%arg6 : memref<5000x16xf32, #tpu.memory_space<vmem>>) target_semaphore(%run_scoped3A : memref<!tpu.dma_semaphore, #tpu.memory_space<semaphore_mem>>)
      %dma_wait3A = arith.constant 0 : i32
      %dma_wait3A_18 = tpu.memref_slice %arg2[%mul3A_2, %dma_wait3A] : memref<160000x16xf32, #tpu.memory_space<hbm>> -> memref<5000x16xf32, #tpu.memory_space<hbm>>
      %dma_wait3A_19 = arith.constant 0 : i32
      %dma_wait3A_20 = tpu.memref_slice %arg2[%mul3A_2, %dma_wait3A_19] : memref<160000x16xf32, #tpu.memory_space<hbm>> -> memref<5000x16xf32, #tpu.memory_space<hbm>>
      tpu.wait_dma2 semaphore(%run_scoped3A : memref<!tpu.dma_semaphore, #tpu.memory_space<semaphore_mem>>) src(%dma_wait3A_20 : memref<5000x16xf32, #tpu.memory_space<hbm>>) dst(%arg6 : memref<5000x16xf32, #tpu.memory_space<vmem>>)
      tpu.yield
    }) : () -> ()
    "tpu.region"() ({
      %run_scoped3A = tpu.sem_alloc : memref<!tpu.dma_semaphore, #tpu.memory_space<semaphore_mem>>
      %dma_start3A = arith.constant 0 : i32
      %dma_start3A_15 = arith.constant 0 : i32
      %dma_start3A_16 = tpu.memref_slice %arg8[%dma_start3A, %dma_start3A_15] : memref<10000x16xf32, #tpu.memory_space<vmem_shared>> -> memref<10000x16xf32, #tpu.memory_space<vmem_shared>>
      tpu.enqueue_indirect_dma source(%arg6 : memref<5000x16xf32, #tpu.memory_space<vmem>>) target(%dma_start3A_16 : memref<10000x16xf32, #tpu.memory_space<vmem_shared>>) offsets(%arg5 : memref<5000xi32, #tpu.memory_space<vmem>>) semaphore(%run_scoped3A : memref<!tpu.dma_semaphore, #tpu.memory_space<semaphore_mem>>) {add = true}
      %dma_wait3A = arith.constant 0 : i32
      %dma_wait3A_17 = arith.constant 0 : i32
      %dma_wait3A_18 = tpu.memref_slice %arg8[%dma_wait3A, %dma_wait3A_17] : memref<10000x16xf32, #tpu.memory_space<vmem_shared>> -> memref<10000x16xf32, #tpu.memory_space<vmem_shared>>
      tpu.wait_indirect_dma semaphore(%run_scoped3A : memref<!tpu.dma_semaphore, #tpu.memory_space<semaphore_mem>>) src(%arg6 : memref<5000x16xf32, #tpu.memory_space<vmem>>) dst(%dma_wait3A_18 : memref<10000x16xf32, #tpu.memory_space<vmem_shared>>)
      tpu.yield
    }) : () -> ()
    %barrier3A_10 = arith.constant 0 : index
    tpu.barrier barrier_id(%barrier3A_10)
    %mul3A_11 = arith.constant 625 : i32
    %mul3A_12 = arith.muli %arg1, %mul3A_11 : i32
    "tpu.region"() ({
      %run_scoped3A = tpu.sem_alloc : memref<!tpu.dma_semaphore, #tpu.memory_space<semaphore_mem>>
      %dma_start3A = arith.constant 0 : i32
      %dma_start3A_15 = tpu.memref_slice %arg8[%mul3A_12, %dma_start3A] : memref<10000x16xf32, #tpu.memory_space<vmem_shared>> -> memref<625x16xf32, #tpu.memory_space<vmem_shared>>
      %dma_start3A_16 = arith.constant 0 : i32
      %dma_start3A_17 = tpu.memref_slice %arg8[%mul3A_12, %dma_start3A_16] : memref<10000x16xf32, #tpu.memory_space<vmem_shared>> -> memref<625x16xf32, #tpu.memory_space<vmem_shared>>
      tpu.enqueue_dma source(%dma_start3A_17 : memref<625x16xf32, #tpu.memory_space<vmem_shared>>) target(%arg7 : memref<625x16xf32, #tpu.memory_space<vmem>>) target_semaphore(%run_scoped3A : memref<!tpu.dma_semaphore, #tpu.memory_space<semaphore_mem>>)
      %dma_wait3A = arith.constant 0 : i32
      %dma_wait3A_18 = tpu.memref_slice %arg8[%mul3A_12, %dma_wait3A] : memref<10000x16xf32, #tpu.memory_space<vmem_shared>> -> memref<625x16xf32, #tpu.memory_space<vmem_shared>>
      %dma_wait3A_19 = arith.constant 0 : i32
      %dma_wait3A_20 = tpu.memref_slice %arg8[%mul3A_12, %dma_wait3A_19] : memref<10000x16xf32, #tpu.memory_space<vmem_shared>> -> memref<625x16xf32, #tpu.memory_space<vmem_shared>>
      tpu.wait_dma2 semaphore(%run_scoped3A : memref<!tpu.dma_semaphore, #tpu.memory_space<semaphore_mem>>) src(%dma_wait3A_20 : memref<625x16xf32, #tpu.memory_space<vmem_shared>>) dst(%arg7 : memref<625x16xf32, #tpu.memory_space<vmem>>)
      tpu.yield
    }) : () -> ()
    %mul3A_13 = arith.constant 625 : i32
    %mul3A_14 = arith.muli %arg1, %mul3A_13 : i32
    "tpu.region"() ({
      %run_scoped3A = tpu.sem_alloc : memref<!tpu.dma_semaphore, #tpu.memory_space<semaphore_mem>>
      %dma_start3A = arith.constant 0 : i32
      %dma_start3A_15 = tpu.memref_slice %arg4[%arg0, %mul3A_14, %dma_start3A] : memref<2x10000x16xf32, #tpu.memory_space<hbm>> -> memref<1x625x16xf32, #tpu.memory_space<hbm>>
      %dma_start3A_16 = tpu.memref_squeeze %dma_start3A_15 : memref<1x625x16xf32, #tpu.memory_space<hbm>> -> memref<625x16xf32, #tpu.memory_space<hbm>>
      %dma_start3A_17 = arith.constant 0 : i32
      %dma_start3A_18 = tpu.memref_slice %arg4[%arg0, %mul3A_14, %dma_start3A_17] : memref<2x10000x16xf32, #tpu.memory_space<hbm>> -> memref<1x625x16xf32, #tpu.memory_space<hbm>>
      %dma_start3A_19 = tpu.memref_squeeze %dma_start3A_18 : memref<1x625x16xf32, #tpu.memory_space<hbm>> -> memref<625x16xf32, #tpu.memory_space<hbm>>
      tpu.enqueue_dma source(%arg7 : memref<625x16xf32, #tpu.memory_space<vmem>>) target(%dma_start3A_19 : memref<625x16xf32, #tpu.memory_space<hbm>>) target_semaphore(%run_scoped3A : memref<!tpu.dma_semaphore, #tpu.memory_space<semaphore_mem>>)
      %dma_wait3A = arith.constant 0 : i32
      %dma_wait3A_20 = tpu.memref_slice %arg4[%arg0, %mul3A_14, %dma_wait3A] : memref<2x10000x16xf32, #tpu.memory_space<hbm>> -> memref<1x625x16xf32, #tpu.memory_space<hbm>>
      %dma_wait3A_21 = tpu.memref_squeeze %dma_wait3A_20 : memref<1x625x16xf32, #tpu.memory_space<hbm>> -> memref<625x16xf32, #tpu.memory_space<hbm>>
      %dma_wait3A_22 = arith.constant 0 : i32
      %dma_wait3A_23 = tpu.memref_slice %arg4[%arg0, %mul3A_14, %dma_wait3A_22] : memref<2x10000x16xf32, #tpu.memory_space<hbm>> -> memref<1x625x16xf32, #tpu.memory_space<hbm>>
      %dma_wait3A_24 = tpu.memref_squeeze %dma_wait3A_23 : memref<1x625x16xf32, #tpu.memory_space<hbm>> -> memref<625x16xf32, #tpu.memory_space<hbm>>
      tpu.wait_dma2 semaphore(%run_scoped3A : memref<!tpu.dma_semaphore, #tpu.memory_space<semaphore_mem>>) src(%arg7 : memref<625x16xf32, #tpu.memory_space<vmem>>) dst(%dma_wait3A_24 : memref<625x16xf32, #tpu.memory_space<hbm>>)
      tpu.yield
    }) : () -> ()
    return
  }
}

#map = affine_map<(d0, d1) -> (0, 0)>
#map1 = affine_map<(d0, d1) -> (0)>
module attributes {stable_mosaic.version = 14 : i64} {
  func.func @_sc_gather2_body(%arg0: i32, %arg1: i32, %arg2: memref<10000x16xf32, #tpu.memory_space<hbm>>, %arg3: memref<10000x16xf32, #tpu.memory_space<hbm>>, %arg4: memref<160000xi32, #tpu.memory_space<hbm>>, %arg5: memref<160000xi32, #tpu.memory_space<hbm>>, %arg6: memref<160000x16xf32, #tpu.memory_space<hbm>>, %arg7: memref<160000x16xf32, #tpu.memory_space<hbm>>, %arg8: memref<1000xi32, #tpu.memory_space<vmem>>, %arg9: memref<1000xi32, #tpu.memory_space<vmem>>, %arg10: memref<1000x16xf32, #tpu.memory_space<vmem>>, %arg11: memref<1000x16xf32, #tpu.memory_space<vmem>>, %arg12: memref<!tpu.dma_semaphore, #tpu.memory_space<semaphore_mem>>, %arg13: memref<!tpu.dma_semaphore, #tpu.memory_space<semaphore_mem>>) attributes {dimension_semantics = [#tpu.dimension_semantics<core_parallel>, #tpu.dimension_semantics<subcore_parallel>], iteration_bounds = array<i64: 2, 16>, scalar_prefetch = 0 : i64, scratch_operands = 6 : i64, tpu.core_type = #tpu.core_type<sc_vector_subcore>, window_params = [{transform_indices = #map}, {transform_indices = #map}, {transform_indices = #map1}, {transform_indices = #map1}, {transform_indices = #map}, {transform_indices = #map}]} {
    %mul3A = arith.constant 2 : i32
    %mul3A_0 = arith.muli %arg1, %mul3A : i32
    %add3A = arith.addi %mul3A_0, %arg0 : i32
    %mul3A_1 = arith.constant 5000 : i32
    %mul3A_2 = arith.muli %add3A, %mul3A_1 : i32
    %add3A_3 = arith.constant 0 : i32
    %add3A_4 = arith.addi %mul3A_2, %add3A_3 : i32
    "tpu.region"() ({
      %run_scoped3A = tpu.sem_alloc : memref<!tpu.dma_semaphore, #tpu.memory_space<semaphore_mem>>
      %dma_start3A_71 = tpu.memref_slice %arg4[%add3A_4] : memref<160000xi32, #tpu.memory_space<hbm>> -> memref<1000xi32, #tpu.memory_space<hbm>>
      %dma_start3A_72 = tpu.memref_slice %arg4[%add3A_4] : memref<160000xi32, #tpu.memory_space<hbm>> -> memref<1000xi32, #tpu.memory_space<hbm>>
      tpu.enqueue_dma source(%dma_start3A_72 : memref<1000xi32, #tpu.memory_space<hbm>>) target(%arg8 : memref<1000xi32, #tpu.memory_space<vmem>>) target_semaphore(%run_scoped3A : memref<!tpu.dma_semaphore, #tpu.memory_space<semaphore_mem>>)
      %dma_wait3A_73 = tpu.memref_slice %arg4[%add3A_4] : memref<160000xi32, #tpu.memory_space<hbm>> -> memref<1000xi32, #tpu.memory_space<hbm>>
      %dma_wait3A_74 = tpu.memref_slice %arg4[%add3A_4] : memref<160000xi32, #tpu.memory_space<hbm>> -> memref<1000xi32, #tpu.memory_space<hbm>>
      tpu.wait_dma2 semaphore(%run_scoped3A : memref<!tpu.dma_semaphore, #tpu.memory_space<semaphore_mem>>) src(%dma_wait3A_74 : memref<1000xi32, #tpu.memory_space<hbm>>) dst(%arg8 : memref<1000xi32, #tpu.memory_space<vmem>>)
      tpu.yield
    }) : () -> ()
    %dma_start3A = arith.constant 0 : i32
    %dma_start3A_5 = arith.constant 0 : i32
    %dma_start3A_6 = tpu.memref_slice %arg2[%dma_start3A, %dma_start3A_5] : memref<10000x16xf32, #tpu.memory_space<hbm>> -> memref<10000x16xf32, #tpu.memory_space<hbm>>
    tpu.enqueue_indirect_dma source(%dma_start3A_6 : memref<10000x16xf32, #tpu.memory_space<hbm>>) target(%arg10 : memref<1000x16xf32, #tpu.memory_space<vmem>>) offsets(%arg8 : memref<1000xi32, #tpu.memory_space<vmem>>) semaphore(%arg12 : memref<!tpu.dma_semaphore, #tpu.memory_space<semaphore_mem>>)
    "tpu.region"() ({
      %run_scoped3A = tpu.sem_alloc : memref<!tpu.dma_semaphore, #tpu.memory_space<semaphore_mem>>
      %dma_start3A_71 = tpu.memref_slice %arg5[%add3A_4] : memref<160000xi32, #tpu.memory_space<hbm>> -> memref<1000xi32, #tpu.memory_space<hbm>>
      %dma_start3A_72 = tpu.memref_slice %arg5[%add3A_4] : memref<160000xi32, #tpu.memory_space<hbm>> -> memref<1000xi32, #tpu.memory_space<hbm>>
      tpu.enqueue_dma source(%dma_start3A_72 : memref<1000xi32, #tpu.memory_space<hbm>>) target(%arg9 : memref<1000xi32, #tpu.memory_space<vmem>>) target_semaphore(%run_scoped3A : memref<!tpu.dma_semaphore, #tpu.memory_space<semaphore_mem>>)
      %dma_wait3A_73 = tpu.memref_slice %arg5[%add3A_4] : memref<160000xi32, #tpu.memory_space<hbm>> -> memref<1000xi32, #tpu.memory_space<hbm>>
      %dma_wait3A_74 = tpu.memref_slice %arg5[%add3A_4] : memref<160000xi32, #tpu.memory_space<hbm>> -> memref<1000xi32, #tpu.memory_space<hbm>>
      tpu.wait_dma2 semaphore(%run_scoped3A : memref<!tpu.dma_semaphore, #tpu.memory_space<semaphore_mem>>) src(%dma_wait3A_74 : memref<1000xi32, #tpu.memory_space<hbm>>) dst(%arg9 : memref<1000xi32, #tpu.memory_space<vmem>>)
      tpu.yield
    }) : () -> ()
    %dma_start3A_7 = arith.constant 0 : i32
    %dma_start3A_8 = arith.constant 0 : i32
    %dma_start3A_9 = tpu.memref_slice %arg3[%dma_start3A_7, %dma_start3A_8] : memref<10000x16xf32, #tpu.memory_space<hbm>> -> memref<10000x16xf32, #tpu.memory_space<hbm>>
    tpu.enqueue_indirect_dma source(%dma_start3A_9 : memref<10000x16xf32, #tpu.memory_space<hbm>>) target(%arg11 : memref<1000x16xf32, #tpu.memory_space<vmem>>) offsets(%arg9 : memref<1000xi32, #tpu.memory_space<vmem>>) semaphore(%arg13 : memref<!tpu.dma_semaphore, #tpu.memory_space<semaphore_mem>>)
    %dma_wait3A = arith.constant 0 : i32
    %dma_wait3A_10 = arith.constant 0 : i32
    %dma_wait3A_11 = tpu.memref_slice %arg2[%dma_wait3A, %dma_wait3A_10] : memref<10000x16xf32, #tpu.memory_space<hbm>> -> memref<10000x16xf32, #tpu.memory_space<hbm>>
    tpu.wait_indirect_dma semaphore(%arg12 : memref<!tpu.dma_semaphore, #tpu.memory_space<semaphore_mem>>) src(%dma_wait3A_11 : memref<10000x16xf32, #tpu.memory_space<hbm>>) dst(%arg10 : memref<1000x16xf32, #tpu.memory_space<vmem>>)
    "tpu.region"() ({
      %run_scoped3A = tpu.sem_alloc : memref<!tpu.dma_semaphore, #tpu.memory_space<semaphore_mem>>
      %dma_start3A_71 = arith.constant 0 : i32
      %dma_start3A_72 = tpu.memref_slice %arg6[%add3A_4, %dma_start3A_71] : memref<160000x16xf32, #tpu.memory_space<hbm>> -> memref<1000x16xf32, #tpu.memory_space<hbm>>
      %dma_start3A_73 = arith.constant 0 : i32
      %dma_start3A_74 = tpu.memref_slice %arg6[%add3A_4, %dma_start3A_73] : memref<160000x16xf32, #tpu.memory_space<hbm>> -> memref<1000x16xf32, #tpu.memory_space<hbm>>
      tpu.enqueue_dma source(%arg10 : memref<1000x16xf32, #tpu.memory_space<vmem>>) target(%dma_start3A_74 : memref<1000x16xf32, #tpu.memory_space<hbm>>) target_semaphore(%run_scoped3A : memref<!tpu.dma_semaphore, #tpu.memory_space<semaphore_mem>>)
      %dma_wait3A_75 = arith.constant 0 : i32
      %dma_wait3A_76 = tpu.memref_slice %arg6[%add3A_4, %dma_wait3A_75] : memref<160000x16xf32, #tpu.memory_space<hbm>> -> memref<1000x16xf32, #tpu.memory_space<hbm>>
      %dma_wait3A_77 = arith.constant 0 : i32
      %dma_wait3A_78 = tpu.memref_slice %arg6[%add3A_4, %dma_wait3A_77] : memref<160000x16xf32, #tpu.memory_space<hbm>> -> memref<1000x16xf32, #tpu.memory_space<hbm>>
      tpu.wait_dma2 semaphore(%run_scoped3A : memref<!tpu.dma_semaphore, #tpu.memory_space<semaphore_mem>>) src(%arg10 : memref<1000x16xf32, #tpu.memory_space<vmem>>) dst(%dma_wait3A_78 : memref<1000x16xf32, #tpu.memory_space<hbm>>)
      tpu.yield
    }) : () -> ()
    %dma_wait3A_12 = arith.constant 0 : i32
    %dma_wait3A_13 = arith.constant 0 : i32
    %dma_wait3A_14 = tpu.memref_slice %arg3[%dma_wait3A_12, %dma_wait3A_13] : memref<10000x16xf32, #tpu.memory_space<hbm>> -> memref<10000x16xf32, #tpu.memory_space<hbm>>
    tpu.wait_indirect_dma semaphore(%arg13 : memref<!tpu.dma_semaphore, #tpu.memory_space<semaphore_mem>>) src(%dma_wait3A_14 : memref<10000x16xf32, #tpu.memory_space<hbm>>) dst(%arg11 : memref<1000x16xf32, #tpu.memory_space<vmem>>)
    "tpu.region"() ({
      %run_scoped3A = tpu.sem_alloc : memref<!tpu.dma_semaphore, #tpu.memory_space<semaphore_mem>>
      %dma_start3A_71 = arith.constant 0 : i32
      %dma_start3A_72 = tpu.memref_slice %arg7[%add3A_4, %dma_start3A_71] : memref<160000x16xf32, #tpu.memory_space<hbm>> -> memref<1000x16xf32, #tpu.memory_space<hbm>>
      %dma_start3A_73 = arith.constant 0 : i32
      %dma_start3A_74 = tpu.memref_slice %arg7[%add3A_4, %dma_start3A_73] : memref<160000x16xf32, #tpu.memory_space<hbm>> -> memref<1000x16xf32, #tpu.memory_space<hbm>>
      tpu.enqueue_dma source(%arg11 : memref<1000x16xf32, #tpu.memory_space<vmem>>) target(%dma_start3A_74 : memref<1000x16xf32, #tpu.memory_space<hbm>>) target_semaphore(%run_scoped3A : memref<!tpu.dma_semaphore, #tpu.memory_space<semaphore_mem>>)
      %dma_wait3A_75 = arith.constant 0 : i32
      %dma_wait3A_76 = tpu.memref_slice %arg7[%add3A_4, %dma_wait3A_75] : memref<160000x16xf32, #tpu.memory_space<hbm>> -> memref<1000x16xf32, #tpu.memory_space<hbm>>
      %dma_wait3A_77 = arith.constant 0 : i32
      %dma_wait3A_78 = tpu.memref_slice %arg7[%add3A_4, %dma_wait3A_77] : memref<160000x16xf32, #tpu.memory_space<hbm>> -> memref<1000x16xf32, #tpu.memory_space<hbm>>
      tpu.wait_dma2 semaphore(%run_scoped3A : memref<!tpu.dma_semaphore, #tpu.memory_space<semaphore_mem>>) src(%arg11 : memref<1000x16xf32, #tpu.memory_space<vmem>>) dst(%dma_wait3A_78 : memref<1000x16xf32, #tpu.memory_space<hbm>>)
      tpu.yield
    }) : () -> ()
    %add3A_15 = arith.constant 1000 : i32
    %add3A_16 = arith.addi %mul3A_2, %add3A_15 : i32
    "tpu.region"() ({
      %run_scoped3A = tpu.sem_alloc : memref<!tpu.dma_semaphore, #tpu.memory_space<semaphore_mem>>
      %dma_start3A_71 = tpu.memref_slice %arg4[%add3A_16] : memref<160000xi32, #tpu.memory_space<hbm>> -> memref<1000xi32, #tpu.memory_space<hbm>>
      %dma_start3A_72 = tpu.memref_slice %arg4[%add3A_16] : memref<160000xi32, #tpu.memory_space<hbm>> -> memref<1000xi32, #tpu.memory_space<hbm>>
      tpu.enqueue_dma source(%dma_start3A_72 : memref<1000xi32, #tpu.memory_space<hbm>>) target(%arg8 : memref<1000xi32, #tpu.memory_space<vmem>>) target_semaphore(%run_scoped3A : memref<!tpu.dma_semaphore, #tpu.memory_space<semaphore_mem>>)
      %dma_wait3A_73 = tpu.memref_slice %arg4[%add3A_16] : memref<160000xi32, #tpu.memory_space<hbm>> -> memref<1000xi32, #tpu.memory_space<hbm>>
      %dma_wait3A_74 = tpu.memref_slice %arg4[%add3A_16] : memref<160000xi32, #tpu.memory_space<hbm>> -> memref<1000xi32, #tpu.memory_space<hbm>>
      tpu.wait_dma2 semaphore(%run_scoped3A : memref<!tpu.dma_semaphore, #tpu.memory_space<semaphore_mem>>) src(%dma_wait3A_74 : memref<1000xi32, #tpu.memory_space<hbm>>) dst(%arg8 : memref<1000xi32, #tpu.memory_space<vmem>>)
      tpu.yield
    }) : () -> ()
    %dma_start3A_17 = arith.constant 0 : i32
    %dma_start3A_18 = arith.constant 0 : i32
    %dma_start3A_19 = tpu.memref_slice %arg2[%dma_start3A_17, %dma_start3A_18] : memref<10000x16xf32, #tpu.memory_space<hbm>> -> memref<10000x16xf32, #tpu.memory_space<hbm>>
    tpu.enqueue_indirect_dma source(%dma_start3A_19 : memref<10000x16xf32, #tpu.memory_space<hbm>>) target(%arg10 : memref<1000x16xf32, #tpu.memory_space<vmem>>) offsets(%arg8 : memref<1000xi32, #tpu.memory_space<vmem>>) semaphore(%arg12 : memref<!tpu.dma_semaphore, #tpu.memory_space<semaphore_mem>>)
    "tpu.region"() ({
      %run_scoped3A = tpu.sem_alloc : memref<!tpu.dma_semaphore, #tpu.memory_space<semaphore_mem>>
      %dma_start3A_71 = tpu.memref_slice %arg5[%add3A_16] : memref<160000xi32, #tpu.memory_space<hbm>> -> memref<1000xi32, #tpu.memory_space<hbm>>
      %dma_start3A_72 = tpu.memref_slice %arg5[%add3A_16] : memref<160000xi32, #tpu.memory_space<hbm>> -> memref<1000xi32, #tpu.memory_space<hbm>>
      tpu.enqueue_dma source(%dma_start3A_72 : memref<1000xi32, #tpu.memory_space<hbm>>) target(%arg9 : memref<1000xi32, #tpu.memory_space<vmem>>) target_semaphore(%run_scoped3A : memref<!tpu.dma_semaphore, #tpu.memory_space<semaphore_mem>>)
      %dma_wait3A_73 = tpu.memref_slice %arg5[%add3A_16] : memref<160000xi32, #tpu.memory_space<hbm>> -> memref<1000xi32, #tpu.memory_space<hbm>>
      %dma_wait3A_74 = tpu.memref_slice %arg5[%add3A_16] : memref<160000xi32, #tpu.memory_space<hbm>> -> memref<1000xi32, #tpu.memory_space<hbm>>
      tpu.wait_dma2 semaphore(%run_scoped3A : memref<!tpu.dma_semaphore, #tpu.memory_space<semaphore_mem>>) src(%dma_wait3A_74 : memref<1000xi32, #tpu.memory_space<hbm>>) dst(%arg9 : memref<1000xi32, #tpu.memory_space<vmem>>)
      tpu.yield
    }) : () -> ()
    %dma_start3A_20 = arith.constant 0 : i32
    %dma_start3A_21 = arith.constant 0 : i32
    %dma_start3A_22 = tpu.memref_slice %arg3[%dma_start3A_20, %dma_start3A_21] : memref<10000x16xf32, #tpu.memory_space<hbm>> -> memref<10000x16xf32, #tpu.memory_space<hbm>>
    tpu.enqueue_indirect_dma source(%dma_start3A_22 : memref<10000x16xf32, #tpu.memory_space<hbm>>) target(%arg11 : memref<1000x16xf32, #tpu.memory_space<vmem>>) offsets(%arg9 : memref<1000xi32, #tpu.memory_space<vmem>>) semaphore(%arg13 : memref<!tpu.dma_semaphore, #tpu.memory_space<semaphore_mem>>)
    %dma_wait3A_23 = arith.constant 0 : i32
    %dma_wait3A_24 = arith.constant 0 : i32
    %dma_wait3A_25 = tpu.memref_slice %arg2[%dma_wait3A_23, %dma_wait3A_24] : memref<10000x16xf32, #tpu.memory_space<hbm>> -> memref<10000x16xf32, #tpu.memory_space<hbm>>
    tpu.wait_indirect_dma semaphore(%arg12 : memref<!tpu.dma_semaphore, #tpu.memory_space<semaphore_mem>>) src(%dma_wait3A_25 : memref<10000x16xf32, #tpu.memory_space<hbm>>) dst(%arg10 : memref<1000x16xf32, #tpu.memory_space<vmem>>)
    "tpu.region"() ({
      %run_scoped3A = tpu.sem_alloc : memref<!tpu.dma_semaphore, #tpu.memory_space<semaphore_mem>>
      %dma_start3A_71 = arith.constant 0 : i32
      %dma_start3A_72 = tpu.memref_slice %arg6[%add3A_16, %dma_start3A_71] : memref<160000x16xf32, #tpu.memory_space<hbm>> -> memref<1000x16xf32, #tpu.memory_space<hbm>>
      %dma_start3A_73 = arith.constant 0 : i32
      %dma_start3A_74 = tpu.memref_slice %arg6[%add3A_16, %dma_start3A_73] : memref<160000x16xf32, #tpu.memory_space<hbm>> -> memref<1000x16xf32, #tpu.memory_space<hbm>>
      tpu.enqueue_dma source(%arg10 : memref<1000x16xf32, #tpu.memory_space<vmem>>) target(%dma_start3A_74 : memref<1000x16xf32, #tpu.memory_space<hbm>>) target_semaphore(%run_scoped3A : memref<!tpu.dma_semaphore, #tpu.memory_space<semaphore_mem>>)
      %dma_wait3A_75 = arith.constant 0 : i32
      %dma_wait3A_76 = tpu.memref_slice %arg6[%add3A_16, %dma_wait3A_75] : memref<160000x16xf32, #tpu.memory_space<hbm>> -> memref<1000x16xf32, #tpu.memory_space<hbm>>
      %dma_wait3A_77 = arith.constant 0 : i32
      %dma_wait3A_78 = tpu.memref_slice %arg6[%add3A_16, %dma_wait3A_77] : memref<160000x16xf32, #tpu.memory_space<hbm>> -> memref<1000x16xf32, #tpu.memory_space<hbm>>
      tpu.wait_dma2 semaphore(%run_scoped3A : memref<!tpu.dma_semaphore, #tpu.memory_space<semaphore_mem>>) src(%arg10 : memref<1000x16xf32, #tpu.memory_space<vmem>>) dst(%dma_wait3A_78 : memref<1000x16xf32, #tpu.memory_space<hbm>>)
      tpu.yield
    }) : () -> ()
    %dma_wait3A_26 = arith.constant 0 : i32
    %dma_wait3A_27 = arith.constant 0 : i32
    %dma_wait3A_28 = tpu.memref_slice %arg3[%dma_wait3A_26, %dma_wait3A_27] : memref<10000x16xf32, #tpu.memory_space<hbm>> -> memref<10000x16xf32, #tpu.memory_space<hbm>>
    tpu.wait_indirect_dma semaphore(%arg13 : memref<!tpu.dma_semaphore, #tpu.memory_space<semaphore_mem>>) src(%dma_wait3A_28 : memref<10000x16xf32, #tpu.memory_space<hbm>>) dst(%arg11 : memref<1000x16xf32, #tpu.memory_space<vmem>>)
    "tpu.region"() ({
      %run_scoped3A = tpu.sem_alloc : memref<!tpu.dma_semaphore, #tpu.memory_space<semaphore_mem>>
      %dma_start3A_71 = arith.constant 0 : i32
      %dma_start3A_72 = tpu.memref_slice %arg7[%add3A_16, %dma_start3A_71] : memref<160000x16xf32, #tpu.memory_space<hbm>> -> memref<1000x16xf32, #tpu.memory_space<hbm>>
      %dma_start3A_73 = arith.constant 0 : i32
      %dma_start3A_74 = tpu.memref_slice %arg7[%add3A_16, %dma_start3A_73] : memref<160000x16xf32, #tpu.memory_space<hbm>> -> memref<1000x16xf32, #tpu.memory_space<hbm>>
      tpu.enqueue_dma source(%arg11 : memref<1000x16xf32, #tpu.memory_space<vmem>>) target(%dma_start3A_74 : memref<1000x16xf32, #tpu.memory_space<hbm>>) target_semaphore(%run_scoped3A : memref<!tpu.dma_semaphore, #tpu.memory_space<semaphore_mem>>)
      %dma_wait3A_75 = arith.constant 0 : i32
      %dma_wait3A_76 = tpu.memref_slice %arg7[%add3A_16, %dma_wait3A_75] : memref<160000x16xf32, #tpu.memory_space<hbm>> -> memref<1000x16xf32, #tpu.memory_space<hbm>>
      %dma_wait3A_77 = arith.constant 0 : i32
      %dma_wait3A_78 = tpu.memref_slice %arg7[%add3A_16, %dma_wait3A_77] : memref<160000x16xf32, #tpu.memory_space<hbm>> -> memref<1000x16xf32, #tpu.memory_space<hbm>>
      tpu.wait_dma2 semaphore(%run_scoped3A : memref<!tpu.dma_semaphore, #tpu.memory_space<semaphore_mem>>) src(%arg11 : memref<1000x16xf32, #tpu.memory_space<vmem>>) dst(%dma_wait3A_78 : memref<1000x16xf32, #tpu.memory_space<hbm>>)
      tpu.yield
    }) : () -> ()
    %add3A_29 = arith.constant 2000 : i32
    %add3A_30 = arith.addi %mul3A_2, %add3A_29 : i32
    "tpu.region"() ({
      %run_scoped3A = tpu.sem_alloc : memref<!tpu.dma_semaphore, #tpu.memory_space<semaphore_mem>>
      %dma_start3A_71 = tpu.memref_slice %arg4[%add3A_30] : memref<160000xi32, #tpu.memory_space<hbm>> -> memref<1000xi32, #tpu.memory_space<hbm>>
      %dma_start3A_72 = tpu.memref_slice %arg4[%add3A_30] : memref<160000xi32, #tpu.memory_space<hbm>> -> memref<1000xi32, #tpu.memory_space<hbm>>
      tpu.enqueue_dma source(%dma_start3A_72 : memref<1000xi32, #tpu.memory_space<hbm>>) target(%arg8 : memref<1000xi32, #tpu.memory_space<vmem>>) target_semaphore(%run_scoped3A : memref<!tpu.dma_semaphore, #tpu.memory_space<semaphore_mem>>)
      %dma_wait3A_73 = tpu.memref_slice %arg4[%add3A_30] : memref<160000xi32, #tpu.memory_space<hbm>> -> memref<1000xi32, #tpu.memory_space<hbm>>
      %dma_wait3A_74 = tpu.memref_slice %arg4[%add3A_30] : memref<160000xi32, #tpu.memory_space<hbm>> -> memref<1000xi32, #tpu.memory_space<hbm>>
      tpu.wait_dma2 semaphore(%run_scoped3A : memref<!tpu.dma_semaphore, #tpu.memory_space<semaphore_mem>>) src(%dma_wait3A_74 : memref<1000xi32, #tpu.memory_space<hbm>>) dst(%arg8 : memref<1000xi32, #tpu.memory_space<vmem>>)
      tpu.yield
    }) : () -> ()
    %dma_start3A_31 = arith.constant 0 : i32
    %dma_start3A_32 = arith.constant 0 : i32
    %dma_start3A_33 = tpu.memref_slice %arg2[%dma_start3A_31, %dma_start3A_32] : memref<10000x16xf32, #tpu.memory_space<hbm>> -> memref<10000x16xf32, #tpu.memory_space<hbm>>
    tpu.enqueue_indirect_dma source(%dma_start3A_33 : memref<10000x16xf32, #tpu.memory_space<hbm>>) target(%arg10 : memref<1000x16xf32, #tpu.memory_space<vmem>>) offsets(%arg8 : memref<1000xi32, #tpu.memory_space<vmem>>) semaphore(%arg12 : memref<!tpu.dma_semaphore, #tpu.memory_space<semaphore_mem>>)
    "tpu.region"() ({
      %run_scoped3A = tpu.sem_alloc : memref<!tpu.dma_semaphore, #tpu.memory_space<semaphore_mem>>
      %dma_start3A_71 = tpu.memref_slice %arg5[%add3A_30] : memref<160000xi32, #tpu.memory_space<hbm>> -> memref<1000xi32, #tpu.memory_space<hbm>>
      %dma_start3A_72 = tpu.memref_slice %arg5[%add3A_30] : memref<160000xi32, #tpu.memory_space<hbm>> -> memref<1000xi32, #tpu.memory_space<hbm>>
      tpu.enqueue_dma source(%dma_start3A_72 : memref<1000xi32, #tpu.memory_space<hbm>>) target(%arg9 : memref<1000xi32, #tpu.memory_space<vmem>>) target_semaphore(%run_scoped3A : memref<!tpu.dma_semaphore, #tpu.memory_space<semaphore_mem>>)
      %dma_wait3A_73 = tpu.memref_slice %arg5[%add3A_30] : memref<160000xi32, #tpu.memory_space<hbm>> -> memref<1000xi32, #tpu.memory_space<hbm>>
      %dma_wait3A_74 = tpu.memref_slice %arg5[%add3A_30] : memref<160000xi32, #tpu.memory_space<hbm>> -> memref<1000xi32, #tpu.memory_space<hbm>>
      tpu.wait_dma2 semaphore(%run_scoped3A : memref<!tpu.dma_semaphore, #tpu.memory_space<semaphore_mem>>) src(%dma_wait3A_74 : memref<1000xi32, #tpu.memory_space<hbm>>) dst(%arg9 : memref<1000xi32, #tpu.memory_space<vmem>>)
      tpu.yield
    }) : () -> ()
    %dma_start3A_34 = arith.constant 0 : i32
    %dma_start3A_35 = arith.constant 0 : i32
    %dma_start3A_36 = tpu.memref_slice %arg3[%dma_start3A_34, %dma_start3A_35] : memref<10000x16xf32, #tpu.memory_space<hbm>> -> memref<10000x16xf32, #tpu.memory_space<hbm>>
    tpu.enqueue_indirect_dma source(%dma_start3A_36 : memref<10000x16xf32, #tpu.memory_space<hbm>>) target(%arg11 : memref<1000x16xf32, #tpu.memory_space<vmem>>) offsets(%arg9 : memref<1000xi32, #tpu.memory_space<vmem>>) semaphore(%arg13 : memref<!tpu.dma_semaphore, #tpu.memory_space<semaphore_mem>>)
    %dma_wait3A_37 = arith.constant 0 : i32
    %dma_wait3A_38 = arith.constant 0 : i32
    %dma_wait3A_39 = tpu.memref_slice %arg2[%dma_wait3A_37, %dma_wait3A_38] : memref<10000x16xf32, #tpu.memory_space<hbm>> -> memref<10000x16xf32, #tpu.memory_space<hbm>>
    tpu.wait_indirect_dma semaphore(%arg12 : memref<!tpu.dma_semaphore, #tpu.memory_space<semaphore_mem>>) src(%dma_wait3A_39 : memref<10000x16xf32, #tpu.memory_space<hbm>>) dst(%arg10 : memref<1000x16xf32, #tpu.memory_space<vmem>>)
    "tpu.region"() ({
      %run_scoped3A = tpu.sem_alloc : memref<!tpu.dma_semaphore, #tpu.memory_space<semaphore_mem>>
      %dma_start3A_71 = arith.constant 0 : i32
      %dma_start3A_72 = tpu.memref_slice %arg6[%add3A_30, %dma_start3A_71] : memref<160000x16xf32, #tpu.memory_space<hbm>> -> memref<1000x16xf32, #tpu.memory_space<hbm>>
      %dma_start3A_73 = arith.constant 0 : i32
      %dma_start3A_74 = tpu.memref_slice %arg6[%add3A_30, %dma_start3A_73] : memref<160000x16xf32, #tpu.memory_space<hbm>> -> memref<1000x16xf32, #tpu.memory_space<hbm>>
      tpu.enqueue_dma source(%arg10 : memref<1000x16xf32, #tpu.memory_space<vmem>>) target(%dma_start3A_74 : memref<1000x16xf32, #tpu.memory_space<hbm>>) target_semaphore(%run_scoped3A : memref<!tpu.dma_semaphore, #tpu.memory_space<semaphore_mem>>)
      %dma_wait3A_75 = arith.constant 0 : i32
      %dma_wait3A_76 = tpu.memref_slice %arg6[%add3A_30, %dma_wait3A_75] : memref<160000x16xf32, #tpu.memory_space<hbm>> -> memref<1000x16xf32, #tpu.memory_space<hbm>>
      %dma_wait3A_77 = arith.constant 0 : i32
      %dma_wait3A_78 = tpu.memref_slice %arg6[%add3A_30, %dma_wait3A_77] : memref<160000x16xf32, #tpu.memory_space<hbm>> -> memref<1000x16xf32, #tpu.memory_space<hbm>>
      tpu.wait_dma2 semaphore(%run_scoped3A : memref<!tpu.dma_semaphore, #tpu.memory_space<semaphore_mem>>) src(%arg10 : memref<1000x16xf32, #tpu.memory_space<vmem>>) dst(%dma_wait3A_78 : memref<1000x16xf32, #tpu.memory_space<hbm>>)
      tpu.yield
    }) : () -> ()
    %dma_wait3A_40 = arith.constant 0 : i32
    %dma_wait3A_41 = arith.constant 0 : i32
    %dma_wait3A_42 = tpu.memref_slice %arg3[%dma_wait3A_40, %dma_wait3A_41] : memref<10000x16xf32, #tpu.memory_space<hbm>> -> memref<10000x16xf32, #tpu.memory_space<hbm>>
    tpu.wait_indirect_dma semaphore(%arg13 : memref<!tpu.dma_semaphore, #tpu.memory_space<semaphore_mem>>) src(%dma_wait3A_42 : memref<10000x16xf32, #tpu.memory_space<hbm>>) dst(%arg11 : memref<1000x16xf32, #tpu.memory_space<vmem>>)
    "tpu.region"() ({
      %run_scoped3A = tpu.sem_alloc : memref<!tpu.dma_semaphore, #tpu.memory_space<semaphore_mem>>
      %dma_start3A_71 = arith.constant 0 : i32
      %dma_start3A_72 = tpu.memref_slice %arg7[%add3A_30, %dma_start3A_71] : memref<160000x16xf32, #tpu.memory_space<hbm>> -> memref<1000x16xf32, #tpu.memory_space<hbm>>
      %dma_start3A_73 = arith.constant 0 : i32
      %dma_start3A_74 = tpu.memref_slice %arg7[%add3A_30, %dma_start3A_73] : memref<160000x16xf32, #tpu.memory_space<hbm>> -> memref<1000x16xf32, #tpu.memory_space<hbm>>
      tpu.enqueue_dma source(%arg11 : memref<1000x16xf32, #tpu.memory_space<vmem>>) target(%dma_start3A_74 : memref<1000x16xf32, #tpu.memory_space<hbm>>) target_semaphore(%run_scoped3A : memref<!tpu.dma_semaphore, #tpu.memory_space<semaphore_mem>>)
      %dma_wait3A_75 = arith.constant 0 : i32
      %dma_wait3A_76 = tpu.memref_slice %arg7[%add3A_30, %dma_wait3A_75] : memref<160000x16xf32, #tpu.memory_space<hbm>> -> memref<1000x16xf32, #tpu.memory_space<hbm>>
      %dma_wait3A_77 = arith.constant 0 : i32
      %dma_wait3A_78 = tpu.memref_slice %arg7[%add3A_30, %dma_wait3A_77] : memref<160000x16xf32, #tpu.memory_space<hbm>> -> memref<1000x16xf32, #tpu.memory_space<hbm>>
      tpu.wait_dma2 semaphore(%run_scoped3A : memref<!tpu.dma_semaphore, #tpu.memory_space<semaphore_mem>>) src(%arg11 : memref<1000x16xf32, #tpu.memory_space<vmem>>) dst(%dma_wait3A_78 : memref<1000x16xf32, #tpu.memory_space<hbm>>)
      tpu.yield
    }) : () -> ()
    %add3A_43 = arith.constant 3000 : i32
    %add3A_44 = arith.addi %mul3A_2, %add3A_43 : i32
    "tpu.region"() ({
      %run_scoped3A = tpu.sem_alloc : memref<!tpu.dma_semaphore, #tpu.memory_space<semaphore_mem>>
      %dma_start3A_71 = tpu.memref_slice %arg4[%add3A_44] : memref<160000xi32, #tpu.memory_space<hbm>> -> memref<1000xi32, #tpu.memory_space<hbm>>
      %dma_start3A_72 = tpu.memref_slice %arg4[%add3A_44] : memref<160000xi32, #tpu.memory_space<hbm>> -> memref<1000xi32, #tpu.memory_space<hbm>>
      tpu.enqueue_dma source(%dma_start3A_72 : memref<1000xi32, #tpu.memory_space<hbm>>) target(%arg8 : memref<1000xi32, #tpu.memory_space<vmem>>) target_semaphore(%run_scoped3A : memref<!tpu.dma_semaphore, #tpu.memory_space<semaphore_mem>>)
      %dma_wait3A_73 = tpu.memref_slice %arg4[%add3A_44] : memref<160000xi32, #tpu.memory_space<hbm>> -> memref<1000xi32, #tpu.memory_space<hbm>>
      %dma_wait3A_74 = tpu.memref_slice %arg4[%add3A_44] : memref<160000xi32, #tpu.memory_space<hbm>> -> memref<1000xi32, #tpu.memory_space<hbm>>
      tpu.wait_dma2 semaphore(%run_scoped3A : memref<!tpu.dma_semaphore, #tpu.memory_space<semaphore_mem>>) src(%dma_wait3A_74 : memref<1000xi32, #tpu.memory_space<hbm>>) dst(%arg8 : memref<1000xi32, #tpu.memory_space<vmem>>)
      tpu.yield
    }) : () -> ()
    %dma_start3A_45 = arith.constant 0 : i32
    %dma_start3A_46 = arith.constant 0 : i32
    %dma_start3A_47 = tpu.memref_slice %arg2[%dma_start3A_45, %dma_start3A_46] : memref<10000x16xf32, #tpu.memory_space<hbm>> -> memref<10000x16xf32, #tpu.memory_space<hbm>>
    tpu.enqueue_indirect_dma source(%dma_start3A_47 : memref<10000x16xf32, #tpu.memory_space<hbm>>) target(%arg10 : memref<1000x16xf32, #tpu.memory_space<vmem>>) offsets(%arg8 : memref<1000xi32, #tpu.memory_space<vmem>>) semaphore(%arg12 : memref<!tpu.dma_semaphore, #tpu.memory_space<semaphore_mem>>)
    "tpu.region"() ({
      %run_scoped3A = tpu.sem_alloc : memref<!tpu.dma_semaphore, #tpu.memory_space<semaphore_mem>>
      %dma_start3A_71 = tpu.memref_slice %arg5[%add3A_44] : memref<160000xi32, #tpu.memory_space<hbm>> -> memref<1000xi32, #tpu.memory_space<hbm>>
      %dma_start3A_72 = tpu.memref_slice %arg5[%add3A_44] : memref<160000xi32, #tpu.memory_space<hbm>> -> memref<1000xi32, #tpu.memory_space<hbm>>
      tpu.enqueue_dma source(%dma_start3A_72 : memref<1000xi32, #tpu.memory_space<hbm>>) target(%arg9 : memref<1000xi32, #tpu.memory_space<vmem>>) target_semaphore(%run_scoped3A : memref<!tpu.dma_semaphore, #tpu.memory_space<semaphore_mem>>)
      %dma_wait3A_73 = tpu.memref_slice %arg5[%add3A_44] : memref<160000xi32, #tpu.memory_space<hbm>> -> memref<1000xi32, #tpu.memory_space<hbm>>
      %dma_wait3A_74 = tpu.memref_slice %arg5[%add3A_44] : memref<160000xi32, #tpu.memory_space<hbm>> -> memref<1000xi32, #tpu.memory_space<hbm>>
      tpu.wait_dma2 semaphore(%run_scoped3A : memref<!tpu.dma_semaphore, #tpu.memory_space<semaphore_mem>>) src(%dma_wait3A_74 : memref<1000xi32, #tpu.memory_space<hbm>>) dst(%arg9 : memref<1000xi32, #tpu.memory_space<vmem>>)
      tpu.yield
    }) : () -> ()
    %dma_start3A_48 = arith.constant 0 : i32
    %dma_start3A_49 = arith.constant 0 : i32
    %dma_start3A_50 = tpu.memref_slice %arg3[%dma_start3A_48, %dma_start3A_49] : memref<10000x16xf32, #tpu.memory_space<hbm>> -> memref<10000x16xf32, #tpu.memory_space<hbm>>
    tpu.enqueue_indirect_dma source(%dma_start3A_50 : memref<10000x16xf32, #tpu.memory_space<hbm>>) target(%arg11 : memref<1000x16xf32, #tpu.memory_space<vmem>>) offsets(%arg9 : memref<1000xi32, #tpu.memory_space<vmem>>) semaphore(%arg13 : memref<!tpu.dma_semaphore, #tpu.memory_space<semaphore_mem>>)
    %dma_wait3A_51 = arith.constant 0 : i32
    %dma_wait3A_52 = arith.constant 0 : i32
    %dma_wait3A_53 = tpu.memref_slice %arg2[%dma_wait3A_51, %dma_wait3A_52] : memref<10000x16xf32, #tpu.memory_space<hbm>> -> memref<10000x16xf32, #tpu.memory_space<hbm>>
    tpu.wait_indirect_dma semaphore(%arg12 : memref<!tpu.dma_semaphore, #tpu.memory_space<semaphore_mem>>) src(%dma_wait3A_53 : memref<10000x16xf32, #tpu.memory_space<hbm>>) dst(%arg10 : memref<1000x16xf32, #tpu.memory_space<vmem>>)
    "tpu.region"() ({
      %run_scoped3A = tpu.sem_alloc : memref<!tpu.dma_semaphore, #tpu.memory_space<semaphore_mem>>
      %dma_start3A_71 = arith.constant 0 : i32
      %dma_start3A_72 = tpu.memref_slice %arg6[%add3A_44, %dma_start3A_71] : memref<160000x16xf32, #tpu.memory_space<hbm>> -> memref<1000x16xf32, #tpu.memory_space<hbm>>
      %dma_start3A_73 = arith.constant 0 : i32
      %dma_start3A_74 = tpu.memref_slice %arg6[%add3A_44, %dma_start3A_73] : memref<160000x16xf32, #tpu.memory_space<hbm>> -> memref<1000x16xf32, #tpu.memory_space<hbm>>
      tpu.enqueue_dma source(%arg10 : memref<1000x16xf32, #tpu.memory_space<vmem>>) target(%dma_start3A_74 : memref<1000x16xf32, #tpu.memory_space<hbm>>) target_semaphore(%run_scoped3A : memref<!tpu.dma_semaphore, #tpu.memory_space<semaphore_mem>>)
      %dma_wait3A_75 = arith.constant 0 : i32
      %dma_wait3A_76 = tpu.memref_slice %arg6[%add3A_44, %dma_wait3A_75] : memref<160000x16xf32, #tpu.memory_space<hbm>> -> memref<1000x16xf32, #tpu.memory_space<hbm>>
      %dma_wait3A_77 = arith.constant 0 : i32
      %dma_wait3A_78 = tpu.memref_slice %arg6[%add3A_44, %dma_wait3A_77] : memref<160000x16xf32, #tpu.memory_space<hbm>> -> memref<1000x16xf32, #tpu.memory_space<hbm>>
      tpu.wait_dma2 semaphore(%run_scoped3A : memref<!tpu.dma_semaphore, #tpu.memory_space<semaphore_mem>>) src(%arg10 : memref<1000x16xf32, #tpu.memory_space<vmem>>) dst(%dma_wait3A_78 : memref<1000x16xf32, #tpu.memory_space<hbm>>)
      tpu.yield
    }) : () -> ()
    %dma_wait3A_54 = arith.constant 0 : i32
    %dma_wait3A_55 = arith.constant 0 : i32
    %dma_wait3A_56 = tpu.memref_slice %arg3[%dma_wait3A_54, %dma_wait3A_55] : memref<10000x16xf32, #tpu.memory_space<hbm>> -> memref<10000x16xf32, #tpu.memory_space<hbm>>
    tpu.wait_indirect_dma semaphore(%arg13 : memref<!tpu.dma_semaphore, #tpu.memory_space<semaphore_mem>>) src(%dma_wait3A_56 : memref<10000x16xf32, #tpu.memory_space<hbm>>) dst(%arg11 : memref<1000x16xf32, #tpu.memory_space<vmem>>)
    "tpu.region"() ({
      %run_scoped3A = tpu.sem_alloc : memref<!tpu.dma_semaphore, #tpu.memory_space<semaphore_mem>>
      %dma_start3A_71 = arith.constant 0 : i32
      %dma_start3A_72 = tpu.memref_slice %arg7[%add3A_44, %dma_start3A_71] : memref<160000x16xf32, #tpu.memory_space<hbm>> -> memref<1000x16xf32, #tpu.memory_space<hbm>>
      %dma_start3A_73 = arith.constant 0 : i32
      %dma_start3A_74 = tpu.memref_slice %arg7[%add3A_44, %dma_start3A_73] : memref<160000x16xf32, #tpu.memory_space<hbm>> -> memref<1000x16xf32, #tpu.memory_space<hbm>>
      tpu.enqueue_dma source(%arg11 : memref<1000x16xf32, #tpu.memory_space<vmem>>) target(%dma_start3A_74 : memref<1000x16xf32, #tpu.memory_space<hbm>>) target_semaphore(%run_scoped3A : memref<!tpu.dma_semaphore, #tpu.memory_space<semaphore_mem>>)
      %dma_wait3A_75 = arith.constant 0 : i32
      %dma_wait3A_76 = tpu.memref_slice %arg7[%add3A_44, %dma_wait3A_75] : memref<160000x16xf32, #tpu.memory_space<hbm>> -> memref<1000x16xf32, #tpu.memory_space<hbm>>
      %dma_wait3A_77 = arith.constant 0 : i32
      %dma_wait3A_78 = tpu.memref_slice %arg7[%add3A_44, %dma_wait3A_77] : memref<160000x16xf32, #tpu.memory_space<hbm>> -> memref<1000x16xf32, #tpu.memory_space<hbm>>
      tpu.wait_dma2 semaphore(%run_scoped3A : memref<!tpu.dma_semaphore, #tpu.memory_space<semaphore_mem>>) src(%arg11 : memref<1000x16xf32, #tpu.memory_space<vmem>>) dst(%dma_wait3A_78 : memref<1000x16xf32, #tpu.memory_space<hbm>>)
      tpu.yield
    }) : () -> ()
    %add3A_57 = arith.constant 4000 : i32
    %add3A_58 = arith.addi %mul3A_2, %add3A_57 : i32
    "tpu.region"() ({
      %run_scoped3A = tpu.sem_alloc : memref<!tpu.dma_semaphore, #tpu.memory_space<semaphore_mem>>
      %dma_start3A_71 = tpu.memref_slice %arg4[%add3A_58] : memref<160000xi32, #tpu.memory_space<hbm>> -> memref<1000xi32, #tpu.memory_space<hbm>>
      %dma_start3A_72 = tpu.memref_slice %arg4[%add3A_58] : memref<160000xi32, #tpu.memory_space<hbm>> -> memref<1000xi32, #tpu.memory_space<hbm>>
      tpu.enqueue_dma source(%dma_start3A_72 : memref<1000xi32, #tpu.memory_space<hbm>>) target(%arg8 : memref<1000xi32, #tpu.memory_space<vmem>>) target_semaphore(%run_scoped3A : memref<!tpu.dma_semaphore, #tpu.memory_space<semaphore_mem>>)
      %dma_wait3A_73 = tpu.memref_slice %arg4[%add3A_58] : memref<160000xi32, #tpu.memory_space<hbm>> -> memref<1000xi32, #tpu.memory_space<hbm>>
      %dma_wait3A_74 = tpu.memref_slice %arg4[%add3A_58] : memref<160000xi32, #tpu.memory_space<hbm>> -> memref<1000xi32, #tpu.memory_space<hbm>>
      tpu.wait_dma2 semaphore(%run_scoped3A : memref<!tpu.dma_semaphore, #tpu.memory_space<semaphore_mem>>) src(%dma_wait3A_74 : memref<1000xi32, #tpu.memory_space<hbm>>) dst(%arg8 : memref<1000xi32, #tpu.memory_space<vmem>>)
      tpu.yield
    }) : () -> ()
    %dma_start3A_59 = arith.constant 0 : i32
    %dma_start3A_60 = arith.constant 0 : i32
    %dma_start3A_61 = tpu.memref_slice %arg2[%dma_start3A_59, %dma_start3A_60] : memref<10000x16xf32, #tpu.memory_space<hbm>> -> memref<10000x16xf32, #tpu.memory_space<hbm>>
    tpu.enqueue_indirect_dma source(%dma_start3A_61 : memref<10000x16xf32, #tpu.memory_space<hbm>>) target(%arg10 : memref<1000x16xf32, #tpu.memory_space<vmem>>) offsets(%arg8 : memref<1000xi32, #tpu.memory_space<vmem>>) semaphore(%arg12 : memref<!tpu.dma_semaphore, #tpu.memory_space<semaphore_mem>>)
    "tpu.region"() ({
      %run_scoped3A = tpu.sem_alloc : memref<!tpu.dma_semaphore, #tpu.memory_space<semaphore_mem>>
      %dma_start3A_71 = tpu.memref_slice %arg5[%add3A_58] : memref<160000xi32, #tpu.memory_space<hbm>> -> memref<1000xi32, #tpu.memory_space<hbm>>
      %dma_start3A_72 = tpu.memref_slice %arg5[%add3A_58] : memref<160000xi32, #tpu.memory_space<hbm>> -> memref<1000xi32, #tpu.memory_space<hbm>>
      tpu.enqueue_dma source(%dma_start3A_72 : memref<1000xi32, #tpu.memory_space<hbm>>) target(%arg9 : memref<1000xi32, #tpu.memory_space<vmem>>) target_semaphore(%run_scoped3A : memref<!tpu.dma_semaphore, #tpu.memory_space<semaphore_mem>>)
      %dma_wait3A_73 = tpu.memref_slice %arg5[%add3A_58] : memref<160000xi32, #tpu.memory_space<hbm>> -> memref<1000xi32, #tpu.memory_space<hbm>>
      %dma_wait3A_74 = tpu.memref_slice %arg5[%add3A_58] : memref<160000xi32, #tpu.memory_space<hbm>> -> memref<1000xi32, #tpu.memory_space<hbm>>
      tpu.wait_dma2 semaphore(%run_scoped3A : memref<!tpu.dma_semaphore, #tpu.memory_space<semaphore_mem>>) src(%dma_wait3A_74 : memref<1000xi32, #tpu.memory_space<hbm>>) dst(%arg9 : memref<1000xi32, #tpu.memory_space<vmem>>)
      tpu.yield
    }) : () -> ()
    %dma_start3A_62 = arith.constant 0 : i32
    %dma_start3A_63 = arith.constant 0 : i32
    %dma_start3A_64 = tpu.memref_slice %arg3[%dma_start3A_62, %dma_start3A_63] : memref<10000x16xf32, #tpu.memory_space<hbm>> -> memref<10000x16xf32, #tpu.memory_space<hbm>>
    tpu.enqueue_indirect_dma source(%dma_start3A_64 : memref<10000x16xf32, #tpu.memory_space<hbm>>) target(%arg11 : memref<1000x16xf32, #tpu.memory_space<vmem>>) offsets(%arg9 : memref<1000xi32, #tpu.memory_space<vmem>>) semaphore(%arg13 : memref<!tpu.dma_semaphore, #tpu.memory_space<semaphore_mem>>)
    %dma_wait3A_65 = arith.constant 0 : i32
    %dma_wait3A_66 = arith.constant 0 : i32
    %dma_wait3A_67 = tpu.memref_slice %arg2[%dma_wait3A_65, %dma_wait3A_66] : memref<10000x16xf32, #tpu.memory_space<hbm>> -> memref<10000x16xf32, #tpu.memory_space<hbm>>
    tpu.wait_indirect_dma semaphore(%arg12 : memref<!tpu.dma_semaphore, #tpu.memory_space<semaphore_mem>>) src(%dma_wait3A_67 : memref<10000x16xf32, #tpu.memory_space<hbm>>) dst(%arg10 : memref<1000x16xf32, #tpu.memory_space<vmem>>)
    "tpu.region"() ({
      %run_scoped3A = tpu.sem_alloc : memref<!tpu.dma_semaphore, #tpu.memory_space<semaphore_mem>>
      %dma_start3A_71 = arith.constant 0 : i32
      %dma_start3A_72 = tpu.memref_slice %arg6[%add3A_58, %dma_start3A_71] : memref<160000x16xf32, #tpu.memory_space<hbm>> -> memref<1000x16xf32, #tpu.memory_space<hbm>>
      %dma_start3A_73 = arith.constant 0 : i32
      %dma_start3A_74 = tpu.memref_slice %arg6[%add3A_58, %dma_start3A_73] : memref<160000x16xf32, #tpu.memory_space<hbm>> -> memref<1000x16xf32, #tpu.memory_space<hbm>>
      tpu.enqueue_dma source(%arg10 : memref<1000x16xf32, #tpu.memory_space<vmem>>) target(%dma_start3A_74 : memref<1000x16xf32, #tpu.memory_space<hbm>>) target_semaphore(%run_scoped3A : memref<!tpu.dma_semaphore, #tpu.memory_space<semaphore_mem>>)
      %dma_wait3A_75 = arith.constant 0 : i32
      %dma_wait3A_76 = tpu.memref_slice %arg6[%add3A_58, %dma_wait3A_75] : memref<160000x16xf32, #tpu.memory_space<hbm>> -> memref<1000x16xf32, #tpu.memory_space<hbm>>
      %dma_wait3A_77 = arith.constant 0 : i32
      %dma_wait3A_78 = tpu.memref_slice %arg6[%add3A_58, %dma_wait3A_77] : memref<160000x16xf32, #tpu.memory_space<hbm>> -> memref<1000x16xf32, #tpu.memory_space<hbm>>
      tpu.wait_dma2 semaphore(%run_scoped3A : memref<!tpu.dma_semaphore, #tpu.memory_space<semaphore_mem>>) src(%arg10 : memref<1000x16xf32, #tpu.memory_space<vmem>>) dst(%dma_wait3A_78 : memref<1000x16xf32, #tpu.memory_space<hbm>>)
      tpu.yield
    }) : () -> ()
    %dma_wait3A_68 = arith.constant 0 : i32
    %dma_wait3A_69 = arith.constant 0 : i32
    %dma_wait3A_70 = tpu.memref_slice %arg3[%dma_wait3A_68, %dma_wait3A_69] : memref<10000x16xf32, #tpu.memory_space<hbm>> -> memref<10000x16xf32, #tpu.memory_space<hbm>>
    tpu.wait_indirect_dma semaphore(%arg13 : memref<!tpu.dma_semaphore, #tpu.memory_space<semaphore_mem>>) src(%dma_wait3A_70 : memref<10000x16xf32, #tpu.memory_space<hbm>>) dst(%arg11 : memref<1000x16xf32, #tpu.memory_space<vmem>>)
    "tpu.region"() ({
      %run_scoped3A = tpu.sem_alloc : memref<!tpu.dma_semaphore, #tpu.memory_space<semaphore_mem>>
      %dma_start3A_71 = arith.constant 0 : i32
      %dma_start3A_72 = tpu.memref_slice %arg7[%add3A_58, %dma_start3A_71] : memref<160000x16xf32, #tpu.memory_space<hbm>> -> memref<1000x16xf32, #tpu.memory_space<hbm>>
      %dma_start3A_73 = arith.constant 0 : i32
      %dma_start3A_74 = tpu.memref_slice %arg7[%add3A_58, %dma_start3A_73] : memref<160000x16xf32, #tpu.memory_space<hbm>> -> memref<1000x16xf32, #tpu.memory_space<hbm>>
      tpu.enqueue_dma source(%arg11 : memref<1000x16xf32, #tpu.memory_space<vmem>>) target(%dma_start3A_74 : memref<1000x16xf32, #tpu.memory_space<hbm>>) target_semaphore(%run_scoped3A : memref<!tpu.dma_semaphore, #tpu.memory_space<semaphore_mem>>)
      %dma_wait3A_75 = arith.constant 0 : i32
      %dma_wait3A_76 = tpu.memref_slice %arg7[%add3A_58, %dma_wait3A_75] : memref<160000x16xf32, #tpu.memory_space<hbm>> -> memref<1000x16xf32, #tpu.memory_space<hbm>>
      %dma_wait3A_77 = arith.constant 0 : i32
      %dma_wait3A_78 = tpu.memref_slice %arg7[%add3A_58, %dma_wait3A_77] : memref<160000x16xf32, #tpu.memory_space<hbm>> -> memref<1000x16xf32, #tpu.memory_space<hbm>>
      tpu.wait_dma2 semaphore(%run_scoped3A : memref<!tpu.dma_semaphore, #tpu.memory_space<semaphore_mem>>) src(%arg11 : memref<1000x16xf32, #tpu.memory_space<vmem>>) dst(%dma_wait3A_78 : memref<1000x16xf32, #tpu.memory_space<hbm>>)
      tpu.yield
    }) : () -> ()
    return
  }
}

module attributes {stable_mosaic.version = 14 : i64} {
  func.func @_lin0_body(%arg0: i32, %arg1: memref<10000x128xf32, #tpu.memory_space<vmem>>, %arg2: memref<128x16xf32, #tpu.memory_space<vmem>>, %arg3: memref<1x16xf32, #tpu.memory_space<vmem>>, %arg4: memref<10000x16xf32, #tpu.memory_space<vmem>>) attributes {dimension_semantics = [#tpu.dimension_semantics<arbitrary>], iteration_bounds = array<i64: 1>, scalar_prefetch = 0 : i64, scratch_operands = 0 : i64, tpu.core_type = #tpu.core_type<tc>, window_params = [{pipeline_mode = #tpu.pipeline_mode<synchronous>, transform_indices = @transform_0, window_bounds = array<i64: 10000, 128>}, {pipeline_mode = #tpu.pipeline_mode<synchronous>, transform_indices = @transform_1, window_bounds = array<i64: 128, 16>}, {pipeline_mode = #tpu.pipeline_mode<synchronous>, transform_indices = @transform_2, window_bounds = array<i64: 1, 16>}, {pipeline_mode = #tpu.pipeline_mode<synchronous>, transform_indices = @transform_3, window_bounds = array<i64: 10000, 16>}]} {
    %get3A = arith.constant 0 : index
    %get3A_0 = arith.constant 0 : index
    %get3A_1 = vector.load %arg1[%get3A, %get3A_0] : memref<10000x128xf32, #tpu.memory_space<vmem>>, vector<10000x128xf32>
    %get3A_2 = arith.constant 0 : index
    %get3A_3 = arith.constant 0 : index
    %get3A_4 = vector.load %arg2[%get3A_2, %get3A_3] : memref<128x16xf32, #tpu.memory_space<vmem>>, vector<128x16xf32>
    %dot_general3A = arith.constant dense<0.000000e+00> : vector<10000x16xf32>
    %dot_general3A_5 = tpu.matmul %get3A_1, %get3A_4, %dot_general3A {dimension_numbers = #tpu.dot_dimension_numbers<[1], [0], [0], [1], [0, 0, 1, 1], [], []>, transpose_lhs_hint = false} : vector<10000x128xf32>, vector<128x16xf32>, vector<10000x16xf32> -> vector<10000x16xf32>
    %get3A_6 = arith.constant 0 : index
    %get3A_7 = arith.constant 0 : index
    %get3A_8 = vector.load %arg3[%get3A_6, %get3A_7] : memref<1x16xf32, #tpu.memory_space<vmem>>, vector<1x16xf32>
    %add3A = vector.broadcast %get3A_8 : vector<1x16xf32> to vector<10000x16xf32>
    %add3A_9 = arith.addf %dot_general3A_5, %add3A : vector<10000x16xf32>
    %max3A = arith.constant 0.000000e+00 : f32
    %max3A_10 = vector.broadcast %max3A : f32 to vector<10000x16xf32>
    %max3A_11 = arith.maximumf %add3A_9, %max3A_10 : vector<10000x16xf32>
    %swap3A = arith.constant 0 : index
    %swap3A_12 = arith.constant 0 : index
    %swap3A_13 = vector.load %arg4[%swap3A, %swap3A_12] : memref<10000x16xf32, #tpu.memory_space<vmem>>, vector<10000x16xf32>
    tpu.vector_store %arg4[%swap3A, %swap3A_12], %max3A_11 {strides = array<i32>} : memref<10000x16xf32, #tpu.memory_space<vmem>>, vector<10000x16xf32>,
    return
  }
  func.func @transform_0(%arg0: i32) -> (i32, i32) {
    %c0_i32 = arith.constant 0 : i32
    %c0_i32_0 = arith.constant 0 : i32
    %c0_i32_1 = arith.constant 0 : i32
    return %c0_i32, %c0_i32_0 : i32, i32
  }
  func.func @transform_1(%arg0: i32) -> (i32, i32) {
    %c0_i32 = arith.constant 0 : i32
    %c0_i32_0 = arith.constant 0 : i32
    %c0_i32_1 = arith.constant 0 : i32
    return %c0_i32, %c0_i32_0 : i32, i32
  }
  func.func @transform_2(%arg0: i32) -> (i32, i32) {
    %c0_i32 = arith.constant 0 : i32
    %c0_i32_0 = arith.constant 0 : i32
    %c0_i32_1 = arith.constant 0 : i32
    return %c0_i32, %c0_i32_0 : i32, i32
  }
  func.func @transform_3(%arg0: i32) -> (i32, i32) {
    %c0_i32 = arith.constant 0 : i32
    %c0_i32_0 = arith.constant 0 : i32
    %c0_i32_1 = arith.constant 0 : i32
    return %c0_i32, %c0_i32_0 : i32, i32
  }
}

module attributes {stable_mosaic.version = 14 : i64} {
  func.func @_msg_body(%arg0: i32, %arg1: memref<2000x128xf32, #tpu.memory_space<vmem>>, %arg2: memref<2000x128xf32, #tpu.memory_space<vmem>>, %arg3: memref<16x64xf32, #tpu.memory_space<vmem>>, %arg4: memref<1x64xf32, #tpu.memory_space<vmem>>, %arg5: memref<64x256xf32, #tpu.memory_space<vmem>>, %arg6: memref<1x256xf32, #tpu.memory_space<vmem>>, %arg7: memref<16x256xf32, #tpu.memory_space<vmem>>, %arg8: memref<2000x128xf32, #tpu.memory_space<vmem>>) attributes {dimension_semantics = [#tpu.dimension_semantics<arbitrary>], iteration_bounds = array<i64: 10>, scalar_prefetch = 0 : i64, scratch_operands = 0 : i64, tpu.core_type = #tpu.core_type<tc>, window_params = [{transform_indices = @transform_0, window_bounds = array<i64: 2000, 128>}, {transform_indices = @transform_1, window_bounds = array<i64: 2000, 128>}, {pipeline_mode = #tpu.pipeline_mode<synchronous>, transform_indices = @transform_2, window_bounds = array<i64: 16, 64>}, {pipeline_mode = #tpu.pipeline_mode<synchronous>, transform_indices = @transform_3, window_bounds = array<i64: 1, 64>}, {pipeline_mode = #tpu.pipeline_mode<synchronous>, transform_indices = @transform_4, window_bounds = array<i64: 64, 256>}, {pipeline_mode = #tpu.pipeline_mode<synchronous>, transform_indices = @transform_5, window_bounds = array<i64: 1, 256>}, {pipeline_mode = #tpu.pipeline_mode<synchronous>, transform_indices = @transform_6, window_bounds = array<i64: 16, 256>}, {transform_indices = @transform_7, window_bounds = array<i64: 2000, 128>}]} {
    %get3A = arith.constant 0 : index
    %get3A_0 = arith.constant 0 : index
    %get3A_1 = vector.load %arg1[%get3A, %get3A_0] : memref<2000x128xf32, #tpu.memory_space<vmem>>, vector<2000x128xf32>
    %transpose3A = tpu.transpose %get3A_1, [1, 0] : vector<2000x128xf32> -> vector<128x2000xf32>
    %get3A_2 = arith.constant 0 : index
    %get3A_3 = arith.constant 0 : index
    %get3A_4 = vector.load %arg2[%get3A_2, %get3A_3] : memref<2000x128xf32, #tpu.memory_space<vmem>>, vector<2000x128xf32>
    %transpose3A_5 = tpu.transpose %get3A_4, [1, 0] : vector<2000x128xf32> -> vector<128x2000xf32>
    %get3A_6 = arith.constant 0 : index
    %get3A_7 = arith.constant 0 : index
    %get3A_8 = vector.load %arg3[%get3A_6, %get3A_7] : memref<16x64xf32, #tpu.memory_space<vmem>>, vector<16x64xf32>
    %transpose3A_9 = tpu.transpose %get3A_8, [1, 0] : vector<16x64xf32> -> vector<64x16xf32>
    %get3A_10 = arith.constant 0 : index
    %get3A_11 = arith.constant 0 : index
    %get3A_12 = vector.load %arg5[%get3A_10, %get3A_11] : memref<64x256xf32, #tpu.memory_space<vmem>>, vector<64x256xf32>
    %transpose3A_13 = tpu.transpose %get3A_12, [1, 0] : vector<64x256xf32> -> vector<256x64xf32>
    %get3A_14 = arith.constant 0 : index
    %get3A_15 = arith.constant 0 : index
    %get3A_16 = vector.load %arg7[%get3A_14, %get3A_15] : memref<16x256xf32, #tpu.memory_space<vmem>>, vector<16x256xf32>
    %transpose3A_17 = tpu.transpose %get3A_16, [1, 0] : vector<16x256xf32> -> vector<256x16xf32>
    %get3A_18 = arith.constant 0 : index
    %get3A_19 = arith.constant 0 : index
    %get3A_20 = vector.load %arg4[%get3A_18, %get3A_19] : memref<1x64xf32, #tpu.memory_space<vmem>>, vector<1x64xf32>
    %reshape3A = vector.shape_cast %get3A_20 : vector<1x64xf32> to vector<64x1xf32>
    %get3A_21 = arith.constant 0 : index
    %get3A_22 = arith.constant 0 : index
    %get3A_23 = vector.load %arg6[%get3A_21, %get3A_22] : memref<1x256xf32, #tpu.memory_space<vmem>>, vector<1x256xf32>
    %reshape3A_24 = vector.shape_cast %get3A_23 : vector<1x256xf32> to vector<256x1xf32>
    %slice3A = vector.extract_strided_slice %transpose3A_5 {offsets = [0, 0], sizes = [16, 2000], strides = [1, 1]} : vector<128x2000xf32> to vector<16x2000xf32>
    %slice3A_25 = vector.extract_strided_slice %transpose3A {offsets = [0, 0], sizes = [16, 2000], strides = [1, 1]} : vector<128x2000xf32> to vector<16x2000xf32>
    %dot_general3A = arith.constant dense<0.000000e+00> : vector<64x2000xf32>
    %dot_general3A_26 = tpu.matmul %transpose3A_9, %slice3A, %dot_general3A {dimension_numbers = #tpu.dot_dimension_numbers<[1], [0], [0], [1], [0, 0, 1, 1], [], []>, transpose_lhs_hint = false} : vector<64x16xf32>, vector<16x2000xf32>, vector<64x2000xf32> -> vector<64x2000xf32>
    %add3A = vector.broadcast %reshape3A : vector<64x1xf32> to vector<64x2000xf32>
    %add3A_27 = arith.addf %dot_general3A_26, %add3A : vector<64x2000xf32>
    %max3A = arith.constant 0.000000e+00 : f32
    %max3A_28 = vector.broadcast %max3A : f32 to vector<64x2000xf32>
    %max3A_29 = arith.maximumf %add3A_27, %max3A_28 : vector<64x2000xf32>
    %dot_general3A_30 = arith.constant dense<0.000000e+00> : vector<256x2000xf32>
    %dot_general3A_31 = tpu.matmul %transpose3A_13, %max3A_29, %dot_general3A_30 {dimension_numbers = #tpu.dot_dimension_numbers<[1], [0], [0], [1], [0, 0, 1, 1], [], []>, transpose_lhs_hint = false} : vector<256x64xf32>, vector<64x2000xf32>, vector<256x2000xf32> -> vector<256x2000xf32>
    %add3A_32 = vector.broadcast %reshape3A_24 : vector<256x1xf32> to vector<256x2000xf32>
    %add3A_33 = arith.addf %dot_general3A_31, %add3A_32 : vector<256x2000xf32>
    %dot_general3A_34 = arith.constant dense<0.000000e+00> : vector<256x2000xf32>
    %dot_general3A_35 = tpu.matmul %transpose3A_17, %slice3A_25, %dot_general3A_34 {dimension_numbers = #tpu.dot_dimension_numbers<[1], [0], [0], [1], [0, 0, 1, 1], [], []>, transpose_lhs_hint = false} : vector<256x16xf32>, vector<16x2000xf32>, vector<256x2000xf32> -> vector<256x2000xf32>
    %mul3A = arith.mulf %dot_general3A_35, %add3A_33 : vector<256x2000xf32>
    %slice3A_36 = vector.extract_strided_slice %mul3A {offsets = [0, 0], sizes = [128, 2000], strides = [1, 1]} : vector<256x2000xf32> to vector<128x2000xf32>
    %slice3A_37 = vector.extract_strided_slice %mul3A {offsets = [128, 0], sizes = [128, 2000], strides = [1, 1]} : vector<256x2000xf32> to vector<128x2000xf32>
    %add3A_38 = arith.addf %slice3A_36, %slice3A_37 : vector<128x2000xf32>
    %slice3A_39 = vector.extract_strided_slice %add3A_38 {offsets = [0, 0], sizes = [64, 2000], strides = [1, 1]} : vector<128x2000xf32> to vector<64x2000xf32>
    %slice3A_40 = vector.extract_strided_slice %add3A_38 {offsets = [64, 0], sizes = [64, 2000], strides = [1, 1]} : vector<128x2000xf32> to vector<64x2000xf32>
    %add3A_41 = arith.addf %slice3A_39, %slice3A_40 : vector<64x2000xf32>
    %slice3A_42 = vector.extract_strided_slice %add3A_41 {offsets = [0, 0], sizes = [32, 2000], strides = [1, 1]} : vector<64x2000xf32> to vector<32x2000xf32>
    %slice3A_43 = vector.extract_strided_slice %add3A_41 {offsets = [32, 0], sizes = [32, 2000], strides = [1, 1]} : vector<64x2000xf32> to vector<32x2000xf32>
    %add3A_44 = arith.addf %slice3A_42, %slice3A_43 : vector<32x2000xf32>
    %slice3A_45 = vector.extract_strided_slice %add3A_44 {offsets = [0, 0], sizes = [16, 2000], strides = [1, 1]} : vector<32x2000xf32> to vector<16x2000xf32>
    %slice3A_46 = vector.extract_strided_slice %add3A_44 {offsets = [16, 0], sizes = [16, 2000], strides = [1, 1]} : vector<32x2000xf32> to vector<16x2000xf32>
    %add3A_47 = arith.addf %slice3A_45, %slice3A_46 : vector<16x2000xf32>
    %slice3A_48 = vector.extract_strided_slice %transpose3A_5 {offsets = [16, 0], sizes = [16, 2000], strides = [1, 1]} : vector<128x2000xf32> to vector<16x2000xf32>
    %slice3A_49 = vector.extract_strided_slice %transpose3A {offsets = [16, 0], sizes = [16, 2000], strides = [1, 1]} : vector<128x2000xf32> to vector<16x2000xf32>
    %dot_general3A_50 = arith.constant dense<0.000000e+00> : vector<64x2000xf32>
    %dot_general3A_51 = tpu.matmul %transpose3A_9, %slice3A_48, %dot_general3A_50 {dimension_numbers = #tpu.dot_dimension_numbers<[1], [0], [0], [1], [0, 0, 1, 1], [], []>, transpose_lhs_hint = false} : vector<64x16xf32>, vector<16x2000xf32>, vector<64x2000xf32> -> vector<64x2000xf32>
    %add3A_52 = vector.broadcast %reshape3A : vector<64x1xf32> to vector<64x2000xf32>
    %add3A_53 = arith.addf %dot_general3A_51, %add3A_52 : vector<64x2000xf32>
    %max3A_54 = arith.constant 0.000000e+00 : f32
    %max3A_55 = vector.broadcast %max3A_54 : f32 to vector<64x2000xf32>
    %max3A_56 = arith.maximumf %add3A_53, %max3A_55 : vector<64x2000xf32>
    %dot_general3A_57 = arith.constant dense<0.000000e+00> : vector<256x2000xf32>
    %dot_general3A_58 = tpu.matmul %transpose3A_13, %max3A_56, %dot_general3A_57 {dimension_numbers = #tpu.dot_dimension_numbers<[1], [0], [0], [1], [0, 0, 1, 1], [], []>, transpose_lhs_hint = false} : vector<256x64xf32>, vector<64x2000xf32>, vector<256x2000xf32> -> vector<256x2000xf32>
    %add3A_59 = vector.broadcast %reshape3A_24 : vector<256x1xf32> to vector<256x2000xf32>
    %add3A_60 = arith.addf %dot_general3A_58, %add3A_59 : vector<256x2000xf32>
    %dot_general3A_61 = arith.constant dense<0.000000e+00> : vector<256x2000xf32>
    %dot_general3A_62 = tpu.matmul %transpose3A_17, %slice3A_49, %dot_general3A_61 {dimension_numbers = #tpu.dot_dimension_numbers<[1], [0], [0], [1], [0, 0, 1, 1], [], []>, transpose_lhs_hint = false} : vector<256x16xf32>, vector<16x2000xf32>, vector<256x2000xf32> -> vector<256x2000xf32>
    %mul3A_63 = arith.mulf %dot_general3A_62, %add3A_60 : vector<256x2000xf32>
    %slice3A_64 = vector.extract_strided_slice %mul3A_63 {offsets = [0, 0], sizes = [128, 2000], strides = [1, 1]} : vector<256x2000xf32> to vector<128x2000xf32>
    %slice3A_65 = vector.extract_strided_slice %mul3A_63 {offsets = [128, 0], sizes = [128, 2000], strides = [1, 1]} : vector<256x2000xf32> to vector<128x2000xf32>
    %add3A_66 = arith.addf %slice3A_64, %slice3A_65 : vector<128x2000xf32>
    %slice3A_67 = vector.extract_strided_slice %add3A_66 {offsets = [0, 0], sizes = [64, 2000], strides = [1, 1]} : vector<128x2000xf32> to vector<64x2000xf32>
    %slice3A_68 = vector.extract_strided_slice %add3A_66 {offsets = [64, 0], sizes = [64, 2000], strides = [1, 1]} : vector<128x2000xf32> to vector<64x2000xf32>
    %add3A_69 = arith.addf %slice3A_67, %slice3A_68 : vector<64x2000xf32>
    %slice3A_70 = vector.extract_strided_slice %add3A_69 {offsets = [0, 0], sizes = [32, 2000], strides = [1, 1]} : vector<64x2000xf32> to vector<32x2000xf32>
    %slice3A_71 = vector.extract_strided_slice %add3A_69 {offsets = [32, 0], sizes = [32, 2000], strides = [1, 1]} : vector<64x2000xf32> to vector<32x2000xf32>
    %add3A_72 = arith.addf %slice3A_70, %slice3A_71 : vector<32x2000xf32>
    %slice3A_73 = vector.extract_strided_slice %add3A_72 {offsets = [0, 0], sizes = [16, 2000], strides = [1, 1]} : vector<32x2000xf32> to vector<16x2000xf32>
    %slice3A_74 = vector.extract_strided_slice %add3A_72 {offsets = [16, 0], sizes = [16, 2000], strides = [1, 1]} : vector<32x2000xf32> to vector<16x2000xf32>
    %add3A_75 = arith.addf %slice3A_73, %slice3A_74 : vector<16x2000xf32>
    %slice3A_76 = vector.extract_strided_slice %transpose3A_5 {offsets = [32, 0], sizes = [16, 2000], strides = [1, 1]} : vector<128x2000xf32> to vector<16x2000xf32>
    %slice3A_77 = vector.extract_strided_slice %transpose3A {offsets = [32, 0], sizes = [16, 2000], strides = [1, 1]} : vector<128x2000xf32> to vector<16x2000xf32>
    %dot_general3A_78 = arith.constant dense<0.000000e+00> : vector<64x2000xf32>
    %dot_general3A_79 = tpu.matmul %transpose3A_9, %slice3A_76, %dot_general3A_78 {dimension_numbers = #tpu.dot_dimension_numbers<[1], [0], [0], [1], [0, 0, 1, 1], [], []>, transpose_lhs_hint = false} : vector<64x16xf32>, vector<16x2000xf32>, vector<64x2000xf32> -> vector<64x2000xf32>
    %add3A_80 = vector.broadcast %reshape3A : vector<64x1xf32> to vector<64x2000xf32>
    %add3A_81 = arith.addf %dot_general3A_79, %add3A_80 : vector<64x2000xf32>
    %max3A_82 = arith.constant 0.000000e+00 : f32
    %max3A_83 = vector.broadcast %max3A_82 : f32 to vector<64x2000xf32>
    %max3A_84 = arith.maximumf %add3A_81, %max3A_83 : vector<64x2000xf32>
    %dot_general3A_85 = arith.constant dense<0.000000e+00> : vector<256x2000xf32>
    %dot_general3A_86 = tpu.matmul %transpose3A_13, %max3A_84, %dot_general3A_85 {dimension_numbers = #tpu.dot_dimension_numbers<[1], [0], [0], [1], [0, 0, 1, 1], [], []>, transpose_lhs_hint = false} : vector<256x64xf32>, vector<64x2000xf32>, vector<256x2000xf32> -> vector<256x2000xf32>
    %add3A_87 = vector.broadcast %reshape3A_24 : vector<256x1xf32> to vector<256x2000xf32>
    %add3A_88 = arith.addf %dot_general3A_86, %add3A_87 : vector<256x2000xf32>
    %dot_general3A_89 = arith.constant dense<0.000000e+00> : vector<256x2000xf32>
    %dot_general3A_90 = tpu.matmul %transpose3A_17, %slice3A_77, %dot_general3A_89 {dimension_numbers = #tpu.dot_dimension_numbers<[1], [0], [0], [1], [0, 0, 1, 1], [], []>, transpose_lhs_hint = false} : vector<256x16xf32>, vector<16x2000xf32>, vector<256x2000xf32> -> vector<256x2000xf32>
    %mul3A_91 = arith.mulf %dot_general3A_90, %add3A_88 : vector<256x2000xf32>
    %slice3A_92 = vector.extract_strided_slice %mul3A_91 {offsets = [0, 0], sizes = [128, 2000], strides = [1, 1]} : vector<256x2000xf32> to vector<128x2000xf32>
    %slice3A_93 = vector.extract_strided_slice %mul3A_91 {offsets = [128, 0], sizes = [128, 2000], strides = [1, 1]} : vector<256x2000xf32> to vector<128x2000xf32>
    %add3A_94 = arith.addf %slice3A_92, %slice3A_93 : vector<128x2000xf32>
    %slice3A_95 = vector.extract_strided_slice %add3A_94 {offsets = [0, 0], sizes = [64, 2000], strides = [1, 1]} : vector<128x2000xf32> to vector<64x2000xf32>
    %slice3A_96 = vector.extract_strided_slice %add3A_94 {offsets = [64, 0], sizes = [64, 2000], strides = [1, 1]} : vector<128x2000xf32> to vector<64x2000xf32>
    %add3A_97 = arith.addf %slice3A_95, %slice3A_96 : vector<64x2000xf32>
    %slice3A_98 = vector.extract_strided_slice %add3A_97 {offsets = [0, 0], sizes = [32, 2000], strides = [1, 1]} : vector<64x2000xf32> to vector<32x2000xf32>
    %slice3A_99 = vector.extract_strided_slice %add3A_97 {offsets = [32, 0], sizes = [32, 2000], strides = [1, 1]} : vector<64x2000xf32> to vector<32x2000xf32>
    %add3A_100 = arith.addf %slice3A_98, %slice3A_99 : vector<32x2000xf32>
    %slice3A_101 = vector.extract_strided_slice %add3A_100 {offsets = [0, 0], sizes = [16, 2000], strides = [1, 1]} : vector<32x2000xf32> to vector<16x2000xf32>
    %slice3A_102 = vector.extract_strided_slice %add3A_100 {offsets = [16, 0], sizes = [16, 2000], strides = [1, 1]} : vector<32x2000xf32> to vector<16x2000xf32>
    %add3A_103 = arith.addf %slice3A_101, %slice3A_102 : vector<16x2000xf32>
    %slice3A_104 = vector.extract_strided_slice %transpose3A_5 {offsets = [48, 0], sizes = [16, 2000], strides = [1, 1]} : vector<128x2000xf32> to vector<16x2000xf32>
    %slice3A_105 = vector.extract_strided_slice %transpose3A {offsets = [48, 0], sizes = [16, 2000], strides = [1, 1]} : vector<128x2000xf32> to vector<16x2000xf32>
    %dot_general3A_106 = arith.constant dense<0.000000e+00> : vector<64x2000xf32>
    %dot_general3A_107 = tpu.matmul %transpose3A_9, %slice3A_104, %dot_general3A_106 {dimension_numbers = #tpu.dot_dimension_numbers<[1], [0], [0], [1], [0, 0, 1, 1], [], []>, transpose_lhs_hint = false} : vector<64x16xf32>, vector<16x2000xf32>, vector<64x2000xf32> -> vector<64x2000xf32>
    %add3A_108 = vector.broadcast %reshape3A : vector<64x1xf32> to vector<64x2000xf32>
    %add3A_109 = arith.addf %dot_general3A_107, %add3A_108 : vector<64x2000xf32>
    %max3A_110 = arith.constant 0.000000e+00 : f32
    %max3A_111 = vector.broadcast %max3A_110 : f32 to vector<64x2000xf32>
    %max3A_112 = arith.maximumf %add3A_109, %max3A_111 : vector<64x2000xf32>
    %dot_general3A_113 = arith.constant dense<0.000000e+00> : vector<256x2000xf32>
    %dot_general3A_114 = tpu.matmul %transpose3A_13, %max3A_112, %dot_general3A_113 {dimension_numbers = #tpu.dot_dimension_numbers<[1], [0], [0], [1], [0, 0, 1, 1], [], []>, transpose_lhs_hint = false} : vector<256x64xf32>, vector<64x2000xf32>, vector<256x2000xf32> -> vector<256x2000xf32>
    %add3A_115 = vector.broadcast %reshape3A_24 : vector<256x1xf32> to vector<256x2000xf32>
    %add3A_116 = arith.addf %dot_general3A_114, %add3A_115 : vector<256x2000xf32>
    %dot_general3A_117 = arith.constant dense<0.000000e+00> : vector<256x2000xf32>
    %dot_general3A_118 = tpu.matmul %transpose3A_17, %slice3A_105, %dot_general3A_117 {dimension_numbers = #tpu.dot_dimension_numbers<[1], [0], [0], [1], [0, 0, 1, 1], [], []>, transpose_lhs_hint = false} : vector<256x16xf32>, vector<16x2000xf32>, vector<256x2000xf32> -> vector<256x2000xf32>
    %mul3A_119 = arith.mulf %dot_general3A_118, %add3A_116 : vector<256x2000xf32>
    %slice3A_120 = vector.extract_strided_slice %mul3A_119 {offsets = [0, 0], sizes = [128, 2000], strides = [1, 1]} : vector<256x2000xf32> to vector<128x2000xf32>
    %slice3A_121 = vector.extract_strided_slice %mul3A_119 {offsets = [128, 0], sizes = [128, 2000], strides = [1, 1]} : vector<256x2000xf32> to vector<128x2000xf32>
    %add3A_122 = arith.addf %slice3A_120, %slice3A_121 : vector<128x2000xf32>
    %slice3A_123 = vector.extract_strided_slice %add3A_122 {offsets = [0, 0], sizes = [64, 2000], strides = [1, 1]} : vector<128x2000xf32> to vector<64x2000xf32>
    %slice3A_124 = vector.extract_strided_slice %add3A_122 {offsets = [64, 0], sizes = [64, 2000], strides = [1, 1]} : vector<128x2000xf32> to vector<64x2000xf32>
    %add3A_125 = arith.addf %slice3A_123, %slice3A_124 : vector<64x2000xf32>
    %slice3A_126 = vector.extract_strided_slice %add3A_125 {offsets = [0, 0], sizes = [32, 2000], strides = [1, 1]} : vector<64x2000xf32> to vector<32x2000xf32>
    %slice3A_127 = vector.extract_strided_slice %add3A_125 {offsets = [32, 0], sizes = [32, 2000], strides = [1, 1]} : vector<64x2000xf32> to vector<32x2000xf32>
    %add3A_128 = arith.addf %slice3A_126, %slice3A_127 : vector<32x2000xf32>
    %slice3A_129 = vector.extract_strided_slice %add3A_128 {offsets = [0, 0], sizes = [16, 2000], strides = [1, 1]} : vector<32x2000xf32> to vector<16x2000xf32>
    %slice3A_130 = vector.extract_strided_slice %add3A_128 {offsets = [16, 0], sizes = [16, 2000], strides = [1, 1]} : vector<32x2000xf32> to vector<16x2000xf32>
    %add3A_131 = arith.addf %slice3A_129, %slice3A_130 : vector<16x2000xf32>
    %slice3A_132 = vector.extract_strided_slice %transpose3A_5 {offsets = [64, 0], sizes = [16, 2000], strides = [1, 1]} : vector<128x2000xf32> to vector<16x2000xf32>
    %slice3A_133 = vector.extract_strided_slice %transpose3A {offsets = [64, 0], sizes = [16, 2000], strides = [1, 1]} : vector<128x2000xf32> to vector<16x2000xf32>
    %dot_general3A_134 = arith.constant dense<0.000000e+00> : vector<64x2000xf32>
    %dot_general3A_135 = tpu.matmul %transpose3A_9, %slice3A_132, %dot_general3A_134 {dimension_numbers = #tpu.dot_dimension_numbers<[1], [0], [0], [1], [0, 0, 1, 1], [], []>, transpose_lhs_hint = false} : vector<64x16xf32>, vector<16x2000xf32>, vector<64x2000xf32> -> vector<64x2000xf32>
    %add3A_136 = vector.broadcast %reshape3A : vector<64x1xf32> to vector<64x2000xf32>
    %add3A_137 = arith.addf %dot_general3A_135, %add3A_136 : vector<64x2000xf32>
    %max3A_138 = arith.constant 0.000000e+00 : f32
    %max3A_139 = vector.broadcast %max3A_138 : f32 to vector<64x2000xf32>
    %max3A_140 = arith.maximumf %add3A_137, %max3A_139 : vector<64x2000xf32>
    %dot_general3A_141 = arith.constant dense<0.000000e+00> : vector<256x2000xf32>
    %dot_general3A_142 = tpu.matmul %transpose3A_13, %max3A_140, %dot_general3A_141 {dimension_numbers = #tpu.dot_dimension_numbers<[1], [0], [0], [1], [0, 0, 1, 1], [], []>, transpose_lhs_hint = false} : vector<256x64xf32>, vector<64x2000xf32>, vector<256x2000xf32> -> vector<256x2000xf32>
    %add3A_143 = vector.broadcast %reshape3A_24 : vector<256x1xf32> to vector<256x2000xf32>
    %add3A_144 = arith.addf %dot_general3A_142, %add3A_143 : vector<256x2000xf32>
    %dot_general3A_145 = arith.constant dense<0.000000e+00> : vector<256x2000xf32>
    %dot_general3A_146 = tpu.matmul %transpose3A_17, %slice3A_133, %dot_general3A_145 {dimension_numbers = #tpu.dot_dimension_numbers<[1], [0], [0], [1], [0, 0, 1, 1], [], []>, transpose_lhs_hint = false} : vector<256x16xf32>, vector<16x2000xf32>, vector<256x2000xf32> -> vector<256x2000xf32>
    %mul3A_147 = arith.mulf %dot_general3A_146, %add3A_144 : vector<256x2000xf32>
    %slice3A_148 = vector.extract_strided_slice %mul3A_147 {offsets = [0, 0], sizes = [128, 2000], strides = [1, 1]} : vector<256x2000xf32> to vector<128x2000xf32>
    %slice3A_149 = vector.extract_strided_slice %mul3A_147 {offsets = [128, 0], sizes = [128, 2000], strides = [1, 1]} : vector<256x2000xf32> to vector<128x2000xf32>
    %add3A_150 = arith.addf %slice3A_148, %slice3A_149 : vector<128x2000xf32>
    %slice3A_151 = vector.extract_strided_slice %add3A_150 {offsets = [0, 0], sizes = [64, 2000], strides = [1, 1]} : vector<128x2000xf32> to vector<64x2000xf32>
    %slice3A_152 = vector.extract_strided_slice %add3A_150 {offsets = [64, 0], sizes = [64, 2000], strides = [1, 1]} : vector<128x2000xf32> to vector<64x2000xf32>
    %add3A_153 = arith.addf %slice3A_151, %slice3A_152 : vector<64x2000xf32>
    %slice3A_154 = vector.extract_strided_slice %add3A_153 {offsets = [0, 0], sizes = [32, 2000], strides = [1, 1]} : vector<64x2000xf32> to vector<32x2000xf32>
    %slice3A_155 = vector.extract_strided_slice %add3A_153 {offsets = [32, 0], sizes = [32, 2000], strides = [1, 1]} : vector<64x2000xf32> to vector<32x2000xf32>
    %add3A_156 = arith.addf %slice3A_154, %slice3A_155 : vector<32x2000xf32>
    %slice3A_157 = vector.extract_strided_slice %add3A_156 {offsets = [0, 0], sizes = [16, 2000], strides = [1, 1]} : vector<32x2000xf32> to vector<16x2000xf32>
    %slice3A_158 = vector.extract_strided_slice %add3A_156 {offsets = [16, 0], sizes = [16, 2000], strides = [1, 1]} : vector<32x2000xf32> to vector<16x2000xf32>
    %add3A_159 = arith.addf %slice3A_157, %slice3A_158 : vector<16x2000xf32>
    %slice3A_160 = vector.extract_strided_slice %transpose3A_5 {offsets = [80, 0], sizes = [16, 2000], strides = [1, 1]} : vector<128x2000xf32> to vector<16x2000xf32>
    %slice3A_161 = vector.extract_strided_slice %transpose3A {offsets = [80, 0], sizes = [16, 2000], strides = [1, 1]} : vector<128x2000xf32> to vector<16x2000xf32>
    %dot_general3A_162 = arith.constant dense<0.000000e+00> : vector<64x2000xf32>
    %dot_general3A_163 = tpu.matmul %transpose3A_9, %slice3A_160, %dot_general3A_162 {dimension_numbers = #tpu.dot_dimension_numbers<[1], [0], [0], [1], [0, 0, 1, 1], [], []>, transpose_lhs_hint = false} : vector<64x16xf32>, vector<16x2000xf32>, vector<64x2000xf32> -> vector<64x2000xf32>
    %add3A_164 = vector.broadcast %reshape3A : vector<64x1xf32> to vector<64x2000xf32>
    %add3A_165 = arith.addf %dot_general3A_163, %add3A_164 : vector<64x2000xf32>
    %max3A_166 = arith.constant 0.000000e+00 : f32
    %max3A_167 = vector.broadcast %max3A_166 : f32 to vector<64x2000xf32>
    %max3A_168 = arith.maximumf %add3A_165, %max3A_167 : vector<64x2000xf32>
    %dot_general3A_169 = arith.constant dense<0.000000e+00> : vector<256x2000xf32>
    %dot_general3A_170 = tpu.matmul %transpose3A_13, %max3A_168, %dot_general3A_169 {dimension_numbers = #tpu.dot_dimension_numbers<[1], [0], [0], [1], [0, 0, 1, 1], [], []>, transpose_lhs_hint = false} : vector<256x64xf32>, vector<64x2000xf32>, vector<256x2000xf32> -> vector<256x2000xf32>
    %add3A_171 = vector.broadcast %reshape3A_24 : vector<256x1xf32> to vector<256x2000xf32>
    %add3A_172 = arith.addf %dot_general3A_170, %add3A_171 : vector<256x2000xf32>
    %dot_general3A_173 = arith.constant dense<0.000000e+00> : vector<256x2000xf32>
    %dot_general3A_174 = tpu.matmul %transpose3A_17, %slice3A_161, %dot_general3A_173 {dimension_numbers = #tpu.dot_dimension_numbers<[1], [0], [0], [1], [0, 0, 1, 1], [], []>, transpose_lhs_hint = false} : vector<256x16xf32>, vector<16x2000xf32>, vector<256x2000xf32> -> vector<256x2000xf32>
    %mul3A_175 = arith.mulf %dot_general3A_174, %add3A_172 : vector<256x2000xf32>
    %slice3A_176 = vector.extract_strided_slice %mul3A_175 {offsets = [0, 0], sizes = [128, 2000], strides = [1, 1]} : vector<256x2000xf32> to vector<128x2000xf32>
    %slice3A_177 = vector.extract_strided_slice %mul3A_175 {offsets = [128, 0], sizes = [128, 2000], strides = [1, 1]} : vector<256x2000xf32> to vector<128x2000xf32>
    %add3A_178 = arith.addf %slice3A_176, %slice3A_177 : vector<128x2000xf32>
    %slice3A_179 = vector.extract_strided_slice %add3A_178 {offsets = [0, 0], sizes = [64, 2000], strides = [1, 1]} : vector<128x2000xf32> to vector<64x2000xf32>
    %slice3A_180 = vector.extract_strided_slice %add3A_178 {offsets = [64, 0], sizes = [64, 2000], strides = [1, 1]} : vector<128x2000xf32> to vector<64x2000xf32>
    %add3A_181 = arith.addf %slice3A_179, %slice3A_180 : vector<64x2000xf32>
    %slice3A_182 = vector.extract_strided_slice %add3A_181 {offsets = [0, 0], sizes = [32, 2000], strides = [1, 1]} : vector<64x2000xf32> to vector<32x2000xf32>
    %slice3A_183 = vector.extract_strided_slice %add3A_181 {offsets = [32, 0], sizes = [32, 2000], strides = [1, 1]} : vector<64x2000xf32> to vector<32x2000xf32>
    %add3A_184 = arith.addf %slice3A_182, %slice3A_183 : vector<32x2000xf32>
    %slice3A_185 = vector.extract_strided_slice %add3A_184 {offsets = [0, 0], sizes = [16, 2000], strides = [1, 1]} : vector<32x2000xf32> to vector<16x2000xf32>
    %slice3A_186 = vector.extract_strided_slice %add3A_184 {offsets = [16, 0], sizes = [16, 2000], strides = [1, 1]} : vector<32x2000xf32> to vector<16x2000xf32>
    %add3A_187 = arith.addf %slice3A_185, %slice3A_186 : vector<16x2000xf32>
    %slice3A_188 = vector.extract_strided_slice %transpose3A_5 {offsets = [96, 0], sizes = [16, 2000], strides = [1, 1]} : vector<128x2000xf32> to vector<16x2000xf32>
    %slice3A_189 = vector.extract_strided_slice %transpose3A {offsets = [96, 0], sizes = [16, 2000], strides = [1, 1]} : vector<128x2000xf32> to vector<16x2000xf32>
    %dot_general3A_190 = arith.constant dense<0.000000e+00> : vector<64x2000xf32>
    %dot_general3A_191 = tpu.matmul %transpose3A_9, %slice3A_188, %dot_general3A_190 {dimension_numbers = #tpu.dot_dimension_numbers<[1], [0], [0], [1], [0, 0, 1, 1], [], []>, transpose_lhs_hint = false} : vector<64x16xf32>, vector<16x2000xf32>, vector<64x2000xf32> -> vector<64x2000xf32>
    %add3A_192 = vector.broadcast %reshape3A : vector<64x1xf32> to vector<64x2000xf32>
    %add3A_193 = arith.addf %dot_general3A_191, %add3A_192 : vector<64x2000xf32>
    %max3A_194 = arith.constant 0.000000e+00 : f32
    %max3A_195 = vector.broadcast %max3A_194 : f32 to vector<64x2000xf32>
    %max3A_196 = arith.maximumf %add3A_193, %max3A_195 : vector<64x2000xf32>
    %dot_general3A_197 = arith.constant dense<0.000000e+00> : vector<256x2000xf32>
    %dot_general3A_198 = tpu.matmul %transpose3A_13, %max3A_196, %dot_general3A_197 {dimension_numbers = #tpu.dot_dimension_numbers<[1], [0], [0], [1], [0, 0, 1, 1], [], []>, transpose_lhs_hint = false} : vector<256x64xf32>, vector<64x2000xf32>, vector<256x2000xf32> -> vector<256x2000xf32>
    %add3A_199 = vector.broadcast %reshape3A_24 : vector<256x1xf32> to vector<256x2000xf32>
    %add3A_200 = arith.addf %dot_general3A_198, %add3A_199 : vector<256x2000xf32>
    %dot_general3A_201 = arith.constant dense<0.000000e+00> : vector<256x2000xf32>
    %dot_general3A_202 = tpu.matmul %transpose3A_17, %slice3A_189, %dot_general3A_201 {dimension_numbers = #tpu.dot_dimension_numbers<[1], [0], [0], [1], [0, 0, 1, 1], [], []>, transpose_lhs_hint = false} : vector<256x16xf32>, vector<16x2000xf32>, vector<256x2000xf32> -> vector<256x2000xf32>
    %mul3A_203 = arith.mulf %dot_general3A_202, %add3A_200 : vector<256x2000xf32>
    %slice3A_204 = vector.extract_strided_slice %mul3A_203 {offsets = [0, 0], sizes = [128, 2000], strides = [1, 1]} : vector<256x2000xf32> to vector<128x2000xf32>
    %slice3A_205 = vector.extract_strided_slice %mul3A_203 {offsets = [128, 0], sizes = [128, 2000], strides = [1, 1]} : vector<256x2000xf32> to vector<128x2000xf32>
    %add3A_206 = arith.addf %slice3A_204, %slice3A_205 : vector<128x2000xf32>
    %slice3A_207 = vector.extract_strided_slice %add3A_206 {offsets = [0, 0], sizes = [64, 2000], strides = [1, 1]} : vector<128x2000xf32> to vector<64x2000xf32>
    %slice3A_208 = vector.extract_strided_slice %add3A_206 {offsets = [64, 0], sizes = [64, 2000], strides = [1, 1]} : vector<128x2000xf32> to vector<64x2000xf32>
    %add3A_209 = arith.addf %slice3A_207, %slice3A_208 : vector<64x2000xf32>
    %slice3A_210 = vector.extract_strided_slice %add3A_209 {offsets = [0, 0], sizes = [32, 2000], strides = [1, 1]} : vector<64x2000xf32> to vector<32x2000xf32>
    %slice3A_211 = vector.extract_strided_slice %add3A_209 {offsets = [32, 0], sizes = [32, 2000], strides = [1, 1]} : vector<64x2000xf32> to vector<32x2000xf32>
    %add3A_212 = arith.addf %slice3A_210, %slice3A_211 : vector<32x2000xf32>
    %slice3A_213 = vector.extract_strided_slice %add3A_212 {offsets = [0, 0], sizes = [16, 2000], strides = [1, 1]} : vector<32x2000xf32> to vector<16x2000xf32>
    %slice3A_214 = vector.extract_strided_slice %add3A_212 {offsets = [16, 0], sizes = [16, 2000], strides = [1, 1]} : vector<32x2000xf32> to vector<16x2000xf32>
    %add3A_215 = arith.addf %slice3A_213, %slice3A_214 : vector<16x2000xf32>
    %slice3A_216 = vector.extract_strided_slice %transpose3A_5 {offsets = [112, 0], sizes = [16, 2000], strides = [1, 1]} : vector<128x2000xf32> to vector<16x2000xf32>
    %slice3A_217 = vector.extract_strided_slice %transpose3A {offsets = [112, 0], sizes = [16, 2000], strides = [1, 1]} : vector<128x2000xf32> to vector<16x2000xf32>
    %dot_general3A_218 = arith.constant dense<0.000000e+00> : vector<64x2000xf32>
    %dot_general3A_219 = tpu.matmul %transpose3A_9, %slice3A_216, %dot_general3A_218 {dimension_numbers = #tpu.dot_dimension_numbers<[1], [0], [0], [1], [0, 0, 1, 1], [], []>, transpose_lhs_hint = false} : vector<64x16xf32>, vector<16x2000xf32>, vector<64x2000xf32> -> vector<64x2000xf32>
    %add3A_220 = vector.broadcast %reshape3A : vector<64x1xf32> to vector<64x2000xf32>
    %add3A_221 = arith.addf %dot_general3A_219, %add3A_220 : vector<64x2000xf32>
    %max3A_222 = arith.constant 0.000000e+00 : f32
    %max3A_223 = vector.broadcast %max3A_222 : f32 to vector<64x2000xf32>
    %max3A_224 = arith.maximumf %add3A_221, %max3A_223 : vector<64x2000xf32>
    %dot_general3A_225 = arith.constant dense<0.000000e+00> : vector<256x2000xf32>
    %dot_general3A_226 = tpu.matmul %transpose3A_13, %max3A_224, %dot_general3A_225 {dimension_numbers = #tpu.dot_dimension_numbers<[1], [0], [0], [1], [0, 0, 1, 1], [], []>, transpose_lhs_hint = false} : vector<256x64xf32>, vector<64x2000xf32>, vector<256x2000xf32> -> vector<256x2000xf32>
    %add3A_227 = vector.broadcast %reshape3A_24 : vector<256x1xf32> to vector<256x2000xf32>
    %add3A_228 = arith.addf %dot_general3A_226, %add3A_227 : vector<256x2000xf32>
    %dot_general3A_229 = arith.constant dense<0.000000e+00> : vector<256x2000xf32>
    %dot_general3A_230 = tpu.matmul %transpose3A_17, %slice3A_217, %dot_general3A_229 {dimension_numbers = #tpu.dot_dimension_numbers<[1], [0], [0], [1], [0, 0, 1, 1], [], []>, transpose_lhs_hint = false} : vector<256x16xf32>, vector<16x2000xf32>, vector<256x2000xf32> -> vector<256x2000xf32>
    %mul3A_231 = arith.mulf %dot_general3A_230, %add3A_228 : vector<256x2000xf32>
    %slice3A_232 = vector.extract_strided_slice %mul3A_231 {offsets = [0, 0], sizes = [128, 2000], strides = [1, 1]} : vector<256x2000xf32> to vector<128x2000xf32>
    %slice3A_233 = vector.extract_strided_slice %mul3A_231 {offsets = [128, 0], sizes = [128, 2000], strides = [1, 1]} : vector<256x2000xf32> to vector<128x2000xf32>
    %add3A_234 = arith.addf %slice3A_232, %slice3A_233 : vector<128x2000xf32>
    %slice3A_235 = vector.extract_strided_slice %add3A_234 {offsets = [0, 0], sizes = [64, 2000], strides = [1, 1]} : vector<128x2000xf32> to vector<64x2000xf32>
    %slice3A_236 = vector.extract_strided_slice %add3A_234 {offsets = [64, 0], sizes = [64, 2000], strides = [1, 1]} : vector<128x2000xf32> to vector<64x2000xf32>
    %add3A_237 = arith.addf %slice3A_235, %slice3A_236 : vector<64x2000xf32>
    %slice3A_238 = vector.extract_strided_slice %add3A_237 {offsets = [0, 0], sizes = [32, 2000], strides = [1, 1]} : vector<64x2000xf32> to vector<32x2000xf32>
    %slice3A_239 = vector.extract_strided_slice %add3A_237 {offsets = [32, 0], sizes = [32, 2000], strides = [1, 1]} : vector<64x2000xf32> to vector<32x2000xf32>
    %add3A_240 = arith.addf %slice3A_238, %slice3A_239 : vector<32x2000xf32>
    %slice3A_241 = vector.extract_strided_slice %add3A_240 {offsets = [0, 0], sizes = [16, 2000], strides = [1, 1]} : vector<32x2000xf32> to vector<16x2000xf32>
    %slice3A_242 = vector.extract_strided_slice %add3A_240 {offsets = [16, 0], sizes = [16, 2000], strides = [1, 1]} : vector<32x2000xf32> to vector<16x2000xf32>
    %add3A_243 = arith.addf %slice3A_241, %slice3A_242 : vector<16x2000xf32>
    %concatenate3A = tpu.concatenate %add3A_47, %add3A_75, %add3A_103, %add3A_131, %add3A_159, %add3A_187, %add3A_215, %add3A_243 in 0 : vector<16x2000xf32>, vector<16x2000xf32>, vector<16x2000xf32>, vector<16x2000xf32>, vector<16x2000xf32>, vector<16x2000xf32>, vector<16x2000xf32>, vector<16x2000xf32> -> vector<128x2000xf32>
    %transpose3A_244 = tpu.transpose %concatenate3A, [1, 0] : vector<128x2000xf32> -> vector<2000x128xf32>
    %swap3A = arith.constant 0 : index
    %swap3A_245 = arith.constant 0 : index
    %swap3A_246 = vector.load %arg8[%swap3A, %swap3A_245] : memref<2000x128xf32, #tpu.memory_space<vmem>>, vector<2000x128xf32>
    tpu.vector_store %arg8[%swap3A, %swap3A_245], %transpose3A_244 {strides = array<i32>} : memref<2000x128xf32, #tpu.memory_space<vmem>>, vector<2000x128xf32>,
    return
  }
  func.func @transform_0(%arg0: i32) -> (i32, i32) {
    %c0_i32 = arith.constant 0 : i32
    %c0_i32_0 = arith.constant 0 : i32
    return %arg0, %c0_i32 : i32, i32
  }
  func.func @transform_1(%arg0: i32) -> (i32, i32) {
    %c0_i32 = arith.constant 0 : i32
    %c0_i32_0 = arith.constant 0 : i32
    return %arg0, %c0_i32 : i32, i32
  }
  func.func @transform_2(%arg0: i32) -> (i32, i32) {
    %c0_i32 = arith.constant 0 : i32
    %c0_i32_0 = arith.constant 0 : i32
    %c0_i32_1 = arith.constant 0 : i32
    return %c0_i32, %c0_i32_0 : i32, i32
  }
  func.func @transform_3(%arg0: i32) -> (i32, i32) {
    %c0_i32 = arith.constant 0 : i32
    %c0_i32_0 = arith.constant 0 : i32
    %c0_i32_1 = arith.constant 0 : i32
    return %c0_i32, %c0_i32_0 : i32, i32
  }
  func.func @transform_4(%arg0: i32) -> (i32, i32) {
    %c0_i32 = arith.constant 0 : i32
    %c0_i32_0 = arith.constant 0 : i32
    %c0_i32_1 = arith.constant 0 : i32
    return %c0_i32, %c0_i32_0 : i32, i32
  }
  func.func @transform_5(%arg0: i32) -> (i32, i32) {
    %c0_i32 = arith.constant 0 : i32
    %c0_i32_0 = arith.constant 0 : i32
    %c0_i32_1 = arith.constant 0 : i32
    return %c0_i32, %c0_i32_0 : i32, i32
  }
  func.func @transform_6(%arg0: i32) -> (i32, i32) {
    %c0_i32 = arith.constant 0 : i32
    %c0_i32_0 = arith.constant 0 : i32
    %c0_i32_1 = arith.constant 0 : i32
    return %c0_i32, %c0_i32_0 : i32, i32
  }
  func.func @transform_7(%arg0: i32) -> (i32, i32) {
    %c0_i32 = arith.constant 0 : i32
    %c0_i32_0 = arith.constant 0 : i32
    return %arg0, %c0_i32 : i32, i32
  }
}

module attributes {stable_mosaic.version = 14 : i64} {
  func.func @_upd_body(%arg0: i32, %arg1: memref<2x5000x16xf32, #tpu.memory_space<vmem>>, %arg2: memref<5000x16xf32, #tpu.memory_space<vmem>>, %arg3: memref<5000x16xf32, #tpu.memory_space<vmem>>, %arg4: memref<1x16xf32, #tpu.memory_space<vmem>>, %arg5: memref<16x16xf32, #tpu.memory_space<vmem>>, %arg6: memref<1x16xf32, #tpu.memory_space<vmem>>, %arg7: memref<5000x16xf32, #tpu.memory_space<vmem>>) attributes {dimension_semantics = [#tpu.dimension_semantics<arbitrary>], iteration_bounds = array<i64: 2>, scalar_prefetch = 0 : i64, scratch_operands = 0 : i64, tpu.core_type = #tpu.core_type<tc>, window_params = [{transform_indices = @transform_0, window_bounds = array<i64: 2, 5000, 16>}, {transform_indices = @transform_1, window_bounds = array<i64: 5000, 16>}, {transform_indices = @transform_2, window_bounds = array<i64: 5000, 16>}, {pipeline_mode = #tpu.pipeline_mode<synchronous>, transform_indices = @transform_3, window_bounds = array<i64: 1, 16>}, {pipeline_mode = #tpu.pipeline_mode<synchronous>, transform_indices = @transform_4, window_bounds = array<i64: 16, 16>}, {pipeline_mode = #tpu.pipeline_mode<synchronous>, transform_indices = @transform_5, window_bounds = array<i64: 1, 16>}, {transform_indices = @transform_6, window_bounds = array<i64: 5000, 16>}]} {
    %get3A = arith.constant 0 : index
    %get3A_0 = arith.constant 0 : index
    %get3A_1 = arith.constant 0 : index
    %get3A_2 = vector.load %arg1[%get3A, %get3A_0, %get3A_1] : memref<2x5000x16xf32, #tpu.memory_space<vmem>>, vector<1x5000x16xf32>
    %get3A_3 = vector.shape_cast %get3A_2 : vector<1x5000x16xf32> to vector<5000x16xf32>
    %get3A_4 = arith.constant 1 : index
    %get3A_5 = arith.constant 0 : index
    %get3A_6 = arith.constant 0 : index
    %get3A_7 = vector.load %arg1[%get3A_4, %get3A_5, %get3A_6] : memref<2x5000x16xf32, #tpu.memory_space<vmem>>, vector<1x5000x16xf32>
    %get3A_8 = vector.shape_cast %get3A_7 : vector<1x5000x16xf32> to vector<5000x16xf32>
    %add3A = arith.addf %get3A_3, %get3A_8 : vector<5000x16xf32>
    %get3A_9 = arith.constant 0 : index
    %get3A_10 = arith.constant 0 : index
    %get3A_11 = vector.load %arg2[%get3A_9, %get3A_10] : memref<5000x16xf32, #tpu.memory_space<vmem>>, vector<5000x16xf32>
    %add3A_12 = arith.addf %add3A, %get3A_11 : vector<5000x16xf32>
    %get3A_13 = arith.constant 0 : index
    %get3A_14 = arith.constant 0 : index
    %get3A_15 = vector.load %arg4[%get3A_13, %get3A_14] : memref<1x16xf32, #tpu.memory_space<vmem>>, vector<1x16xf32>
    %add3A_16 = vector.broadcast %get3A_15 : vector<1x16xf32> to vector<5000x16xf32>
    %add3A_17 = arith.addf %add3A_12, %add3A_16 : vector<5000x16xf32>
    %mul3A = arith.constant 5.000000e-01 : f32
    %mul3A_18 = vector.broadcast %mul3A : f32 to vector<5000x16xf32>
    %mul3A_19 = arith.mulf %mul3A_18, %add3A_17 : vector<5000x16xf32>
    %get3A_20 = arith.constant 0 : index
    %get3A_21 = arith.constant 0 : index
    %get3A_22 = vector.load %arg3[%get3A_20, %get3A_21] : memref<5000x16xf32, #tpu.memory_space<vmem>>, vector<5000x16xf32>
    %mul3A_23 = arith.constant 5.000000e-01 : f32
    %mul3A_24 = vector.broadcast %mul3A_23 : f32 to vector<5000x16xf32>
    %mul3A_25 = arith.mulf %mul3A_24, %get3A_22 : vector<5000x16xf32>
    %add3A_26 = arith.addf %mul3A_19, %mul3A_25 : vector<5000x16xf32>
    %get3A_27 = arith.constant 0 : index
    %get3A_28 = arith.constant 0 : index
    %get3A_29 = vector.load %arg5[%get3A_27, %get3A_28] : memref<16x16xf32, #tpu.memory_space<vmem>>, vector<16x16xf32>
    %dot_general3A = arith.constant dense<0.000000e+00> : vector<5000x16xf32>
    %dot_general3A_30 = tpu.matmul %add3A_26, %get3A_29, %dot_general3A {dimension_numbers = #tpu.dot_dimension_numbers<[1], [0], [0], [1], [0, 0, 1, 1], [], []>, transpose_lhs_hint = false} : vector<5000x16xf32>, vector<16x16xf32>, vector<5000x16xf32> -> vector<5000x16xf32>
    %get3A_31 = arith.constant 0 : index
    %get3A_32 = arith.constant 0 : index
    %get3A_33 = vector.load %arg6[%get3A_31, %get3A_32] : memref<1x16xf32, #tpu.memory_space<vmem>>, vector<1x16xf32>
    %add3A_34 = vector.broadcast %get3A_33 : vector<1x16xf32> to vector<5000x16xf32>
    %add3A_35 = arith.addf %dot_general3A_30, %add3A_34 : vector<5000x16xf32>
    %mul3A_36 = arith.constant 0.333333343 : f32
    %mul3A_37 = vector.broadcast %mul3A_36 : f32 to vector<5000x16xf32>
    %mul3A_38 = arith.mulf %mul3A_37, %add3A_35 : vector<5000x16xf32>
    %mul3A_39 = arith.constant 0.666666686 : f32
    %mul3A_40 = vector.broadcast %mul3A_39 : f32 to vector<5000x16xf32>
    %mul3A_41 = arith.mulf %mul3A_40, %add3A_26 : vector<5000x16xf32>
    %add3A_42 = arith.addf %mul3A_38, %mul3A_41 : vector<5000x16xf32>
    %max3A = arith.constant 0.000000e+00 : f32
    %max3A_43 = vector.broadcast %max3A : f32 to vector<5000x16xf32>
    %max3A_44 = arith.maximumf %add3A_42, %max3A_43 : vector<5000x16xf32>
    %swap3A = arith.constant 0 : index
    %swap3A_45 = arith.constant 0 : index
    %swap3A_46 = vector.load %arg7[%swap3A, %swap3A_45] : memref<5000x16xf32, #tpu.memory_space<vmem>>, vector<5000x16xf32>
    tpu.vector_store %arg7[%swap3A, %swap3A_45], %max3A_44 {strides = array<i32>} : memref<5000x16xf32, #tpu.memory_space<vmem>>, vector<5000x16xf32>,
    return
  }
  func.func @transform_0(%arg0: i32) -> (i32, i32, i32) {
    %c0_i32 = arith.constant 0 : i32
    %c0_i32_0 = arith.constant 0 : i32
    %c0_i32_1 = arith.constant 0 : i32
    return %c0_i32, %arg0, %c0_i32_0 : i32, i32, i32
  }
  func.func @transform_1(%arg0: i32) -> (i32, i32) {
    %c0_i32 = arith.constant 0 : i32
    %c0_i32_0 = arith.constant 0 : i32
    return %arg0, %c0_i32 : i32, i32
  }
  func.func @transform_2(%arg0: i32) -> (i32, i32) {
    %c0_i32 = arith.constant 0 : i32
    %c0_i32_0 = arith.constant 0 : i32
    return %arg0, %c0_i32 : i32, i32
  }
  func.func @transform_3(%arg0: i32) -> (i32, i32) {
    %c0_i32 = arith.constant 0 : i32
    %c0_i32_0 = arith.constant 0 : i32
    %c0_i32_1 = arith.constant 0 : i32
    return %c0_i32, %c0_i32_0 : i32, i32
  }
  func.func @transform_4(%arg0: i32) -> (i32, i32) {
    %c0_i32 = arith.constant 0 : i32
    %c0_i32_0 = arith.constant 0 : i32
    %c0_i32_1 = arith.constant 0 : i32
    return %c0_i32, %c0_i32_0 : i32, i32
  }
  func.func @transform_5(%arg0: i32) -> (i32, i32) {
    %c0_i32 = arith.constant 0 : i32
    %c0_i32_0 = arith.constant 0 : i32
    %c0_i32_1 = arith.constant 0 : i32
    return %c0_i32, %c0_i32_0 : i32, i32
  }
  func.func @transform_6(%arg0: i32) -> (i32, i32) {
    %c0_i32 = arith.constant 0 : i32
    %c0_i32_0 = arith.constant 0 : i32
    return %arg0, %c0_i32 : i32, i32
  }
}

module attributes {stable_mosaic.version = 14 : i64} {
  func.func @_upd_body(%arg0: i32, %arg1: memref<2x5000x16xf32, #tpu.memory_space<vmem>>, %arg2: memref<5000x16xf32, #tpu.memory_space<vmem>>, %arg3: memref<5000x16xf32, #tpu.memory_space<vmem>>, %arg4: memref<1x16xf32, #tpu.memory_space<vmem>>, %arg5: memref<16x16xf32, #tpu.memory_space<vmem>>, %arg6: memref<1x16xf32, #tpu.memory_space<vmem>>, %arg7: memref<5000x16xf32, #tpu.memory_space<vmem>>) attributes {dimension_semantics = [#tpu.dimension_semantics<arbitrary>], iteration_bounds = array<i64: 2>, scalar_prefetch = 0 : i64, scratch_operands = 0 : i64, tpu.core_type = #tpu.core_type<tc>, window_params = [{transform_indices = @transform_0, window_bounds = array<i64: 2, 5000, 16>}, {transform_indices = @transform_1, window_bounds = array<i64: 5000, 16>}, {transform_indices = @transform_2, window_bounds = array<i64: 5000, 16>}, {pipeline_mode = #tpu.pipeline_mode<synchronous>, transform_indices = @transform_3, window_bounds = array<i64: 1, 16>}, {pipeline_mode = #tpu.pipeline_mode<synchronous>, transform_indices = @transform_4, window_bounds = array<i64: 16, 16>}, {pipeline_mode = #tpu.pipeline_mode<synchronous>, transform_indices = @transform_5, window_bounds = array<i64: 1, 16>}, {transform_indices = @transform_6, window_bounds = array<i64: 5000, 16>}]} {
    %get3A = arith.constant 0 : index
    %get3A_0 = arith.constant 0 : index
    %get3A_1 = arith.constant 0 : index
    %get3A_2 = vector.load %arg1[%get3A, %get3A_0, %get3A_1] : memref<2x5000x16xf32, #tpu.memory_space<vmem>>, vector<1x5000x16xf32>
    %get3A_3 = vector.shape_cast %get3A_2 : vector<1x5000x16xf32> to vector<5000x16xf32>
    %get3A_4 = arith.constant 1 : index
    %get3A_5 = arith.constant 0 : index
    %get3A_6 = arith.constant 0 : index
    %get3A_7 = vector.load %arg1[%get3A_4, %get3A_5, %get3A_6] : memref<2x5000x16xf32, #tpu.memory_space<vmem>>, vector<1x5000x16xf32>
    %get3A_8 = vector.shape_cast %get3A_7 : vector<1x5000x16xf32> to vector<5000x16xf32>
    %add3A = arith.addf %get3A_3, %get3A_8 : vector<5000x16xf32>
    %get3A_9 = arith.constant 0 : index
    %get3A_10 = arith.constant 0 : index
    %get3A_11 = vector.load %arg2[%get3A_9, %get3A_10] : memref<5000x16xf32, #tpu.memory_space<vmem>>, vector<5000x16xf32>
    %add3A_12 = arith.addf %add3A, %get3A_11 : vector<5000x16xf32>
    %get3A_13 = arith.constant 0 : index
    %get3A_14 = arith.constant 0 : index
    %get3A_15 = vector.load %arg4[%get3A_13, %get3A_14] : memref<1x16xf32, #tpu.memory_space<vmem>>, vector<1x16xf32>
    %add3A_16 = vector.broadcast %get3A_15 : vector<1x16xf32> to vector<5000x16xf32>
    %add3A_17 = arith.addf %add3A_12, %add3A_16 : vector<5000x16xf32>
    %mul3A = arith.constant 5.000000e-01 : f32
    %mul3A_18 = vector.broadcast %mul3A : f32 to vector<5000x16xf32>
    %mul3A_19 = arith.mulf %mul3A_18, %add3A_17 : vector<5000x16xf32>
    %get3A_20 = arith.constant 0 : index
    %get3A_21 = arith.constant 0 : index
    %get3A_22 = vector.load %arg3[%get3A_20, %get3A_21] : memref<5000x16xf32, #tpu.memory_space<vmem>>, vector<5000x16xf32>
    %mul3A_23 = arith.constant 5.000000e-01 : f32
    %mul3A_24 = vector.broadcast %mul3A_23 : f32 to vector<5000x16xf32>
    %mul3A_25 = arith.mulf %mul3A_24, %get3A_22 : vector<5000x16xf32>
    %add3A_26 = arith.addf %mul3A_19, %mul3A_25 : vector<5000x16xf32>
    %get3A_27 = arith.constant 0 : index
    %get3A_28 = arith.constant 0 : index
    %get3A_29 = vector.load %arg5[%get3A_27, %get3A_28] : memref<16x16xf32, #tpu.memory_space<vmem>>, vector<16x16xf32>
    %dot_general3A = arith.constant dense<0.000000e+00> : vector<5000x16xf32>
    %dot_general3A_30 = tpu.matmul %add3A_26, %get3A_29, %dot_general3A {dimension_numbers = #tpu.dot_dimension_numbers<[1], [0], [0], [1], [0, 0, 1, 1], [], []>, transpose_lhs_hint = false} : vector<5000x16xf32>, vector<16x16xf32>, vector<5000x16xf32> -> vector<5000x16xf32>
    %get3A_31 = arith.constant 0 : index
    %get3A_32 = arith.constant 0 : index
    %get3A_33 = vector.load %arg6[%get3A_31, %get3A_32] : memref<1x16xf32, #tpu.memory_space<vmem>>, vector<1x16xf32>
    %add3A_34 = vector.broadcast %get3A_33 : vector<1x16xf32> to vector<5000x16xf32>
    %add3A_35 = arith.addf %dot_general3A_30, %add3A_34 : vector<5000x16xf32>
    %mul3A_36 = arith.constant 0.333333343 : f32
    %mul3A_37 = vector.broadcast %mul3A_36 : f32 to vector<5000x16xf32>
    %mul3A_38 = arith.mulf %mul3A_37, %add3A_35 : vector<5000x16xf32>
    %mul3A_39 = arith.constant 0.666666686 : f32
    %mul3A_40 = vector.broadcast %mul3A_39 : f32 to vector<5000x16xf32>
    %mul3A_41 = arith.mulf %mul3A_40, %add3A_26 : vector<5000x16xf32>
    %add3A_42 = arith.addf %mul3A_38, %mul3A_41 : vector<5000x16xf32>
    %max3A = arith.constant 0.000000e+00 : f32
    %max3A_43 = vector.broadcast %max3A : f32 to vector<5000x16xf32>
    %max3A_44 = arith.maximumf %add3A_42, %max3A_43 : vector<5000x16xf32>
    %swap3A = arith.constant 0 : index
    %swap3A_45 = arith.constant 0 : index
    %swap3A_46 = vector.load %arg7[%swap3A, %swap3A_45] : memref<5000x16xf32, #tpu.memory_space<vmem>>, vector<5000x16xf32>
    tpu.vector_store %arg7[%swap3A, %swap3A_45], %max3A_44 {strides = array<i32>} : memref<5000x16xf32, #tpu.memory_space<vmem>>, vector<5000x16xf32>,
    return
  }
  func.func @transform_0(%arg0: i32) -> (i32, i32, i32) {
    %c0_i32 = arith.constant 0 : i32
    %c0_i32_0 = arith.constant 0 : i32
    %c0_i32_1 = arith.constant 0 : i32
    return %c0_i32, %arg0, %c0_i32_0 : i32, i32, i32
  }
  func.func @transform_1(%arg0: i32) -> (i32, i32) {
    %c0_i32 = arith.constant 0 : i32
    %c0_i32_0 = arith.constant 0 : i32
    return %arg0, %c0_i32 : i32, i32
  }
  func.func @transform_2(%arg0: i32) -> (i32, i32) {
    %c0_i32 = arith.constant 0 : i32
    %c0_i32_0 = arith.constant 0 : i32
    return %arg0, %c0_i32 : i32, i32
  }
  func.func @transform_3(%arg0: i32) -> (i32, i32) {
    %c0_i32 = arith.constant 0 : i32
    %c0_i32_0 = arith.constant 0 : i32
    %c0_i32_1 = arith.constant 0 : i32
    return %c0_i32, %c0_i32_0 : i32, i32
  }
  func.func @transform_4(%arg0: i32) -> (i32, i32) {
    %c0_i32 = arith.constant 0 : i32
    %c0_i32_0 = arith.constant 0 : i32
    %c0_i32_1 = arith.constant 0 : i32
    return %c0_i32, %c0_i32_0 : i32, i32
  }
  func.func @transform_5(%arg0: i32) -> (i32, i32) {
    %c0_i32 = arith.constant 0 : i32
    %c0_i32_0 = arith.constant 0 : i32
    %c0_i32_1 = arith.constant 0 : i32
    return %c0_i32, %c0_i32_0 : i32, i32
  }
  func.func @transform_6(%arg0: i32) -> (i32, i32) {
    %c0_i32 = arith.constant 0 : i32
    %c0_i32_0 = arith.constant 0 : i32
    return %arg0, %c0_i32 : i32, i32
  }
}

module attributes {stable_mosaic.version = 14 : i64} {
  func.func @_updhead_body(%arg0: i32, %arg1: memref<2x5000x16xf32, #tpu.memory_space<vmem>>, %arg2: memref<5000x16xf32, #tpu.memory_space<vmem>>, %arg3: memref<5000x16xf32, #tpu.memory_space<vmem>>, %arg4: memref<1x16xf32, #tpu.memory_space<vmem>>, %arg5: memref<16x16xf32, #tpu.memory_space<vmem>>, %arg6: memref<1x16xf32, #tpu.memory_space<vmem>>, %arg7: memref<1x16xf32, #tpu.memory_space<vmem>>, %arg8: memref<1x16xf32, #tpu.memory_space<vmem>>, %arg9: memref<1x16xf32, #tpu.memory_space<vmem>>, %arg10: memref<1x16xf32, #tpu.memory_space<vmem>>, %arg11: memref<1x16xf32, #tpu.memory_space<vmem>>, %arg12: memref<16x3xf32, #tpu.memory_space<vmem>>, %arg13: memref<1x3xf32, #tpu.memory_space<vmem>>, %arg14: memref<5000x16xf32, #tpu.memory_space<vmem>>, %arg15: memref<5000x16xf32, #tpu.memory_space<vmem>>, %arg16: memref<5000x3xf32, #tpu.memory_space<vmem>>) attributes {dimension_semantics = [#tpu.dimension_semantics<arbitrary>], iteration_bounds = array<i64: 2>, scalar_prefetch = 0 : i64, scratch_operands = 0 : i64, tpu.core_type = #tpu.core_type<tc>, window_params = [{transform_indices = @transform_0, window_bounds = array<i64: 2, 5000, 16>}, {transform_indices = @transform_1, window_bounds = array<i64: 5000, 16>}, {transform_indices = @transform_2, window_bounds = array<i64: 5000, 16>}, {pipeline_mode = #tpu.pipeline_mode<synchronous>, transform_indices = @transform_3, window_bounds = array<i64: 1, 16>}, {pipeline_mode = #tpu.pipeline_mode<synchronous>, transform_indices = @transform_4, window_bounds = array<i64: 16, 16>}, {pipeline_mode = #tpu.pipeline_mode<synchronous>, transform_indices = @transform_5, window_bounds = array<i64: 1, 16>}, {pipeline_mode = #tpu.pipeline_mode<synchronous>, transform_indices = @transform_6, window_bounds = array<i64: 1, 16>}, {pipeline_mode = #tpu.pipeline_mode<synchronous>, transform_indices = @transform_7, window_bounds = array<i64: 1, 16>}, {pipeline_mode = #tpu.pipeline_mode<synchronous>, transform_indices = @transform_8, window_bounds = array<i64: 1, 16>}, {pipeline_mode = #tpu.pipeline_mode<synchronous>, transform_indices = @transform_9, window_bounds = array<i64: 1, 16>}, {pipeline_mode = #tpu.pipeline_mode<synchronous>, transform_indices = @transform_10, window_bounds = array<i64: 1, 16>}, {pipeline_mode = #tpu.pipeline_mode<synchronous>, transform_indices = @transform_11, window_bounds = array<i64: 16, 3>}, {pipeline_mode = #tpu.pipeline_mode<synchronous>, transform_indices = @transform_12, window_bounds = array<i64: 1, 3>}, {transform_indices = @transform_13, window_bounds = array<i64: 5000, 16>}, {transform_indices = @transform_14, window_bounds = array<i64: 5000, 16>}, {transform_indices = @transform_15, window_bounds = array<i64: 5000, 3>}]} {
    %get3A = arith.constant 0 : index
    %get3A_0 = arith.constant 0 : index
    %get3A_1 = arith.constant 0 : index
    %get3A_2 = vector.load %arg1[%get3A, %get3A_0, %get3A_1] : memref<2x5000x16xf32, #tpu.memory_space<vmem>>, vector<1x5000x16xf32>
    %get3A_3 = vector.shape_cast %get3A_2 : vector<1x5000x16xf32> to vector<5000x16xf32>
    %get3A_4 = arith.constant 1 : index
    %get3A_5 = arith.constant 0 : index
    %get3A_6 = arith.constant 0 : index
    %get3A_7 = vector.load %arg1[%get3A_4, %get3A_5, %get3A_6] : memref<2x5000x16xf32, #tpu.memory_space<vmem>>, vector<1x5000x16xf32>
    %get3A_8 = vector.shape_cast %get3A_7 : vector<1x5000x16xf32> to vector<5000x16xf32>
    %add3A = arith.addf %get3A_3, %get3A_8 : vector<5000x16xf32>
    %get3A_9 = arith.constant 0 : index
    %get3A_10 = arith.constant 0 : index
    %get3A_11 = vector.load %arg2[%get3A_9, %get3A_10] : memref<5000x16xf32, #tpu.memory_space<vmem>>, vector<5000x16xf32>
    %add3A_12 = arith.addf %add3A, %get3A_11 : vector<5000x16xf32>
    %get3A_13 = arith.constant 0 : index
    %get3A_14 = arith.constant 0 : index
    %get3A_15 = vector.load %arg4[%get3A_13, %get3A_14] : memref<1x16xf32, #tpu.memory_space<vmem>>, vector<1x16xf32>
    %add3A_16 = vector.broadcast %get3A_15 : vector<1x16xf32> to vector<5000x16xf32>
    %add3A_17 = arith.addf %add3A_12, %add3A_16 : vector<5000x16xf32>
    %mul3A = arith.constant 5.000000e-01 : f32
    %mul3A_18 = vector.broadcast %mul3A : f32 to vector<5000x16xf32>
    %mul3A_19 = arith.mulf %mul3A_18, %add3A_17 : vector<5000x16xf32>
    %get3A_20 = arith.constant 0 : index
    %get3A_21 = arith.constant 0 : index
    %get3A_22 = vector.load %arg3[%get3A_20, %get3A_21] : memref<5000x16xf32, #tpu.memory_space<vmem>>, vector<5000x16xf32>
    %mul3A_23 = arith.constant 5.000000e-01 : f32
    %mul3A_24 = vector.broadcast %mul3A_23 : f32 to vector<5000x16xf32>
    %mul3A_25 = arith.mulf %mul3A_24, %get3A_22 : vector<5000x16xf32>
    %add3A_26 = arith.addf %mul3A_19, %mul3A_25 : vector<5000x16xf32>
    %get3A_27 = arith.constant 0 : index
    %get3A_28 = arith.constant 0 : index
    %get3A_29 = vector.load %arg5[%get3A_27, %get3A_28] : memref<16x16xf32, #tpu.memory_space<vmem>>, vector<16x16xf32>
    %dot_general3A = arith.constant dense<0.000000e+00> : vector<5000x16xf32>
    %dot_general3A_30 = tpu.matmul %add3A_26, %get3A_29, %dot_general3A {dimension_numbers = #tpu.dot_dimension_numbers<[1], [0], [0], [1], [0, 0, 1, 1], [], []>, transpose_lhs_hint = false} : vector<5000x16xf32>, vector<16x16xf32>, vector<5000x16xf32> -> vector<5000x16xf32>
    %get3A_31 = arith.constant 0 : index
    %get3A_32 = arith.constant 0 : index
    %get3A_33 = vector.load %arg6[%get3A_31, %get3A_32] : memref<1x16xf32, #tpu.memory_space<vmem>>, vector<1x16xf32>
    %add3A_34 = vector.broadcast %get3A_33 : vector<1x16xf32> to vector<5000x16xf32>
    %add3A_35 = arith.addf %dot_general3A_30, %add3A_34 : vector<5000x16xf32>
    %mul3A_36 = arith.constant 0.333333343 : f32
    %mul3A_37 = vector.broadcast %mul3A_36 : f32 to vector<5000x16xf32>
    %mul3A_38 = arith.mulf %mul3A_37, %add3A_35 : vector<5000x16xf32>
    %mul3A_39 = arith.constant 0.666666686 : f32
    %mul3A_40 = vector.broadcast %mul3A_39 : f32 to vector<5000x16xf32>
    %mul3A_41 = arith.mulf %mul3A_40, %add3A_26 : vector<5000x16xf32>
    %add3A_42 = arith.addf %mul3A_38, %mul3A_41 : vector<5000x16xf32>
    %max3A = arith.constant 0.000000e+00 : f32
    %max3A_43 = vector.broadcast %max3A : f32 to vector<5000x16xf32>
    %max3A_44 = arith.maximumf %add3A_42, %max3A_43 : vector<5000x16xf32>
    %get3A_45 = arith.constant 0 : index
    %get3A_46 = arith.constant 0 : index
    %get3A_47 = vector.load %arg7[%get3A_45, %get3A_46] : memref<1x16xf32, #tpu.memory_space<vmem>>, vector<1x16xf32>
    %sub3A = vector.broadcast %get3A_47 : vector<1x16xf32> to vector<5000x16xf32>
    %sub3A_48 = arith.subf %max3A_44, %sub3A : vector<5000x16xf32>
    %get3A_49 = arith.constant 0 : index
    %get3A_50 = arith.constant 0 : index
    %get3A_51 = vector.load %arg8[%get3A_49, %get3A_50] : memref<1x16xf32, #tpu.memory_space<vmem>>, vector<1x16xf32>
    %add3A_52 = arith.constant 9.99999974E-6 : f32
    %add3A_53 = vector.broadcast %add3A_52 : f32 to vector<1x16xf32>
    %add3A_54 = arith.addf %get3A_51, %add3A_53 : vector<1x16xf32>
    %rsqrt3A = math.rsqrt %add3A_54 : vector<1x16xf32>
    %mul3A_55 = vector.broadcast %rsqrt3A : vector<1x16xf32> to vector<5000x16xf32>
    %mul3A_56 = arith.mulf %sub3A_48, %mul3A_55 : vector<5000x16xf32>
    %get3A_57 = arith.constant 0 : index
    %get3A_58 = arith.constant 0 : index
    %get3A_59 = vector.load %arg9[%get3A_57, %get3A_58] : memref<1x16xf32, #tpu.memory_space<vmem>>, vector<1x16xf32>
    %mul3A_60 = vector.broadcast %get3A_59 : vector<1x16xf32> to vector<5000x16xf32>
    %mul3A_61 = arith.mulf %mul3A_56, %mul3A_60 : vector<5000x16xf32>
    %get3A_62 = arith.constant 0 : index
    %get3A_63 = arith.constant 0 : index
    %get3A_64 = vector.load %arg10[%get3A_62, %get3A_63] : memref<1x16xf32, #tpu.memory_space<vmem>>, vector<1x16xf32>
    %add3A_65 = vector.broadcast %get3A_64 : vector<1x16xf32> to vector<5000x16xf32>
    %add3A_66 = arith.addf %mul3A_61, %add3A_65 : vector<5000x16xf32>
    %swap3A = arith.constant 0 : index
    %swap3A_67 = arith.constant 0 : index
    %swap3A_68 = vector.load %arg14[%swap3A, %swap3A_67] : memref<5000x16xf32, #tpu.memory_space<vmem>>, vector<5000x16xf32>
    tpu.vector_store %arg14[%swap3A, %swap3A_67], %add3A_66 {strides = array<i32>} : memref<5000x16xf32, #tpu.memory_space<vmem>>, vector<5000x16xf32>,
    %get3A_69 = arith.constant 0 : index
    %get3A_70 = arith.constant 0 : index
    %get3A_71 = vector.load %arg11[%get3A_69, %get3A_70] : memref<1x16xf32, #tpu.memory_space<vmem>>, vector<1x16xf32>
    %mul3A_72 = vector.broadcast %get3A_71 : vector<1x16xf32> to vector<5000x16xf32>
    %mul3A_73 = arith.mulf %add3A_66, %mul3A_72 : vector<5000x16xf32>
    %swap3A_74 = arith.constant 0 : index
    %swap3A_75 = arith.constant 0 : index
    %swap3A_76 = vector.load %arg15[%swap3A_74, %swap3A_75] : memref<5000x16xf32, #tpu.memory_space<vmem>>, vector<5000x16xf32>
    tpu.vector_store %arg15[%swap3A_74, %swap3A_75], %mul3A_73 {strides = array<i32>} : memref<5000x16xf32, #tpu.memory_space<vmem>>, vector<5000x16xf32>,
    %get3A_77 = arith.constant 0 : index
    %get3A_78 = arith.constant 0 : index
    %get3A_79 = vector.load %arg12[%get3A_77, %get3A_78] : memref<16x3xf32, #tpu.memory_space<vmem>>, vector<16x3xf32>
    %dot_general3A_80 = arith.constant dense<0.000000e+00> : vector<5000x3xf32>
    %dot_general3A_81 = tpu.matmul %add3A_66, %get3A_79, %dot_general3A_80 {dimension_numbers = #tpu.dot_dimension_numbers<[1], [0], [0], [1], [0, 0, 1, 1], [], []>, transpose_lhs_hint = false} : vector<5000x16xf32>, vector<16x3xf32>, vector<5000x3xf32> -> vector<5000x3xf32>
    %get3A_82 = arith.constant 0 : index
    %get3A_83 = arith.constant 0 : index
    %get3A_84 = vector.load %arg13[%get3A_82, %get3A_83] : memref<1x3xf32, #tpu.memory_space<vmem>>, vector<1x3xf32>
    %add3A_85 = vector.broadcast %get3A_84 : vector<1x3xf32> to vector<5000x3xf32>
    %add3A_86 = arith.addf %dot_general3A_81, %add3A_85 : vector<5000x3xf32>
    %logistic3A = arith.negf %add3A_86 : vector<5000x3xf32>
    %logistic3A_87 = math.exp %logistic3A : vector<5000x3xf32>
    %logistic3A_88 = arith.constant 1.000000e+00 : f32
    %logistic3A_89 = vector.broadcast %logistic3A_88 : f32 to vector<5000x3xf32>
    %logistic3A_90 = arith.addf %logistic3A_89, %logistic3A_87 : vector<5000x3xf32>
    %logistic3A_91 = arith.divf %logistic3A_89, %logistic3A_90 : vector<5000x3xf32>
    %swap3A_92 = arith.constant 0 : index
    %swap3A_93 = arith.constant 0 : index
    %swap3A_94 = vector.load %arg16[%swap3A_92, %swap3A_93] : memref<5000x3xf32, #tpu.memory_space<vmem>>, vector<5000x3xf32>
    tpu.vector_store %arg16[%swap3A_92, %swap3A_93], %logistic3A_91 {strides = array<i32>} : memref<5000x3xf32, #tpu.memory_space<vmem>>, vector<5000x3xf32>,
    return
  }
  func.func @transform_0(%arg0: i32) -> (i32, i32, i32) {
    %c0_i32 = arith.constant 0 : i32
    %c0_i32_0 = arith.constant 0 : i32
    %c0_i32_1 = arith.constant 0 : i32
    return %c0_i32, %arg0, %c0_i32_0 : i32, i32, i32
  }
  func.func @transform_1(%arg0: i32) -> (i32, i32) {
    %c0_i32 = arith.constant 0 : i32
    %c0_i32_0 = arith.constant 0 : i32
    return %arg0, %c0_i32 : i32, i32
  }
  func.func @transform_2(%arg0: i32) -> (i32, i32) {
    %c0_i32 = arith.constant 0 : i32
    %c0_i32_0 = arith.constant 0 : i32
    return %arg0, %c0_i32 : i32, i32
  }
  func.func @transform_3(%arg0: i32) -> (i32, i32) {
    %c0_i32 = arith.constant 0 : i32
    %c0_i32_0 = arith.constant 0 : i32
    %c0_i32_1 = arith.constant 0 : i32
    return %c0_i32, %c0_i32_0 : i32, i32
  }
  func.func @transform_4(%arg0: i32) -> (i32, i32) {
    %c0_i32 = arith.constant 0 : i32
    %c0_i32_0 = arith.constant 0 : i32
    %c0_i32_1 = arith.constant 0 : i32
    return %c0_i32, %c0_i32_0 : i32, i32
  }
  func.func @transform_5(%arg0: i32) -> (i32, i32) {
    %c0_i32 = arith.constant 0 : i32
    %c0_i32_0 = arith.constant 0 : i32
    %c0_i32_1 = arith.constant 0 : i32
    return %c0_i32, %c0_i32_0 : i32, i32
  }
  func.func @transform_6(%arg0: i32) -> (i32, i32) {
    %c0_i32 = arith.constant 0 : i32
    %c0_i32_0 = arith.constant 0 : i32
    %c0_i32_1 = arith.constant 0 : i32
    return %c0_i32, %c0_i32_0 : i32, i32
  }
  func.func @transform_7(%arg0: i32) -> (i32, i32) {
    %c0_i32 = arith.constant 0 : i32
    %c0_i32_0 = arith.constant 0 : i32
    %c0_i32_1 = arith.constant 0 : i32
    return %c0_i32, %c0_i32_0 : i32, i32
  }
  func.func @transform_8(%arg0: i32) -> (i32, i32) {
    %c0_i32 = arith.constant 0 : i32
    %c0_i32_0 = arith.constant 0 : i32
    %c0_i32_1 = arith.constant 0 : i32
    return %c0_i32, %c0_i32_0 : i32, i32
  }
  func.func @transform_9(%arg0: i32) -> (i32, i32) {
    %c0_i32 = arith.constant 0 : i32
    %c0_i32_0 = arith.constant 0 : i32
    %c0_i32_1 = arith.constant 0 : i32
    return %c0_i32, %c0_i32_0 : i32, i32
  }
  func.func @transform_10(%arg0: i32) -> (i32, i32) {
    %c0_i32 = arith.constant 0 : i32
    %c0_i32_0 = arith.constant 0 : i32
    %c0_i32_1 = arith.constant 0 : i32
    return %c0_i32, %c0_i32_0 : i32, i32
  }
  func.func @transform_11(%arg0: i32) -> (i32, i32) {
    %c0_i32 = arith.constant 0 : i32
    %c0_i32_0 = arith.constant 0 : i32
    %c0_i32_1 = arith.constant 0 : i32
    return %c0_i32, %c0_i32_0 : i32, i32
  }
  func.func @transform_12(%arg0: i32) -> (i32, i32) {
    %c0_i32 = arith.constant 0 : i32
    %c0_i32_0 = arith.constant 0 : i32
    %c0_i32_1 = arith.constant 0 : i32
    return %c0_i32, %c0_i32_0 : i32, i32
  }
  func.func @transform_13(%arg0: i32) -> (i32, i32) {
    %c0_i32 = arith.constant 0 : i32
    %c0_i32_0 = arith.constant 0 : i32
    return %arg0, %c0_i32 : i32, i32
  }
  func.func @transform_14(%arg0: i32) -> (i32, i32) {
    %c0_i32 = arith.constant 0 : i32
    %c0_i32_0 = arith.constant 0 : i32
    return %arg0, %c0_i32 : i32, i32
  }
  func.func @transform_15(%arg0: i32) -> (i32, i32) {
    %c0_i32 = arith.constant 0 : i32
    %c0_i32_0 = arith.constant 0 : i32
    return %arg0, %c0_i32 : i32, i32
  }
}

module attributes {stable_mosaic.version = 14 : i64} {
  func.func @_ehead_body(%arg0: i32, %arg1: memref<4000x128xf32, #tpu.memory_space<vmem>>, %arg2: memref<4000x128xf32, #tpu.memory_space<vmem>>, %arg3: memref<128x8xf32, #tpu.memory_space<vmem>>, %arg4: memref<1x1xf32, #tpu.memory_space<vmem>>, %arg5: memref<4000x8xf32, #tpu.memory_space<vmem>>) attributes {dimension_semantics = [#tpu.dimension_semantics<arbitrary>], iteration_bounds = array<i64: 5>, scalar_prefetch = 0 : i64, scratch_operands = 0 : i64, tpu.core_type = #tpu.core_type<tc>, window_params = [{transform_indices = @transform_0, window_bounds = array<i64: 4000, 128>}, {transform_indices = @transform_1, window_bounds = array<i64: 4000, 128>}, {pipeline_mode = #tpu.pipeline_mode<synchronous>, transform_indices = @transform_2, window_bounds = array<i64: 128, 8>}, {pipeline_mode = #tpu.pipeline_mode<synchronous>, transform_indices = @transform_3, window_bounds = array<i64: 1, 1>}, {transform_indices = @transform_4, window_bounds = array<i64: 4000, 8>}]} {
    %get3A = arith.constant 0 : index
    %get3A_0 = arith.constant 0 : index
    %get3A_1 = vector.load %arg1[%get3A, %get3A_0] : memref<4000x128xf32, #tpu.memory_space<vmem>>, vector<4000x128xf32>
    %get3A_2 = arith.constant 0 : index
    %get3A_3 = arith.constant 0 : index
    %get3A_4 = vector.load %arg2[%get3A_2, %get3A_3] : memref<4000x128xf32, #tpu.memory_space<vmem>>, vector<4000x128xf32>
    %mul3A = arith.mulf %get3A_1, %get3A_4 : vector<4000x128xf32>
    %get3A_5 = arith.constant 0 : index
    %get3A_6 = arith.constant 0 : index
    %get3A_7 = vector.load %arg3[%get3A_5, %get3A_6] : memref<128x8xf32, #tpu.memory_space<vmem>>, vector<128x8xf32>
    %dot_general3A = arith.constant dense<0.000000e+00> : vector<4000x8xf32>
    %dot_general3A_8 = tpu.matmul %mul3A, %get3A_7, %dot_general3A {dimension_numbers = #tpu.dot_dimension_numbers<[1], [0], [0], [1], [0, 0, 1, 1], [], []>, transpose_lhs_hint = false} : vector<4000x128xf32>, vector<128x8xf32>, vector<4000x8xf32> -> vector<4000x8xf32>
    %get3A_9 = arith.constant 0 : index
    %get3A_10 = arith.constant 0 : index
    %get3A_11 = vector.load %arg4[%get3A_9, %get3A_10] : memref<1x1xf32, #tpu.memory_space<vmem>>, vector<1x1xf32>
    %add3A = vector.broadcast %get3A_11 : vector<1x1xf32> to vector<4000x8xf32>
    %add3A_12 = arith.addf %dot_general3A_8, %add3A : vector<4000x8xf32>
    %logistic3A = arith.negf %add3A_12 : vector<4000x8xf32>
    %logistic3A_13 = math.exp %logistic3A : vector<4000x8xf32>
    %logistic3A_14 = arith.constant 1.000000e+00 : f32
    %logistic3A_15 = vector.broadcast %logistic3A_14 : f32 to vector<4000x8xf32>
    %logistic3A_16 = arith.addf %logistic3A_15, %logistic3A_13 : vector<4000x8xf32>
    %logistic3A_17 = arith.divf %logistic3A_15, %logistic3A_16 : vector<4000x8xf32>
    %swap3A = arith.constant 0 : index
    %swap3A_18 = arith.constant 0 : index
    %swap3A_19 = vector.load %arg5[%swap3A, %swap3A_18] : memref<4000x8xf32, #tpu.memory_space<vmem>>, vector<4000x8xf32>
    tpu.vector_store %arg5[%swap3A, %swap3A_18], %logistic3A_17 {strides = array<i32>} : memref<4000x8xf32, #tpu.memory_space<vmem>>, vector<4000x8xf32>,
    return
  }
  func.func @transform_0(%arg0: i32) -> (i32, i32) {
    %c0_i32 = arith.constant 0 : i32
    %c0_i32_0 = arith.constant 0 : i32
    return %arg0, %c0_i32 : i32, i32
  }
  func.func @transform_1(%arg0: i32) -> (i32, i32) {
    %c0_i32 = arith.constant 0 : i32
    %c0_i32_0 = arith.constant 0 : i32
    return %arg0, %c0_i32 : i32, i32
  }
  func.func @transform_2(%arg0: i32) -> (i32, i32) {
    %c0_i32 = arith.constant 0 : i32
    %c0_i32_0 = arith.constant 0 : i32
    %c0_i32_1 = arith.constant 0 : i32
    return %c0_i32, %c0_i32_0 : i32, i32
  }
  func.func @transform_3(%arg0: i32) -> (i32, i32) {
    %c0_i32 = arith.constant 0 : i32
    %c0_i32_0 = arith.constant 0 : i32
    %c0_i32_1 = arith.constant 0 : i32
    return %c0_i32, %c0_i32_0 : i32, i32
  }
  func.func @transform_4(%arg0: i32) -> (i32, i32) {
    %c0_i32 = arith.constant 0 : i32
    %c0_i32_0 = arith.constant 0 : i32
    return %arg0, %c0_i32 : i32, i32
  }
}

</mosaic_0001>

<sc_bundles>
// kernel: kernel.17.cloned.1.call-start
scs
__scs_entry_jumppad:
0x0: {  	(pc) =	sbr.rel $0x88, $3  }
0x1: {  	(tag) =	ssettag $0x0;
	lr =	simm.s32 $0x1  }
0x2: {  	[smem:$0x3F8B] =	sst lr;
	_ =	strace $0xD0000000  }
0x3: {  	_ = 	snop  }
0x4: {  	_ = 	snop  }
0x5: {  	_ = 	snop  }
0x6: {  	_ = 	snop  }
0x7: {  	_ = 	snop  }
__scs_overlays_trampoline_lowered:
0x8: {  	[smem:$0x3F9A] =	sst s0  }
0x9: {  	[smem:$0x3F9B] =	sst s1  }
0xa: {  	[smem:$0x3F9C] =	sst s2  }
0xb: {  	[smem:$0x3F9D] =	sst s3  }
0xc: {  	[smem:$0x3F9E] =	sst s4  }
0xd: {  	[smem:$0x3F9F] =	sst s5  }
0xe: {  	[smem:$0x3FA0] =	sst s6  }
0xf: {  	[smem:$0x3FA1] =	sst s7  }
0x10: {  	[smem:$0x3FA2] =	sst s8  }
0x11: {  	[smem:$0x3FA3] =	sst s9;
	s0 =	simm.s32 @!p0 $0x0  }
0x12: {  	s1 =	sld [smem:$0x3F89];
	s0 =	simm.s32 @p0 $0x1  }
0x13: {  	[smem:$0x3FA4] =	sst s0;
	s0 =	simm.s32 @!p1 $0x0  }
0x14: {  	s2 =	sld [smem:$0x3F88];
	s0 =	simm.s32 @p1 $0x1  }
0x15: {  	[smem:$0x3FA5] =	sst s0;
	s0 =	simm.s32 @!p2 $0x0  }
0x16: {  	s3 =	sld [smem:$0x3FDB];
	s0 =	simm.s32 @p2 $0x1  }
0x17: {  	s4 =	simm.s32 $0x1BF5;
	[smem:$0x3FA7] =	sst s0  }
0x18: {  	s0 =	sld [smem:$0x3F8A];
	_ =	swait.ge [sflag:s4], $0x0  }
0x19: {  	s7 =	sld [smem:$0x3F8B]  }
0x1a: {  	s8 =	sadd.s32 $0xFFFFE003, lr  }
0x1b: {  	s9 =	sadd.s32 $0xFFFFFEF7, lr;
	s5 =	simm.s32 $0xFFFFFFFF;
	p2 =	slt.u32 s8, $0xFFFFF086  }
0x1c: {  	p1 =	slt.u32 s9, $0xF7A;
	s5 =	simm.s32 @!p2 $0x0  }
0x1d: {  	s5 =	simm.s32 @p1 $0x1;
	p0 =	seq.s32 s7, s2  }
0x1e: {  	s7 =	smul.u32 @!p0 $0xF7A, s2;
	p2 =	seq.s32 @!p0 s5, $0x0  }
0x1f: {  	s9 =	smul.u32 $0xF7A, s1;
	s8 =	simm.s32 @!p0 $0x1BF5;
	p2 =	por !p2, p0  }
0x20: {  	[sflag:s8] =	ssyncset.s32 @!p0 $0xFFFFF086;
	s6 =	sadd.s32 @!p0 s3, s7;
	s7 =	simm.s32 @!p0 $0x108  }
0x21: {  	s3 =	sadd.s32 s3, s9;
	s6 =	sadd.s32 @!p0 $0x88, s6;
	s7 =	simm.s32 @p2 $0x1082  }
0x22: {  	[simem:s7], [sflag:s8] =	dma.local @!p0 [hbm:s6], $0xF7A  }
0x23: {  	s9 =	sor.u32 $0xD0000000, s2;
	s6 =	simm.s32 $0x108;
	_ =	swait.ge @!p0 [sflag:s8], $0x0  }
0x24: {  	s3 =	sadd.s32 $0x88, s3;
	s6 =	simm.s32 @!p1 $0x1082;
	[sflag:s4] =	ssyncset.s32 $0xFFFFF086  }
0x25: {  	[simem:s6], [sflag:s4] =	dma.local [hbm:s3], $0xF7A  }
0x26: {  	[smem:$0x3F8B] =	sst s1;
	(tag) =	ssettag s2;
	_ =	strace s9  }
0x27: {  	s1 =	sld [smem:$0x3F9B]  }
0x28: {  	s2 =	sld [smem:$0x3F9C]  }
0x29: {  	s4 =	sld [smem:$0x3F9E]  }
0x2a: {  	p0 =	seq.s32 s5, $0x0;
	s5 =	sld [smem:$0x3F9F]  }
0x2b: {  	s6 =	sld [smem:$0x3FA0]  }
0x2c: {  	s7 =	sld [smem:$0x3FA1]  }
0x2d: {  	s3 =	simm.s32 $0x108;
	s8 =	sld [smem:$0x3FA2]  }
0x2e: {  	s3 =	simm.s32 @!p0 $0x1082;
	s9 =	sld [smem:$0x3FA3]  }
0x2f: {  	lr =	sadd.s32 s0, s3;
	s0 =	sld [smem:$0x3F9A]  }
0x30: {  	s3 =	sld [smem:$0x3F9D]  }
0x31: {  	[smem:$0x3FA6] =	sst s10  }
0x32: {  	s10 =	sld [smem:$0x3FA4];
	_ =	sdelay $0x3  }
0x33: {  	p0 =	seq.s32 s10, $0x1;
	s10 =	sld [smem:$0x3FA6];
	_ =	sdelay $0x3  }
0x34: {  	[smem:$0x3FA6] =	sst s10  }
0x35: {  	s10 =	sld [smem:$0x3FA5];
	_ =	sdelay $0x3  }
0x36: {  	p1 =	seq.s32 s10, $0x1;
	s10 =	sld [smem:$0x3FA6];
	_ =	sdelay $0x3  }
0x37: {  	[smem:$0x3FA6] =	sst s10  }
0x38: {  	s10 =	sld [smem:$0x3FA7]  }
0x39: {  	_ = 	snop;
	(pc) =	sbr.ind lr, $3  }
0x3a: {  	_ = 	snop  }
0x3b: {  	_ = 	snop  }
0x3c: {  	p2 =	seq.s32 s10, $0x1;
	s10 =	sld [smem:$0x3FA6]  }
0x3d: {  	_ =	shalt  }
0x3e: {  	_ =	shalt  }
0x3f: {  	_ =	shalt  }
0x40: {  	_ =	shalt  }
0x41: {  	_ =	shalt  }
0x42: {  	_ =	shalt  }
0x43: {  	_ =	shalt  }
0x44: {  	_ =	shalt  }
0x45: {  	_ =	shalt  }
0x46: {  	_ =	shalt  }
0x47: {  	_ =	shalt  }
0x48: {  	_ =	shalt  }
0x49: {  	_ =	shalt  }
0x4a: {  	_ =	shalt  }
0x4b: {  	_ =	shalt  }
0x4c: {  	_ =	shalt  }
0x4d: {  	_ =	shalt  }
0x4e: {  	_ =	shalt  }
0x4f: {  	_ =	shalt  }
0x50: {  	_ =	shalt  }
0x51: {  	_ =	shalt  }
0x52: {  	_ =	shalt  }
0x53: {  	_ =	shalt  }
0x54: {  	_ =	shalt  }
0x55: {  	_ =	shalt  }
0x56: {  	_ =	shalt  }
0x57: {  	_ =	shalt  }
0x58: {  	_ =	shalt  }
0x59: {  	_ =	shalt  }
0x5a: {  	_ =	shalt  }
0x5b: {  	_ =	shalt  }
0x5c: {  	_ =	shalt  }
0x5d: {  	_ =	shalt  }
0x5e: {  	_ =	shalt  }
0x5f: {  	_ =	shalt  }
0x60: {  	_ =	shalt  }
0x61: {  	_ =	shalt  }
0x62: {  	_ =	shalt  }
0x63: {  	_ =	shalt  }
0x64: {  	_ =	shalt  }
0x65: {  	_ =	shalt  }
0x66: {  	_ =	shalt  }
0x67: {  	_ =	shalt  }
0x68: {  	_ =	shalt  }
0x69: {  	_ =	shalt  }
0x6a: {  	_ =	shalt  }
0x6b: {  	_ =	shalt  }
0x6c: {  	_ =	shalt  }
0x6d: {  	_ =	shalt  }
0x6e: {  	_ =	shalt  }
0x6f: {  	_ =	shalt  }
0x70: {  	_ =	shalt  }
0x71: {  	_ =	shalt  }
0x72: {  	_ =	shalt  }
0x73: {  	_ =	shalt  }
0x74: {  	_ =	shalt  }
0x75: {  	_ =	shalt  }
0x76: {  	_ =	shalt  }
0x77: {  	_ =	shalt  }
0x78: {  	_ =	shalt  }
0x79: {  	_ =	shalt  }
0x7a: {  	_ =	shalt  }
0x7b: {  	_ =	shalt  }
0x7c: {  	_ =	shalt  }
0x7d: {  	_ =	shalt  }
0x7e: {  	_ =	shalt  }
0x7f: {  	_ =	shalt  }
0x80: {  	_ =	shalt  }
0x81: {  	_ =	shalt  }
0x82: {  	_ =	shalt  }
0x83: {  	_ =	shalt  }
0x84: {  	_ =	shalt  }
0x85: {  	_ =	shalt  }
0x86: {  	_ =	shalt  }
0x87: {  	_ =	shalt  }
.Lfunc_end0:
.L_simem_size_0:
called_computation_lowered:
.L_overlay_start_0:
0x88: {  	s2 =	sld [smem:$0x3FD9]  }
0x89: {  	s3 =	sld [smem:$0x3FFE];
	_ =	sdelay $0x1  }
0x8a: {  	s1 =	srdreg.scid  }
0x8b: {  	s0 =	sand.u32 $0x1, s1  }
0x8c: {  	s16 =	sshll.u32 s0, $0xA;
	s2 =	sadd.s32 s3, s2  }
0x8d: {  	s2 =	sadd.s32 s2, s16  }
0x8e: {  	[smem:$0x3FB2] =	sst s2  }
0x8f: {  	_ = 	snop  }
0x90: {  	(tm) =	ssettm $0x1  }
0x91: {  	s17 =	sld [smem:$0x3FFB];
	_ =	sdelay $0x3  }
0x92: {  	_ =	strace s17  }
0x93: {  	s2 =	sld [smem:$0x3FFC];
	_ =	sdelay $0x3  }
0x94: {  	_ =	strace s2  }
0x95: {  	s2 =	sld [smem:$0x3FFD];
	_ =	sdelay $0x3  }
0x96: {  	_ =	strace s2  }
0x97: {  	_ =	strace $0x8FFFFFFF  }
0x98: {  	s18 =	sld [smem:$0x3FDB];
	_ =	sdelay $0x1  }
0x99: {  	s19 =	simm.s32 $_scs_section_size  }
0x9a: {  	s4 =	simm.s32 $_size__tile_overlayer_lowered;
	s5 =	simm.s32 $_tile_overlayer_lowered  }
0x9b: {  	s22 =	simm.s32 $0x1BFF;
	s21 =	sshll.u32 s5, $0x1;
	s2 =	sadd.s32 s19, s18  }
0x9c: {  	s6 =	simm.s32 $0x0;
	s20 =	sshll.u32 s4, $0x1;
	s4 =	sadd.s32 s21, s2  }
0x9d: {  	[timem:s6], [sflag:s22] =	dma.local [hbm:s4], s20  }
0x9e: {  	_ =	swait.ge [sflag:s22], s20  }
0x9f: {  	s3 =	ssub.s32 $0x0, s20;
	[sflag:s22] =	ssyncset.done $0x0  }
0xa0: {  	[sflag:s22] =	ssyncadd.s32 s3;
	_ =	sdelay $0x1  }
0xa1: {  	s23 =	simm.s32 $0x1B8B  }
0xa2: {  	_ =	swait.ge [sflag:s23], $0x1  }
0xa3: {  	[sflag:s23] =	ssyncset.done $0x0  }
0xa4: {  	s25 =	simm.s32 $0x1B8E;
	s24 =	sld [smem:$0x3FFE];
	[sflag:s23] =	ssyncadd.s32 $0xFFFFFFFF  }
0xa5: {  	s26 =	simm.s32 $execute0_lowered;
	[smem:$0x3FD2] =	sst s25  }
0xa6: {  	s4 =	sshll.u32 s26, $0x1;
	_ =	strace $0x80000046;
	[dreg:$0x1] =	wrdreg $0xFFFFFFFF  }
0xa7: {  	s28 =	simm.s32 $_size_execute0_lowered;
	s2 =	sadd.s32 s2, s4;
	[dreg:$0x0] =	wrdreg $0x0  }
0xa8: {  	s4 =	sshll.u32 s28, $0x1;
	[dreg:$0x2] =	wrdreg s2  }
0xa9: {  	[dreg:$0x3] =	wrdreg s4  }
0xaa: {  	[dreg:$0x4] =	wrdreg $0xC0  }
0xab: {  	_ =	task [dreg:s6], $0x5FFFF  }
0xac: {  	[dreg:$0x1] =	wrdreg $0xFFFFFFFF  }
0xad: {  	[dreg:$0x0] =	wrdreg $0x60  }
0xae: {  	[dreg:$0x2] =	wrdreg s24  }
0xaf: {  	[dreg:$0x3] =	wrdreg $0x9  }
0xb0: {  	_ =	task.clear_ibuf [dreg:s6], $0x4FFFF;
	_ =	strace $0x90000046  }
0xb1: {  	s29 =	simm.s32 $0x9;
	_ =	strace $0x80000048  }
0xb2: {  	_ =	swait.ge [sflag:s29], $0x1  }
0xb3: {  	[sflag:s29] =	ssyncadd.s32 $0xFFFFFFFF  }
0xb4: {  	_ =	strace $0x90000048  }
0xb5: {  	_ =	sfence  }
0xb6: {  	s30 =	sld [smem:$0x0];
	_ =	sdelay $0x2  }
0xb7: {  	s31 =	sshll.u32 s1, $0xD;
	s1 =	sshrl.u32 s1, $0x2  }
0xb8: {  	s3 =	sand.u32 $0x4000, s31;
	s1 =	sadd.s32 s1, s30  }
0xb9: {  	s0 =	sor.u32 s3, s0;
	s1 =	sshll.u32 s1, $0x11  }
0xba: {  	s0 =	sor.u32 s1, s0  }
0xbb: {  	s0 =	sadd.s32 $0x8F2B, s0  }
0xbc: {  	[sflag:s0] =	ssyncadd.remote.s32 $0x1  }
0xbd: {  	_ =	sfence.sel $0xFFFF  }
0xbe: {  	[dreg:$0x0] =	wrdreg $0xFFFFFFFF;
	(pc) =	sbr.abs _section_cstart, $3  }
0xbf: {  	[dreg:$0x1] =	wrdreg $0xFFFFFFFF  }
0xc0: {  	_ =	task.clear_ibuf [dreg:s6], $0x2FFFF;
	_ =	strace $0x9FFFFFFF  }
0xc1: {  	(tm) =	ssettm $0x7FFFFFFF  }
tec
execute0_lowered:
.L_overlay_start_1:
0x0: {  	(tag) =	ssettag $0x1  }
0x1: {  	s1 =	srdreg.scid;
	s0 =	stileid.u32  }
0x2: {  	s6 =	sand.u32 $0x1, s1;
	s30 =	sshll.u32 s0, $0x1  }
0x3: {  	s8 =	rddreg [dreg:$0x0];
	s7 =	sor.u32 s6, s30  }
0x4: {  	s2 =	simm.s32 $0x0;
	s1 =	rddreg [dreg:$0x1];
	s3 =	smul.u32 $0x271, s7  }
0x5: {  	[smem:$0x7FF] =	sst s2;
	s5 =	sadd.s32 $0x2D400, s8  }
0x6: {  	_ =	strace $0x80000047;
	s10 =	ssub.s32 $0x2, s6;
	s3 =	sadd.s32 s3, s8  }
0x7: {  	s6 =	simm.s32 $0x1388;
	s4 =	sadd.s32 $0x32400, s3;
	s3 =	simm.s32 $0x2  }
0x8: {  	[tilespmem:s2], [sflag:$0x2] =	stream.linear.gather [hbm4b:s4+s2], $0x1388, $0x38;
	[tilespmem:$0x14C08] =	vst v63  }
0x9: {  	s9 =	smul.u32 $0x2710, s7;
	s11 =	sshrl.u32 s10, $0x1;
	_ =	swait.ge [sflag:s3], $0x1388  }
0xa: {  	s7 =	simm.s32 $0x1;
	s31 =	ssub.s32 s10, s11;
	[sflag:s3] =	ssyncset.done $0x0  }
0xb: {  	s8 =	sadd.s32 s9, s8;
	s9 =	smax.u32 s31, $0x1;
	[sflag:s3] =	ssyncadd.s32 $0xFFFFEC78  }
0xc: {  	[tilespmem:s6], [sflag:$0x1] =	stream.indirect.gather [hbm4b:s5+s6], $0x10, s2, s6, $0xb8;
	[tilespmem:$0x14C08] =	vst v63  }
0xd: {  	p0 =	sne.s32 s9, $0x1;
	_ =	swait.ge [sflag:s7], $0x13880  }
.Ltmp0:
0xe: {  	[sflag:s7] =	ssyncset.done $0x0;
	(pc) =	sbr.rel @!p0 .LBB2_2-.Ltmp0, $4  }
0xf: {  	s8 =	sadd.s32 $0x3C400, s8;
	[sflag:s7] =	ssyncadd.s32 $0xFFFEC780  }
0x10: {  	[hbm4b:s8+s2] =	stream.linear.scatter [tilespmem:s6], [sflag:$0x2], $0x13880, $0x38;
	[tilespmem:$0x14C08] =	vst v63  }
0x11: {  	_ =	swait.ge [sflag:s3], $0x13880  }
0x12: {  	s9 =	sadd.s32 $0xFFFFFFFF, s9;
	[sflag:s3] =	ssyncset.done $0x0  }
.LBB2_1:
0x13: {  	p0 =	sne.s32 s9, $0x1;
	s9 =	sadd.s32 $0xFFFFFFFF, s9;
	[sflag:s3] =	ssyncadd.s32 $0xFFFEC780  }
0x14: {  	[tilespmem:s2], [sflag:$0x2] =	stream.linear.gather [hbm4b:s4+s2], $0x1388, $0x38;
	[tilespmem:$0x14C08] =	vst v63  }
0x15: {  	_ =	swait.ge [sflag:s3], $0x1388  }
0x16: {  	[sflag:s3] =	ssyncset.done $0x0  }
0x17: {  	[sflag:s3] =	ssyncadd.s32 $0xFFFFEC78  }
0x18: {  	[tilespmem:s6], [sflag:$0x1] =	stream.indirect.gather [hbm4b:s5+s6], $0x10, s2, s6, $0xb8;
	[tilespmem:$0x14C08] =	vst v63  }
0x19: {  	_ =	swait.ge [sflag:s7], $0x13880  }
.Ltmp1:
0x1a: {  	[sflag:s7] =	ssyncset.done $0x0;
	(pc) =	sbr.rel @p0 .LBB2_1-.Ltmp1, $4  }
0x1b: {  	[sflag:s7] =	ssyncadd.s32 $0xFFFEC780  }
0x1c: {  	[hbm4b:s8+s2] =	stream.linear.scatter [tilespmem:s6], [sflag:$0x2], $0x13880, $0x38;
	[tilespmem:$0x14C08] =	vst v63  }
0x1d: {  	_ =	swait.ge [sflag:s3], $0x13880  }
0x1e: {  	[sflag:s3] =	ssyncset.done $0x0  }
.LBB2_2:
0x1f: {  	[sflag:s3] =	ssyncadd.s32 $0xFFFEC780  }
0x20: {  	_ =	sfence.sel $0x180000  }
0x21: {  	[bflag:$0x0] =	sbarrier.arrive $0xFFFF  }
0x22: {  	p0 =	sne.s32 s0, $0x0;
	_ =	strace $0x90000047  }
0x23: {  	s0 =	sadd.s32 @!p0 $0x100000, s1;
	[bflag:$0x2] =	sbarrier.arrive $0xFFFF  }
0x24: {  	[sflag:s0] =	ssyncadd.tile.s32 @!p0 $0x1;
	_ =	shalt  }
.Lfunc_end2:
_tile_overlayer_lowered:
.L_overlay_start_2:
0x25: {  	(tag) =	ssettag $0x2  }
0x26: {  	s0 =	rddreg [dreg:$0x0];
	s2 =	stileid.u32  }
0x27: {  	s1 =	rddreg [dreg:$0x1];
	p0 =	sne.s32 s2, $0x0  }
0x28: {  	s3 =	rddreg [dreg:$0x2];
	[bflag:$0x3] =	sbarrier.arrive $0xFFFF;
	s2 =	simm.s32 @!p0 $0x1C02  }
0x29: {  	[timem:s3], [sflag:s2] =	dma.local @!p0 [hbm:s0], s1  }
0x2a: {  	s0 =	simm.s32 @!p0 $0x2  }
0x2b: {  	_ =	swait.ge @!p0 [sflag:s0], s1  }
0x2c: {  	s1 =	ssub.s32 @!p0 $0x0, s1;
	[sflag:s0] =	ssyncset.done @!p0 $0x0  }
0x2d: {  	[sflag:s0] =	ssyncadd.s32 @!p0 s1  }
0x2e: {  	[bflag:$0x3] =	sbarrier.arrive $0xFFFF  }
0x2f: {  	_ =	shalt  }

// kernel: kernel.20.cloned.1.call-start
scs
__scs_entry_jumppad:
0x0: {  	(pc) =	sbr.rel $0x88, $3  }
0x1: {  	(tag) =	ssettag $0x0;
	lr =	simm.s32 $0x1  }
0x2: {  	[smem:$0x3F8B] =	sst lr;
	_ =	strace $0xD0000000  }
0x3: {  	_ = 	snop  }
0x4: {  	_ = 	snop  }
0x5: {  	_ = 	snop  }
0x6: {  	_ = 	snop  }
0x7: {  	_ = 	snop  }
__scs_overlays_trampoline_lowered:
0x8: {  	[smem:$0x3F9A] =	sst s0  }
0x9: {  	[smem:$0x3F9B] =	sst s1  }
0xa: {  	[smem:$0x3F9C] =	sst s2  }
0xb: {  	[smem:$0x3F9D] =	sst s3  }
0xc: {  	[smem:$0x3F9E] =	sst s4  }
0xd: {  	[smem:$0x3F9F] =	sst s5  }
0xe: {  	[smem:$0x3FA0] =	sst s6  }
0xf: {  	[smem:$0x3FA1] =	sst s7  }
0x10: {  	[smem:$0x3FA2] =	sst s8  }
0x11: {  	[smem:$0x3FA3] =	sst s9;
	s0 =	simm.s32 @!p0 $0x0  }
0x12: {  	s1 =	sld [smem:$0x3F89];
	s0 =	simm.s32 @p0 $0x1  }
0x13: {  	[smem:$0x3FA4] =	sst s0;
	s0 =	simm.s32 @!p1 $0x0  }
0x14: {  	s2 =	sld [smem:$0x3F88];
	s0 =	simm.s32 @p1 $0x1  }
0x15: {  	[smem:$0x3FA5] =	sst s0;
	s0 =	simm.s32 @!p2 $0x0  }
0x16: {  	s3 =	sld [smem:$0x3FDB];
	s0 =	simm.s32 @p2 $0x1  }
0x17: {  	s4 =	simm.s32 $0x1BF5;
	[smem:$0x3FA7] =	sst s0  }
0x18: {  	s0 =	sld [smem:$0x3F8A];
	_ =	swait.ge [sflag:s4], $0x0  }
0x19: {  	s7 =	sld [smem:$0x3F8B]  }
0x1a: {  	s8 =	sadd.s32 $0xFFFFE003, lr  }
0x1b: {  	s9 =	sadd.s32 $0xFFFFFEF7, lr;
	s5 =	simm.s32 $0xFFFFFFFF;
	p2 =	slt.u32 s8, $0xFFFFF086  }
0x1c: {  	p1 =	slt.u32 s9, $0xF7A;
	s5 =	simm.s32 @!p2 $0x0  }
0x1d: {  	s5 =	simm.s32 @p1 $0x1;
	p0 =	seq.s32 s7, s2  }
0x1e: {  	s7 =	smul.u32 @!p0 $0xF7A, s2;
	p2 =	seq.s32 @!p0 s5, $0x0  }
0x1f: {  	s9 =	smul.u32 $0xF7A, s1;
	s8 =	simm.s32 @!p0 $0x1BF5;
	p2 =	por !p2, p0  }
0x20: {  	[sflag:s8] =	ssyncset.s32 @!p0 $0xFFFFF086;
	s6 =	sadd.s32 @!p0 s3, s7;
	s7 =	simm.s32 @!p0 $0x108  }
0x21: {  	s3 =	sadd.s32 s3, s9;
	s6 =	sadd.s32 @!p0 $0x88, s6;
	s7 =	simm.s32 @p2 $0x1082  }
0x22: {  	[simem:s7], [sflag:s8] =	dma.local @!p0 [hbm:s6], $0xF7A  }
0x23: {  	s9 =	sor.u32 $0xD0000000, s2;
	s6 =	simm.s32 $0x108;
	_ =	swait.ge @!p0 [sflag:s8], $0x0  }
0x24: {  	s3 =	sadd.s32 $0x88, s3;
	s6 =	simm.s32 @!p1 $0x1082;
	[sflag:s4] =	ssyncset.s32 $0xFFFFF086  }
0x25: {  	[simem:s6], [sflag:s4] =	dma.local [hbm:s3], $0xF7A  }
0x26: {  	[smem:$0x3F8B] =	sst s1;
	(tag) =	ssettag s2;
	_ =	strace s9  }
0x27: {  	s1 =	sld [smem:$0x3F9B]  }
0x28: {  	s2 =	sld [smem:$0x3F9C]  }
0x29: {  	s4 =	sld [smem:$0x3F9E]  }
0x2a: {  	p0 =	seq.s32 s5, $0x0;
	s5 =	sld [smem:$0x3F9F]  }
0x2b: {  	s6 =	sld [smem:$0x3FA0]  }
0x2c: {  	s7 =	sld [smem:$0x3FA1]  }
0x2d: {  	s3 =	simm.s32 $0x108;
	s8 =	sld [smem:$0x3FA2]  }
0x2e: {  	s3 =	simm.s32 @!p0 $0x1082;
	s9 =	sld [smem:$0x3FA3]  }
0x2f: {  	lr =	sadd.s32 s0, s3;
	s0 =	sld [smem:$0x3F9A]  }
0x30: {  	s3 =	sld [smem:$0x3F9D]  }
0x31: {  	[smem:$0x3FA6] =	sst s10  }
0x32: {  	s10 =	sld [smem:$0x3FA4];
	_ =	sdelay $0x3  }
0x33: {  	p0 =	seq.s32 s10, $0x1;
	s10 =	sld [smem:$0x3FA6];
	_ =	sdelay $0x3  }
0x34: {  	[smem:$0x3FA6] =	sst s10  }
0x35: {  	s10 =	sld [smem:$0x3FA5];
	_ =	sdelay $0x3  }
0x36: {  	p1 =	seq.s32 s10, $0x1;
	s10 =	sld [smem:$0x3FA6];
	_ =	sdelay $0x3  }
0x37: {  	[smem:$0x3FA6] =	sst s10  }
0x38: {  	s10 =	sld [smem:$0x3FA7]  }
0x39: {  	_ = 	snop;
	(pc) =	sbr.ind lr, $3  }
0x3a: {  	_ = 	snop  }
0x3b: {  	_ = 	snop  }
0x3c: {  	p2 =	seq.s32 s10, $0x1;
	s10 =	sld [smem:$0x3FA6]  }
0x3d: {  	_ =	shalt  }
0x3e: {  	_ =	shalt  }
0x3f: {  	_ =	shalt  }
0x40: {  	_ =	shalt  }
0x41: {  	_ =	shalt  }
0x42: {  	_ =	shalt  }
0x43: {  	_ =	shalt  }
0x44: {  	_ =	shalt  }
0x45: {  	_ =	shalt  }
0x46: {  	_ =	shalt  }
0x47: {  	_ =	shalt  }
0x48: {  	_ =	shalt  }
0x49: {  	_ =	shalt  }
0x4a: {  	_ =	shalt  }
0x4b: {  	_ =	shalt  }
0x4c: {  	_ =	shalt  }
0x4d: {  	_ =	shalt  }
0x4e: {  	_ =	shalt  }
0x4f: {  	_ =	shalt  }
0x50: {  	_ =	shalt  }
0x51: {  	_ =	shalt  }
0x52: {  	_ =	shalt  }
0x53: {  	_ =	shalt  }
0x54: {  	_ =	shalt  }
0x55: {  	_ =	shalt  }
0x56: {  	_ =	shalt  }
0x57: {  	_ =	shalt  }
0x58: {  	_ =	shalt  }
0x59: {  	_ =	shalt  }
0x5a: {  	_ =	shalt  }
0x5b: {  	_ =	shalt  }
0x5c: {  	_ =	shalt  }
0x5d: {  	_ =	shalt  }
0x5e: {  	_ =	shalt  }
0x5f: {  	_ =	shalt  }
0x60: {  	_ =	shalt  }
0x61: {  	_ =	shalt  }
0x62: {  	_ =	shalt  }
0x63: {  	_ =	shalt  }
0x64: {  	_ =	shalt  }
0x65: {  	_ =	shalt  }
0x66: {  	_ =	shalt  }
0x67: {  	_ =	shalt  }
0x68: {  	_ =	shalt  }
0x69: {  	_ =	shalt  }
0x6a: {  	_ =	shalt  }
0x6b: {  	_ =	shalt  }
0x6c: {  	_ =	shalt  }
0x6d: {  	_ =	shalt  }
0x6e: {  	_ =	shalt  }
0x6f: {  	_ =	shalt  }
0x70: {  	_ =	shalt  }
0x71: {  	_ =	shalt  }
0x72: {  	_ =	shalt  }
0x73: {  	_ =	shalt  }
0x74: {  	_ =	shalt  }
0x75: {  	_ =	shalt  }
0x76: {  	_ =	shalt  }
0x77: {  	_ =	shalt  }
0x78: {  	_ =	shalt  }
0x79: {  	_ =	shalt  }
0x7a: {  	_ =	shalt  }
0x7b: {  	_ =	shalt  }
0x7c: {  	_ =	shalt  }
0x7d: {  	_ =	shalt  }
0x7e: {  	_ =	shalt  }
0x7f: {  	_ =	shalt  }
0x80: {  	_ =	shalt  }
0x81: {  	_ =	shalt  }
0x82: {  	_ =	shalt  }
0x83: {  	_ =	shalt  }
0x84: {  	_ =	shalt  }
0x85: {  	_ =	shalt  }
0x86: {  	_ =	shalt  }
0x87: {  	_ =	shalt  }
.Lfunc_end0:
.L_simem_size_0:
called_computation.1_lowered:
.L_overlay_start_0:
0x88: {  	s2 =	sld [smem:$0x3FD9]  }
0x89: {  	s3 =	sld [smem:$0x3FFE];
	_ =	sdelay $0x1  }
0x8a: {  	s1 =	srdreg.scid  }
0x8b: {  	s0 =	sand.u32 $0x1, s1  }
0x8c: {  	s16 =	sshll.u32 s0, $0xA;
	s2 =	sadd.s32 s3, s2  }
0x8d: {  	s2 =	sadd.s32 s2, s16  }
0x8e: {  	[smem:$0x3FB2] =	sst s2  }
0x8f: {  	_ = 	snop  }
0x90: {  	(tm) =	ssettm $0x1  }
0x91: {  	s17 =	sld [smem:$0x3FFB];
	_ =	sdelay $0x3  }
0x92: {  	_ =	strace s17  }
0x93: {  	s2 =	sld [smem:$0x3FFC];
	_ =	sdelay $0x3  }
0x94: {  	_ =	strace s2  }
0x95: {  	s2 =	sld [smem:$0x3FFD];
	_ =	sdelay $0x3  }
0x96: {  	_ =	strace s2  }
0x97: {  	_ =	strace $0x8FFFFFFF  }
0x98: {  	s18 =	sld [smem:$0x3FDB];
	_ =	sdelay $0x1  }
0x99: {  	s19 =	simm.s32 $_scs_section_size  }
0x9a: {  	s4 =	simm.s32 $_size__tile_overlayer_lowered;
	s5 =	simm.s32 $_tile_overlayer_lowered  }
0x9b: {  	s22 =	simm.s32 $0x1BFF;
	s21 =	sshll.u32 s5, $0x1;
	s2 =	sadd.s32 s19, s18  }
0x9c: {  	s6 =	simm.s32 $0x0;
	s20 =	sshll.u32 s4, $0x1;
	s4 =	sadd.s32 s21, s2  }
0x9d: {  	[timem:s6], [sflag:s22] =	dma.local [hbm:s4], s20  }
0x9e: {  	_ =	swait.ge [sflag:s22], s20  }
0x9f: {  	s3 =	ssub.s32 $0x0, s20;
	[sflag:s22] =	ssyncset.done $0x0  }
0xa0: {  	[sflag:s22] =	ssyncadd.s32 s3;
	_ =	sdelay $0x1  }
0xa1: {  	s23 =	simm.s32 $0x1B8B  }
0xa2: {  	_ =	swait.ge [sflag:s23], $0x1  }
0xa3: {  	[sflag:s23] =	ssyncset.done $0x0  }
0xa4: {  	s25 =	simm.s32 $0x1B8E;
	s24 =	sld [smem:$0x3FFE];
	[sflag:s23] =	ssyncadd.s32 $0xFFFFFFFF  }
0xa5: {  	s26 =	simm.s32 $execute0_lowered;
	[smem:$0x3FD2] =	sst s25  }
0xa6: {  	s4 =	sshll.u32 s26, $0x1;
	_ =	strace $0x80000049;
	[dreg:$0x1] =	wrdreg $0xFFFFFFFF  }
0xa7: {  	s28 =	simm.s32 $_size_execute0_lowered;
	s2 =	sadd.s32 s2, s4;
	[dreg:$0x0] =	wrdreg $0x0  }
0xa8: {  	s4 =	sshll.u32 s28, $0x1;
	[dreg:$0x2] =	wrdreg s2  }
0xa9: {  	[dreg:$0x3] =	wrdreg s4  }
0xaa: {  	[dreg:$0x4] =	wrdreg $0xC0  }
0xab: {  	_ =	task [dreg:s6], $0x5FFFF  }
0xac: {  	[dreg:$0x1] =	wrdreg $0xFFFFFFFF  }
0xad: {  	[dreg:$0x0] =	wrdreg $0x60  }
0xae: {  	[dreg:$0x2] =	wrdreg s24  }
0xaf: {  	[dreg:$0x3] =	wrdreg $0x173180  }
0xb0: {  	[dreg:$0x4] =	wrdreg $0x9  }
0xb1: {  	_ =	task.clear_ibuf [dreg:s6], $0x5FFFF;
	_ =	strace $0x90000049  }
0xb2: {  	s29 =	simm.s32 $0x9;
	_ =	strace $0x8000004B  }
0xb3: {  	_ =	swait.ge [sflag:s29], $0x1  }
0xb4: {  	[sflag:s29] =	ssyncadd.s32 $0xFFFFFFFF  }
0xb5: {  	_ =	strace $0x9000004B  }
0xb6: {  	_ =	sfence  }
0xb7: {  	s30 =	sld [smem:$0x0];
	_ =	sdelay $0x2  }
0xb8: {  	s31 =	sshll.u32 s1, $0xD;
	s1 =	sshrl.u32 s1, $0x2  }
0xb9: {  	s3 =	sand.u32 $0x4000, s31;
	s1 =	sadd.s32 s1, s30  }
0xba: {  	s0 =	sor.u32 s3, s0;
	s1 =	sshll.u32 s1, $0x11  }
0xbb: {  	s0 =	sor.u32 s1, s0  }
0xbc: {  	s0 =	sadd.s32 $0x8F2B, s0  }
0xbd: {  	[sflag:s0] =	ssyncadd.remote.s32 $0x1  }
0xbe: {  	_ =	sfence.sel $0xFFFF  }
0xbf: {  	[dreg:$0x0] =	wrdreg $0xFFFFFFFF;
	(pc) =	sbr.abs _section_cstart, $3  }
0xc0: {  	[dreg:$0x1] =	wrdreg $0xFFFFFFFF  }
0xc1: {  	_ =	task.clear_ibuf [dreg:s6], $0x2FFFF;
	_ =	strace $0x9FFFFFFF  }
0xc2: {  	(tm) =	ssettm $0x7FFFFFFF  }
0xc3: {  	_ =	shalt  }
tec
execute0_lowered:
.L_overlay_start_1:
0x0: {  	(tag) =	ssettag $0x1  }
0x1: {  	s4 =	rddreg [dreg:$0x0]  }
0x2: {  	s2 =	rddreg [dreg:$0x1]  }
0x3: {  	s0 =	rddreg [dreg:$0x2];
	s3 =	simm.s32 $0x0;
	s5 =	srdreg.scid  }
0x4: {  	s1 =	stileid.u32;
	s11 =	simm.s32 $0x1388;
	s12 =	simm.s32 $0x0  }
0x5: {  	s5 =	sand.u32 $0x1, s5;
	s6 =	sshll.u32 s1, $0x1;
	s7 =	smul.u32 $0x2710, s1  }
0x6: {  	[smem:$0x7FF] =	sst s3;
	s6 =	sor.u32 s5, s6;
	s8 =	smul.u32 $0x27100, s5  }
0x7: {  	_ =	strace $0x8000004A;
	s5 =	ssub.s32 $0x2, s5;
	s9 =	smul.u32 $0x2710, s6  }
0x8: {  	s6 =	smul.u32 $0x271, s6;
	s10 =	sshrl.u32 s5, $0x1;
	s8 =	sadd.s32 s7, s8  }
0x9: {  	s10 =	ssub.s32 s5, s10;
	s9 =	sadd.s32 s9, s4;
	s8 =	sshrl.u32 s8, $0x3  }
0xa: {  	s6 =	sadd.s32 s6, s4;
	s8 =	sadd.s32 s8, s4;
	s4 =	sadd.s32 s7, s2  }
0xb: {  	s5 =	sadd.s32 $0x37400, s6;
	s6 =	sadd.s32 $0x3C400, s9;
	s9 =	simm.s32 $0x14C08  }
0xc: {  	v0 =	vimm.f32 $0.0e+00;
	s7 =	sadd.s32 $0x8A600, s8;
	s8 =	smax.u32 s10, $0x1;
	s10 =	simm.s32 $0x1  }
.LBB2_1:
0xd: {  	s13 =	simm.s32 $0x40;
	s14 =	simm.s32 $0x0  }
.LBB2_2:
0xe: {  	p0 =	sne.s32 s13, $0x9C00;
	[tilespmem:s14+$0x14C08] =	vst v0;
	s14 =	smov.u32 s13;
	s13 =	sadd.s32 $0x40, s13  }
.Ltmp0:
0xf: {  	(pc) =	sbr.rel @p0 .LBB2_2-.Ltmp0, $2  }
0x10: {  	_ =	sdelay $0x2  }
0x11: {  	s14 =	sshra.s32 s14, $0x2  }
0x12: {  	[tilespmem:s14+$0x14C08] =	vst v0  }
0x13: {  	[spmem:s4] =	stream.linear.scatter [tilespmem:s9], [sflag:$0x1], $0x2710, $0x38;
	[tilespmem:$0x19A28] =	vst v63  }
0x14: {  	_ =	swait.ge [sflag:s10], $0x2710  }
0x15: {  	[sflag:s10] =	ssyncset.done $0x0  }
0x16: {  	[sflag:s10] =	ssyncadd.s32 $0xFFFFD8F0  }
0x17: {  	[bflag:$0x0] =	sbarrier.arrive $0xFFFF  }
0x18: {  	[tilespmem:s3], [sflag:$0x1] =	stream.linear.gather [hbm4b:s5+s3], $0x1388, $0x38;
	[tilespmem:$0x19A28] =	vst v63  }
0x19: {  	_ =	swait.ge [sflag:s10], $0x1388  }
0x1a: {  	[sflag:s10] =	ssyncset.done $0x0  }
0x1b: {  	[sflag:s10] =	ssyncadd.s32 $0xFFFFEC78  }
0x1c: {  	[tilespmem:s11], [sflag:$0x1] =	stream.linear.gather [hbm4b:s6+s3], $0x13880, $0x38;
	[tilespmem:$0x19A28] =	vst v63  }
0x1d: {  	_ =	swait.ge [sflag:s10], $0x13880  }
0x1e: {  	[sflag:s10] =	ssyncset.done $0x0  }
0x1f: {  	[sflag:s10] =	ssyncadd.s32 $0xFFFEC780  }
0x20: {  	[spmem:s2] =	stream.indirect.scatter.add.f32 [tilespmem:s11], [sflag:$0x1], $0x10, s3, s11, $0xb8;
	[tilespmem:$0x19A28] =	vst v63  }
0x21: {  	_ =	swait.ge [sflag:s10], $0x13880  }
0x22: {  	[sflag:s10] =	ssyncset.done $0x0  }
0x23: {  	[sflag:s10] =	ssyncadd.s32 $0xFFFEC780  }
0x24: {  	[bflag:$0x0] =	sbarrier.arrive $0xFFFF  }
0x25: {  	[tilespmem:s9], [sflag:$0x1] =	stream.linear.gather [spmem:s4], $0x2710, $0x38;
	[tilespmem:$0x19A28] =	vst v63  }
0x26: {  	s12 =	sadd.s32 $0x1, s12;
	_ =	swait.ge [sflag:s10], $0x2710  }
0x27: {  	p0 =	sne.s32 s12, s8;
	[sflag:s10] =	ssyncset.done $0x0  }
.Ltmp1:
0x28: {  	[sflag:s10] =	ssyncadd.s32 $0xFFFFD8F0;
	(pc) =	sbr.rel @p0 .LBB2_1-.Ltmp1, $4  }
0x29: {  	[hbm4b:s7+s3] =	stream.linear.scatter [tilespmem:s9], [sflag:$0x1], $0x2710, $0x38;
	[tilespmem:$0x19A28] =	vst v63  }
0x2a: {  	_ =	swait.ge [sflag:s10], $0x2710  }
0x2b: {  	[sflag:s10] =	ssyncset.done $0x0  }
0x2c: {  	[sflag:s10] =	ssyncadd.s32 $0xFFFFD8F0  }
0x2d: {  	_ =	sfence.sel $0x180000  }
0x2e: {  	[bflag:$0x0] =	sbarrier.arrive $0xFFFF  }
0x2f: {  	p0 =	sne.s32 s1, $0x0;
	_ =	strace $0x9000004A  }
0x30: {  	s0 =	sadd.s32 @!p0 $0x100000, s0;
	[bflag:$0x2] =	sbarrier.arrive $0xFFFF  }
0x31: {  	[sflag:s0] =	ssyncadd.tile.s32 @!p0 $0x1;
	_ =	shalt  }
.Lfunc_end2:
_tile_overlayer_lowered:
.L_overlay_start_2:
0x32: {  	(tag) =	ssettag $0x2  }
0x33: {  	s0 =	rddreg [dreg:$0x0];
	s2 =	stileid.u32  }
0x34: {  	s1 =	rddreg [dreg:$0x1];
	p0 =	sne.s32 s2, $0x0  }
0x35: {  	s3 =	rddreg [dreg:$0x2];
	[bflag:$0x3] =	sbarrier.arrive $0xFFFF;
	s2 =	simm.s32 @!p0 $0x1C01  }
0x36: {  	[timem:s3], [sflag:s2] =	dma.local @!p0 [hbm:s0], s1  }
0x37: {  	s0 =	simm.s32 @!p0 $0x1  }
0x38: {  	_ =	swait.ge @!p0 [sflag:s0], s1  }
0x39: {  	s1 =	ssub.s32 @!p0 $0x0, s1;
	[sflag:s0] =	ssyncset.done @!p0 $0x0  }
0x3a: {  	[sflag:s0] =	ssyncadd.s32 @!p0 s1  }
0x3b: {  	[bflag:$0x3] =	sbarrier.arrive $0xFFFF  }
0x3c: {  	_ =	shalt  }

// kernel: kernel.23.cloned.1.call-start
scs
__scs_entry_jumppad:
0x0: {  	(pc) =	sbr.rel $0x88, $3  }
0x1: {  	(tag) =	ssettag $0x0;
	lr =	simm.s32 $0x1  }
0x2: {  	[smem:$0x3F8B] =	sst lr;
	_ =	strace $0xD0000000  }
0x3: {  	_ = 	snop  }
0x4: {  	_ = 	snop  }
0x5: {  	_ = 	snop  }
0x6: {  	_ = 	snop  }
0x7: {  	_ = 	snop  }
__scs_overlays_trampoline_lowered:
0x8: {  	[smem:$0x3F9A] =	sst s0  }
0x9: {  	[smem:$0x3F9B] =	sst s1  }
0xa: {  	[smem:$0x3F9C] =	sst s2  }
0xb: {  	[smem:$0x3F9D] =	sst s3  }
0xc: {  	[smem:$0x3F9E] =	sst s4  }
0xd: {  	[smem:$0x3F9F] =	sst s5  }
0xe: {  	[smem:$0x3FA0] =	sst s6  }
0xf: {  	[smem:$0x3FA1] =	sst s7  }
0x10: {  	[smem:$0x3FA2] =	sst s8  }
0x11: {  	[smem:$0x3FA3] =	sst s9;
	s0 =	simm.s32 @!p0 $0x0  }
0x12: {  	s1 =	sld [smem:$0x3F89];
	s0 =	simm.s32 @p0 $0x1  }
0x13: {  	[smem:$0x3FA4] =	sst s0;
	s0 =	simm.s32 @!p1 $0x0  }
0x14: {  	s2 =	sld [smem:$0x3F88];
	s0 =	simm.s32 @p1 $0x1  }
0x15: {  	[smem:$0x3FA5] =	sst s0;
	s0 =	simm.s32 @!p2 $0x0  }
0x16: {  	s3 =	sld [smem:$0x3FDB];
	s0 =	simm.s32 @p2 $0x1  }
0x17: {  	s4 =	simm.s32 $0x1BF5;
	[smem:$0x3FA7] =	sst s0  }
0x18: {  	s0 =	sld [smem:$0x3F8A];
	_ =	swait.ge [sflag:s4], $0x0  }
0x19: {  	s7 =	sld [smem:$0x3F8B]  }
0x1a: {  	s8 =	sadd.s32 $0xFFFFE003, lr  }
0x1b: {  	s9 =	sadd.s32 $0xFFFFFEF7, lr;
	s5 =	simm.s32 $0xFFFFFFFF;
	p2 =	slt.u32 s8, $0xFFFFF086  }
0x1c: {  	p1 =	slt.u32 s9, $0xF7A;
	s5 =	simm.s32 @!p2 $0x0  }
0x1d: {  	s5 =	simm.s32 @p1 $0x1;
	p0 =	seq.s32 s7, s2  }
0x1e: {  	s7 =	smul.u32 @!p0 $0xF7A, s2;
	p2 =	seq.s32 @!p0 s5, $0x0  }
0x1f: {  	s9 =	smul.u32 $0xF7A, s1;
	s8 =	simm.s32 @!p0 $0x1BF5;
	p2 =	por !p2, p0  }
0x20: {  	[sflag:s8] =	ssyncset.s32 @!p0 $0xFFFFF086;
	s6 =	sadd.s32 @!p0 s3, s7;
	s7 =	simm.s32 @!p0 $0x108  }
0x21: {  	s3 =	sadd.s32 s3, s9;
	s6 =	sadd.s32 @!p0 $0x88, s6;
	s7 =	simm.s32 @p2 $0x1082  }
0x22: {  	[simem:s7], [sflag:s8] =	dma.local @!p0 [hbm:s6], $0xF7A  }
0x23: {  	s9 =	sor.u32 $0xD0000000, s2;
	s6 =	simm.s32 $0x108;
	_ =	swait.ge @!p0 [sflag:s8], $0x0  }
0x24: {  	s3 =	sadd.s32 $0x88, s3;
	s6 =	simm.s32 @!p1 $0x1082;
	[sflag:s4] =	ssyncset.s32 $0xFFFFF086  }
0x25: {  	[simem:s6], [sflag:s4] =	dma.local [hbm:s3], $0xF7A  }
0x26: {  	[smem:$0x3F8B] =	sst s1;
	(tag) =	ssettag s2;
	_ =	strace s9  }
0x27: {  	s1 =	sld [smem:$0x3F9B]  }
0x28: {  	s2 =	sld [smem:$0x3F9C]  }
0x29: {  	s4 =	sld [smem:$0x3F9E]  }
0x2a: {  	p0 =	seq.s32 s5, $0x0;
	s5 =	sld [smem:$0x3F9F]  }
0x2b: {  	s6 =	sld [smem:$0x3FA0]  }
0x2c: {  	s7 =	sld [smem:$0x3FA1]  }
0x2d: {  	s3 =	simm.s32 $0x108;
	s8 =	sld [smem:$0x3FA2]  }
0x2e: {  	s3 =	simm.s32 @!p0 $0x1082;
	s9 =	sld [smem:$0x3FA3]  }
0x2f: {  	lr =	sadd.s32 s0, s3;
	s0 =	sld [smem:$0x3F9A]  }
0x30: {  	s3 =	sld [smem:$0x3F9D]  }
0x31: {  	[smem:$0x3FA6] =	sst s10  }
0x32: {  	s10 =	sld [smem:$0x3FA4];
	_ =	sdelay $0x3  }
0x33: {  	p0 =	seq.s32 s10, $0x1;
	s10 =	sld [smem:$0x3FA6];
	_ =	sdelay $0x3  }
0x34: {  	[smem:$0x3FA6] =	sst s10  }
0x35: {  	s10 =	sld [smem:$0x3FA5];
	_ =	sdelay $0x3  }
0x36: {  	p1 =	seq.s32 s10, $0x1;
	s10 =	sld [smem:$0x3FA6];
	_ =	sdelay $0x3  }
0x37: {  	[smem:$0x3FA6] =	sst s10  }
0x38: {  	s10 =	sld [smem:$0x3FA7]  }
0x39: {  	_ = 	snop;
	(pc) =	sbr.ind lr, $3  }
0x3a: {  	_ = 	snop  }
0x3b: {  	_ = 	snop  }
0x3c: {  	p2 =	seq.s32 s10, $0x1;
	s10 =	sld [smem:$0x3FA6]  }
0x3d: {  	_ =	shalt  }
0x3e: {  	_ =	shalt  }
0x3f: {  	_ =	shalt  }
0x40: {  	_ =	shalt  }
0x41: {  	_ =	shalt  }
0x42: {  	_ =	shalt  }
0x43: {  	_ =	shalt  }
0x44: {  	_ =	shalt  }
0x45: {  	_ =	shalt  }
0x46: {  	_ =	shalt  }
0x47: {  	_ =	shalt  }
0x48: {  	_ =	shalt  }
0x49: {  	_ =	shalt  }
0x4a: {  	_ =	shalt  }
0x4b: {  	_ =	shalt  }
0x4c: {  	_ =	shalt  }
0x4d: {  	_ =	shalt  }
0x4e: {  	_ =	shalt  }
0x4f: {  	_ =	shalt  }
0x50: {  	_ =	shalt  }
0x51: {  	_ =	shalt  }
0x52: {  	_ =	shalt  }
0x53: {  	_ =	shalt  }
0x54: {  	_ =	shalt  }
0x55: {  	_ =	shalt  }
0x56: {  	_ =	shalt  }
0x57: {  	_ =	shalt  }
0x58: {  	_ =	shalt  }
0x59: {  	_ =	shalt  }
0x5a: {  	_ =	shalt  }
0x5b: {  	_ =	shalt  }
0x5c: {  	_ =	shalt  }
0x5d: {  	_ =	shalt  }
0x5e: {  	_ =	shalt  }
0x5f: {  	_ =	shalt  }
0x60: {  	_ =	shalt  }
0x61: {  	_ =	shalt  }
0x62: {  	_ =	shalt  }
0x63: {  	_ =	shalt  }
0x64: {  	_ =	shalt  }
0x65: {  	_ =	shalt  }
0x66: {  	_ =	shalt  }
0x67: {  	_ =	shalt  }
0x68: {  	_ =	shalt  }
0x69: {  	_ =	shalt  }
0x6a: {  	_ =	shalt  }
0x6b: {  	_ =	shalt  }
0x6c: {  	_ =	shalt  }
0x6d: {  	_ =	shalt  }
0x6e: {  	_ =	shalt  }
0x6f: {  	_ =	shalt  }
0x70: {  	_ =	shalt  }
0x71: {  	_ =	shalt  }
0x72: {  	_ =	shalt  }
0x73: {  	_ =	shalt  }
0x74: {  	_ =	shalt  }
0x75: {  	_ =	shalt  }
0x76: {  	_ =	shalt  }
0x77: {  	_ =	shalt  }
0x78: {  	_ =	shalt  }
0x79: {  	_ =	shalt  }
0x7a: {  	_ =	shalt  }
0x7b: {  	_ =	shalt  }
0x7c: {  	_ =	shalt  }
0x7d: {  	_ =	shalt  }
0x7e: {  	_ =	shalt  }
0x7f: {  	_ =	shalt  }
0x80: {  	_ =	shalt  }
0x81: {  	_ =	shalt  }
0x82: {  	_ =	shalt  }
0x83: {  	_ =	shalt  }
0x84: {  	_ =	shalt  }
0x85: {  	_ =	shalt  }
0x86: {  	_ =	shalt  }
0x87: {  	_ =	shalt  }
.Lfunc_end0:
.L_simem_size_0:
called_computation.2_lowered:
.L_overlay_start_0:
0x88: {  	s2 =	sld [smem:$0x3FD9]  }
0x89: {  	s3 =	sld [smem:$0x3FFE];
	_ =	sdelay $0x1  }
0x8a: {  	s1 =	srdreg.scid  }
0x8b: {  	s0 =	sand.u32 $0x1, s1  }
0x8c: {  	s16 =	sshll.u32 s0, $0xA;
	s2 =	sadd.s32 s3, s2  }
0x8d: {  	s2 =	sadd.s32 s2, s16  }
0x8e: {  	[smem:$0x3FB2] =	sst s2  }
0x8f: {  	_ = 	snop  }
0x90: {  	(tm) =	ssettm $0x1  }
0x91: {  	s17 =	sld [smem:$0x3FFB];
	_ =	sdelay $0x3  }
0x92: {  	_ =	strace s17  }
0x93: {  	s2 =	sld [smem:$0x3FFC];
	_ =	sdelay $0x3  }
0x94: {  	_ =	strace s2  }
0x95: {  	s2 =	sld [smem:$0x3FFD];
	_ =	sdelay $0x3  }
0x96: {  	_ =	strace s2  }
0x97: {  	_ =	strace $0x8FFFFFFF  }
0x98: {  	s18 =	sld [smem:$0x3FDB];
	_ =	sdelay $0x1  }
0x99: {  	s19 =	simm.s32 $_scs_section_size  }
0x9a: {  	s4 =	simm.s32 $_size__tile_overlayer_lowered;
	s5 =	simm.s32 $_tile_overlayer_lowered  }
0x9b: {  	s22 =	simm.s32 $0x1BFF;
	s21 =	sshll.u32 s5, $0x1;
	s2 =	sadd.s32 s19, s18  }
0x9c: {  	s6 =	simm.s32 $0x0;
	s20 =	sshll.u32 s4, $0x1;
	s4 =	sadd.s32 s21, s2  }
0x9d: {  	[timem:s6], [sflag:s22] =	dma.local [hbm:s4], s20  }
0x9e: {  	_ =	swait.ge [sflag:s22], s20  }
0x9f: {  	s3 =	ssub.s32 $0x0, s20;
	[sflag:s22] =	ssyncset.done $0x0  }
0xa0: {  	[sflag:s22] =	ssyncadd.s32 s3;
	_ =	sdelay $0x1  }
0xa1: {  	s23 =	simm.s32 $0x1B8B  }
0xa2: {  	_ =	swait.ge [sflag:s23], $0x1  }
0xa3: {  	[sflag:s23] =	ssyncset.done $0x0  }
0xa4: {  	s25 =	simm.s32 $0x1B8E;
	s24 =	sld [smem:$0x3FFE];
	[sflag:s23] =	ssyncadd.s32 $0xFFFFFFFF  }
0xa5: {  	s26 =	simm.s32 $execute0_lowered;
	[smem:$0x3FD2] =	sst s25  }
0xa6: {  	s4 =	sshll.u32 s26, $0x1;
	_ =	strace $0x8000004C;
	[dreg:$0x1] =	wrdreg $0xFFFFFFFF  }
0xa7: {  	s28 =	simm.s32 $_size_execute0_lowered;
	s2 =	sadd.s32 s2, s4;
	[dreg:$0x0] =	wrdreg $0x0  }
0xa8: {  	s4 =	sshll.u32 s28, $0x1;
	[dreg:$0x2] =	wrdreg s2  }
0xa9: {  	[dreg:$0x3] =	wrdreg s4  }
0xaa: {  	[dreg:$0x4] =	wrdreg $0xC0  }
0xab: {  	_ =	task [dreg:s6], $0x5FFFF  }
0xac: {  	[dreg:$0x1] =	wrdreg $0xFFFFFFFF  }
0xad: {  	[dreg:$0x0] =	wrdreg $0x60  }
0xae: {  	[dreg:$0x2] =	wrdreg s24  }
0xaf: {  	[dreg:$0x3] =	wrdreg $0x9  }
0xb0: {  	_ =	task.clear_ibuf [dreg:s6], $0x4FFFF;
	_ =	strace $0x9000004C  }
0xb1: {  	s29 =	simm.s32 $0x9;
	_ =	strace $0x8000004E  }
0xb2: {  	_ =	swait.ge [sflag:s29], $0x1  }
0xb3: {  	[sflag:s29] =	ssyncadd.s32 $0xFFFFFFFF  }
0xb4: {  	_ =	strace $0x9000004E  }
0xb5: {  	_ =	sfence  }
0xb6: {  	s30 =	sld [smem:$0x0];
	_ =	sdelay $0x2  }
0xb7: {  	s31 =	sshll.u32 s1, $0xD;
	s1 =	sshrl.u32 s1, $0x2  }
0xb8: {  	s3 =	sand.u32 $0x4000, s31;
	s1 =	sadd.s32 s1, s30  }
0xb9: {  	s0 =	sor.u32 s3, s0;
	s1 =	sshll.u32 s1, $0x11  }
0xba: {  	s0 =	sor.u32 s1, s0  }
0xbb: {  	s0 =	sadd.s32 $0x8F2B, s0  }
0xbc: {  	[sflag:s0] =	ssyncadd.remote.s32 $0x1  }
0xbd: {  	_ =	sfence.sel $0xFFFF  }
0xbe: {  	[dreg:$0x0] =	wrdreg $0xFFFFFFFF;
	(pc) =	sbr.abs _section_cstart, $3  }
0xbf: {  	[dreg:$0x1] =	wrdreg $0xFFFFFFFF  }
0xc0: {  	_ =	task.clear_ibuf [dreg:s6], $0x2FFFF;
	_ =	strace $0x9FFFFFFF  }
0xc1: {  	(tm) =	ssettm $0x7FFFFFFF  }
tec
execute0_lowered:
.L_overlay_start_1:
0x0: {  	(tag) =	ssettag $0x1  }
0x1: {  	s1 =	srdreg.scid;
	s0 =	stileid.u32  }
0x2: {  	s6 =	sand.u32 $0x1, s1;
	s30 =	sshll.u32 s0, $0x1  }
0x3: {  	s8 =	rddreg [dreg:$0x0];
	s7 =	sor.u32 s6, s30  }
0x4: {  	s2 =	simm.s32 $0x0;
	s1 =	rddreg [dreg:$0x1];
	s3 =	smul.u32 $0x271, s7  }
0x5: {  	[smem:$0x7FF] =	sst s2;
	s5 =	sadd.s32 $0x2D400, s8  }
0x6: {  	_ =	strace $0x8000004D;
	s10 =	ssub.s32 $0x2, s6;
	s3 =	sadd.s32 s3, s8  }
0x7: {  	s6 =	simm.s32 $0x1388;
	s4 =	sadd.s32 $0x32400, s3;
	s3 =	simm.s32 $0x2  }
0x8: {  	[tilespmem:s2], [sflag:$0x2] =	stream.linear.gather [hbm4b:s4+s2], $0x1388, $0x38;
	[tilespmem:$0x14C08] =	vst v63  }
0x9: {  	s9 =	smul.u32 $0x2710, s7;
	s11 =	sshrl.u32 s10, $0x1;
	_ =	swait.ge [sflag:s3], $0x1388  }
0xa: {  	s7 =	simm.s32 $0x1;
	s31 =	ssub.s32 s10, s11;
	[sflag:s3] =	ssyncset.done $0x0  }
0xb: {  	s8 =	sadd.s32 s9, s8;
	s9 =	smax.u32 s31, $0x1;
	[sflag:s3] =	ssyncadd.s32 $0xFFFFEC78  }
0xc: {  	[tilespmem:s6], [sflag:$0x1] =	stream.indirect.gather [hbm4b:s5+s6], $0x10, s2, s6, $0xb8;
	[tilespmem:$0x14C08] =	vst v63  }
0xd: {  	p0 =	sne.s32 s9, $0x1;
	_ =	swait.ge [sflag:s7], $0x13880  }
.Ltmp0:
0xe: {  	[sflag:s7] =	ssyncset.done $0x0;
	(pc) =	sbr.rel @!p0 .LBB2_2-.Ltmp0, $4  }
0xf: {  	s8 =	sadd.s32 $0x63600, s8;
	[sflag:s7] =	ssyncadd.s32 $0xFFFEC780  }
0x10: {  	[hbm4b:s8+s2] =	stream.linear.scatter [tilespmem:s6], [sflag:$0x2], $0x13880, $0x38;
	[tilespmem:$0x14C08] =	vst v63  }
0x11: {  	_ =	swait.ge [sflag:s3], $0x13880  }
0x12: {  	s9 =	sadd.s32 $0xFFFFFFFF, s9;
	[sflag:s3] =	ssyncset.done $0x0  }
.LBB2_1:
0x13: {  	p0 =	sne.s32 s9, $0x1;
	s9 =	sadd.s32 $0xFFFFFFFF, s9;
	[sflag:s3] =	ssyncadd.s32 $0xFFFEC780  }
0x14: {  	[tilespmem:s2], [sflag:$0x2] =	stream.linear.gather [hbm4b:s4+s2], $0x1388, $0x38;
	[tilespmem:$0x14C08] =	vst v63  }
0x15: {  	_ =	swait.ge [sflag:s3], $0x1388  }
0x16: {  	[sflag:s3] =	ssyncset.done $0x0  }
0x17: {  	[sflag:s3] =	ssyncadd.s32 $0xFFFFEC78  }
0x18: {  	[tilespmem:s6], [sflag:$0x1] =	stream.indirect.gather [hbm4b:s5+s6], $0x10, s2, s6, $0xb8;
	[tilespmem:$0x14C08] =	vst v63  }
0x19: {  	_ =	swait.ge [sflag:s7], $0x13880  }
.Ltmp1:
0x1a: {  	[sflag:s7] =	ssyncset.done $0x0;
	(pc) =	sbr.rel @p0 .LBB2_1-.Ltmp1, $4  }
0x1b: {  	[sflag:s7] =	ssyncadd.s32 $0xFFFEC780  }
0x1c: {  	[hbm4b:s8+s2] =	stream.linear.scatter [tilespmem:s6], [sflag:$0x2], $0x13880, $0x38;
	[tilespmem:$0x14C08] =	vst v63  }
0x1d: {  	_ =	swait.ge [sflag:s3], $0x13880  }
0x1e: {  	[sflag:s3] =	ssyncset.done $0x0  }
.LBB2_2:
0x1f: {  	[sflag:s3] =	ssyncadd.s32 $0xFFFEC780  }
0x20: {  	_ =	sfence.sel $0x180000  }
0x21: {  	[bflag:$0x0] =	sbarrier.arrive $0xFFFF  }
0x22: {  	p0 =	sne.s32 s0, $0x0;
	_ =	strace $0x9000004D  }
0x23: {  	s0 =	sadd.s32 @!p0 $0x100000, s1;
	[bflag:$0x2] =	sbarrier.arrive $0xFFFF  }
0x24: {  	[sflag:s0] =	ssyncadd.tile.s32 @!p0 $0x1;
	_ =	shalt  }
.Lfunc_end2:
_tile_overlayer_lowered:
.L_overlay_start_2:
0x25: {  	(tag) =	ssettag $0x2  }
0x26: {  	s0 =	rddreg [dreg:$0x0];
	s2 =	stileid.u32  }
0x27: {  	s1 =	rddreg [dreg:$0x1];
	p0 =	sne.s32 s2, $0x0  }
0x28: {  	s3 =	rddreg [dreg:$0x2];
	[bflag:$0x3] =	sbarrier.arrive $0xFFFF;
	s2 =	simm.s32 @!p0 $0x1C02  }
0x29: {  	[timem:s3], [sflag:s2] =	dma.local @!p0 [hbm:s0], s1  }
0x2a: {  	s0 =	simm.s32 @!p0 $0x2  }
0x2b: {  	_ =	swait.ge @!p0 [sflag:s0], s1  }
0x2c: {  	s1 =	ssub.s32 @!p0 $0x0, s1;
	[sflag:s0] =	ssyncset.done @!p0 $0x0  }
0x2d: {  	[sflag:s0] =	ssyncadd.s32 @!p0 s1  }
0x2e: {  	[bflag:$0x3] =	sbarrier.arrive $0xFFFF  }
0x2f: {  	_ =	shalt  }

// kernel: kernel.26.cloned.1.call-start
scs
__scs_entry_jumppad:
0x0: {  	(pc) =	sbr.rel $0x88, $3  }
0x1: {  	(tag) =	ssettag $0x0;
	lr =	simm.s32 $0x1  }
0x2: {  	[smem:$0x3F8B] =	sst lr;
	_ =	strace $0xD0000000  }
0x3: {  	_ = 	snop  }
0x4: {  	_ = 	snop  }
0x5: {  	_ = 	snop  }
0x6: {  	_ = 	snop  }
0x7: {  	_ = 	snop  }
__scs_overlays_trampoline_lowered:
0x8: {  	[smem:$0x3F9A] =	sst s0  }
0x9: {  	[smem:$0x3F9B] =	sst s1  }
0xa: {  	[smem:$0x3F9C] =	sst s2  }
0xb: {  	[smem:$0x3F9D] =	sst s3  }
0xc: {  	[smem:$0x3F9E] =	sst s4  }
0xd: {  	[smem:$0x3F9F] =	sst s5  }
0xe: {  	[smem:$0x3FA0] =	sst s6  }
0xf: {  	[smem:$0x3FA1] =	sst s7  }
0x10: {  	[smem:$0x3FA2] =	sst s8  }
0x11: {  	[smem:$0x3FA3] =	sst s9;
	s0 =	simm.s32 @!p0 $0x0  }
0x12: {  	s1 =	sld [smem:$0x3F89];
	s0 =	simm.s32 @p0 $0x1  }
0x13: {  	[smem:$0x3FA4] =	sst s0;
	s0 =	simm.s32 @!p1 $0x0  }
0x14: {  	s2 =	sld [smem:$0x3F88];
	s0 =	simm.s32 @p1 $0x1  }
0x15: {  	[smem:$0x3FA5] =	sst s0;
	s0 =	simm.s32 @!p2 $0x0  }
0x16: {  	s3 =	sld [smem:$0x3FDB];
	s0 =	simm.s32 @p2 $0x1  }
0x17: {  	s4 =	simm.s32 $0x1BF5;
	[smem:$0x3FA7] =	sst s0  }
0x18: {  	s0 =	sld [smem:$0x3F8A];
	_ =	swait.ge [sflag:s4], $0x0  }
0x19: {  	s7 =	sld [smem:$0x3F8B]  }
0x1a: {  	s8 =	sadd.s32 $0xFFFFE003, lr  }
0x1b: {  	s9 =	sadd.s32 $0xFFFFFEF7, lr;
	s5 =	simm.s32 $0xFFFFFFFF;
	p2 =	slt.u32 s8, $0xFFFFF086  }
0x1c: {  	p1 =	slt.u32 s9, $0xF7A;
	s5 =	simm.s32 @!p2 $0x0  }
0x1d: {  	s5 =	simm.s32 @p1 $0x1;
	p0 =	seq.s32 s7, s2  }
0x1e: {  	s7 =	smul.u32 @!p0 $0xF7A, s2;
	p2 =	seq.s32 @!p0 s5, $0x0  }
0x1f: {  	s9 =	smul.u32 $0xF7A, s1;
	s8 =	simm.s32 @!p0 $0x1BF5;
	p2 =	por !p2, p0  }
0x20: {  	[sflag:s8] =	ssyncset.s32 @!p0 $0xFFFFF086;
	s6 =	sadd.s32 @!p0 s3, s7;
	s7 =	simm.s32 @!p0 $0x108  }
0x21: {  	s3 =	sadd.s32 s3, s9;
	s6 =	sadd.s32 @!p0 $0x88, s6;
	s7 =	simm.s32 @p2 $0x1082  }
0x22: {  	[simem:s7], [sflag:s8] =	dma.local @!p0 [hbm:s6], $0xF7A  }
0x23: {  	s9 =	sor.u32 $0xD0000000, s2;
	s6 =	simm.s32 $0x108;
	_ =	swait.ge @!p0 [sflag:s8], $0x0  }
0x24: {  	s3 =	sadd.s32 $0x88, s3;
	s6 =	simm.s32 @!p1 $0x1082;
	[sflag:s4] =	ssyncset.s32 $0xFFFFF086  }
0x25: {  	[simem:s6], [sflag:s4] =	dma.local [hbm:s3], $0xF7A  }
0x26: {  	[smem:$0x3F8B] =	sst s1;
	(tag) =	ssettag s2;
	_ =	strace s9  }
0x27: {  	s1 =	sld [smem:$0x3F9B]  }
0x28: {  	s2 =	sld [smem:$0x3F9C]  }
0x29: {  	s4 =	sld [smem:$0x3F9E]  }
0x2a: {  	p0 =	seq.s32 s5, $0x0;
	s5 =	sld [smem:$0x3F9F]  }
0x2b: {  	s6 =	sld [smem:$0x3FA0]  }
0x2c: {  	s7 =	sld [smem:$0x3FA1]  }
0x2d: {  	s3 =	simm.s32 $0x108;
	s8 =	sld [smem:$0x3FA2]  }
0x2e: {  	s3 =	simm.s32 @!p0 $0x1082;
	s9 =	sld [smem:$0x3FA3]  }
0x2f: {  	lr =	sadd.s32 s0, s3;
	s0 =	sld [smem:$0x3F9A]  }
0x30: {  	s3 =	sld [smem:$0x3F9D]  }
0x31: {  	[smem:$0x3FA6] =	sst s10  }
0x32: {  	s10 =	sld [smem:$0x3FA4];
	_ =	sdelay $0x3  }
0x33: {  	p0 =	seq.s32 s10, $0x1;
	s10 =	sld [smem:$0x3FA6];
	_ =	sdelay $0x3  }
0x34: {  	[smem:$0x3FA6] =	sst s10  }
0x35: {  	s10 =	sld [smem:$0x3FA5];
	_ =	sdelay $0x3  }
0x36: {  	p1 =	seq.s32 s10, $0x1;
	s10 =	sld [smem:$0x3FA6];
	_ =	sdelay $0x3  }
0x37: {  	[smem:$0x3FA6] =	sst s10  }
0x38: {  	s10 =	sld [smem:$0x3FA7]  }
0x39: {  	_ = 	snop;
	(pc) =	sbr.ind lr, $3  }
0x3a: {  	_ = 	snop  }
0x3b: {  	_ = 	snop  }
0x3c: {  	p2 =	seq.s32 s10, $0x1;
	s10 =	sld [smem:$0x3FA6]  }
0x3d: {  	_ =	shalt  }
0x3e: {  	_ =	shalt  }
0x3f: {  	_ =	shalt  }
0x40: {  	_ =	shalt  }
0x41: {  	_ =	shalt  }
0x42: {  	_ =	shalt  }
0x43: {  	_ =	shalt  }
0x44: {  	_ =	shalt  }
0x45: {  	_ =	shalt  }
0x46: {  	_ =	shalt  }
0x47: {  	_ =	shalt  }
0x48: {  	_ =	shalt  }
0x49: {  	_ =	shalt  }
0x4a: {  	_ =	shalt  }
0x4b: {  	_ =	shalt  }
0x4c: {  	_ =	shalt  }
0x4d: {  	_ =	shalt  }
0x4e: {  	_ =	shalt  }
0x4f: {  	_ =	shalt  }
0x50: {  	_ =	shalt  }
0x51: {  	_ =	shalt  }
0x52: {  	_ =	shalt  }
0x53: {  	_ =	shalt  }
0x54: {  	_ =	shalt  }
0x55: {  	_ =	shalt  }
0x56: {  	_ =	shalt  }
0x57: {  	_ =	shalt  }
0x58: {  	_ =	shalt  }
0x59: {  	_ =	shalt  }
0x5a: {  	_ =	shalt  }
0x5b: {  	_ =	shalt  }
0x5c: {  	_ =	shalt  }
0x5d: {  	_ =	shalt  }
0x5e: {  	_ =	shalt  }
0x5f: {  	_ =	shalt  }
0x60: {  	_ =	shalt  }
0x61: {  	_ =	shalt  }
0x62: {  	_ =	shalt  }
0x63: {  	_ =	shalt  }
0x64: {  	_ =	shalt  }
0x65: {  	_ =	shalt  }
0x66: {  	_ =	shalt  }
0x67: {  	_ =	shalt  }
0x68: {  	_ =	shalt  }
0x69: {  	_ =	shalt  }
0x6a: {  	_ =	shalt  }
0x6b: {  	_ =	shalt  }
0x6c: {  	_ =	shalt  }
0x6d: {  	_ =	shalt  }
0x6e: {  	_ =	shalt  }
0x6f: {  	_ =	shalt  }
0x70: {  	_ =	shalt  }
0x71: {  	_ =	shalt  }
0x72: {  	_ =	shalt  }
0x73: {  	_ =	shalt  }
0x74: {  	_ =	shalt  }
0x75: {  	_ =	shalt  }
0x76: {  	_ =	shalt  }
0x77: {  	_ =	shalt  }
0x78: {  	_ =	shalt  }
0x79: {  	_ =	shalt  }
0x7a: {  	_ =	shalt  }
0x7b: {  	_ =	shalt  }
0x7c: {  	_ =	shalt  }
0x7d: {  	_ =	shalt  }
0x7e: {  	_ =	shalt  }
0x7f: {  	_ =	shalt  }
0x80: {  	_ =	shalt  }
0x81: {  	_ =	shalt  }
0x82: {  	_ =	shalt  }
0x83: {  	_ =	shalt  }
0x84: {  	_ =	shalt  }
0x85: {  	_ =	shalt  }
0x86: {  	_ =	shalt  }
0x87: {  	_ =	shalt  }
.Lfunc_end0:
.L_simem_size_0:
called_computation.3_lowered:
.L_overlay_start_0:
0x88: {  	s2 =	sld [smem:$0x3FD9]  }
0x89: {  	s3 =	sld [smem:$0x3FFE];
	_ =	sdelay $0x1  }
0x8a: {  	s1 =	srdreg.scid  }
0x8b: {  	s0 =	sand.u32 $0x1, s1  }
0x8c: {  	s16 =	sshll.u32 s0, $0xA;
	s2 =	sadd.s32 s3, s2  }
0x8d: {  	s2 =	sadd.s32 s2, s16  }
0x8e: {  	[smem:$0x3FB2] =	sst s2  }
0x8f: {  	_ = 	snop  }
0x90: {  	(tm) =	ssettm $0x1  }
0x91: {  	s17 =	sld [smem:$0x3FFB];
	_ =	sdelay $0x3  }
0x92: {  	_ =	strace s17  }
0x93: {  	s2 =	sld [smem:$0x3FFC];
	_ =	sdelay $0x3  }
0x94: {  	_ =	strace s2  }
0x95: {  	s2 =	sld [smem:$0x3FFD];
	_ =	sdelay $0x3  }
0x96: {  	_ =	strace s2  }
0x97: {  	_ =	strace $0x8FFFFFFF  }
0x98: {  	s18 =	sld [smem:$0x3FDB];
	_ =	sdelay $0x1  }
0x99: {  	s19 =	simm.s32 $_scs_section_size  }
0x9a: {  	s4 =	simm.s32 $_size__tile_overlayer_lowered;
	s5 =	simm.s32 $_tile_overlayer_lowered  }
0x9b: {  	s22 =	simm.s32 $0x1BFF;
	s21 =	sshll.u32 s5, $0x1;
	s2 =	sadd.s32 s19, s18  }
0x9c: {  	s6 =	simm.s32 $0x0;
	s20 =	sshll.u32 s4, $0x1;
	s4 =	sadd.s32 s21, s2  }
0x9d: {  	[timem:s6], [sflag:s22] =	dma.local [hbm:s4], s20  }
0x9e: {  	_ =	swait.ge [sflag:s22], s20  }
0x9f: {  	s3 =	ssub.s32 $0x0, s20;
	[sflag:s22] =	ssyncset.done $0x0  }
0xa0: {  	[sflag:s22] =	ssyncadd.s32 s3;
	_ =	sdelay $0x1  }
0xa1: {  	s23 =	simm.s32 $0x1B8B  }
0xa2: {  	_ =	swait.ge [sflag:s23], $0x1  }
0xa3: {  	[sflag:s23] =	ssyncset.done $0x0  }
0xa4: {  	s25 =	simm.s32 $0x1B8E;
	s24 =	sld [smem:$0x3FFE];
	[sflag:s23] =	ssyncadd.s32 $0xFFFFFFFF  }
0xa5: {  	s26 =	simm.s32 $execute0_lowered;
	[smem:$0x3FD2] =	sst s25  }
0xa6: {  	s4 =	sshll.u32 s26, $0x1;
	_ =	strace $0x8000004F;
	[dreg:$0x1] =	wrdreg $0xFFFFFFFF  }
0xa7: {  	s28 =	simm.s32 $_size_execute0_lowered;
	s2 =	sadd.s32 s2, s4;
	[dreg:$0x0] =	wrdreg $0x0  }
0xa8: {  	s4 =	sshll.u32 s28, $0x1;
	[dreg:$0x2] =	wrdreg s2  }
0xa9: {  	[dreg:$0x3] =	wrdreg s4  }
0xaa: {  	[dreg:$0x4] =	wrdreg $0xC0  }
0xab: {  	_ =	task [dreg:s6], $0x5FFFF  }
0xac: {  	[dreg:$0x1] =	wrdreg $0xFFFFFFFF  }
0xad: {  	[dreg:$0x0] =	wrdreg $0x60  }
0xae: {  	[dreg:$0x2] =	wrdreg s24  }
0xaf: {  	[dreg:$0x3] =	wrdreg $0x173180  }
0xb0: {  	[dreg:$0x4] =	wrdreg $0x9  }
0xb1: {  	_ =	task.clear_ibuf [dreg:s6], $0x5FFFF;
	_ =	strace $0x9000004F  }
0xb2: {  	s29 =	simm.s32 $0x9;
	_ =	strace $0x80000051  }
0xb3: {  	_ =	swait.ge [sflag:s29], $0x1  }
0xb4: {  	[sflag:s29] =	ssyncadd.s32 $0xFFFFFFFF  }
0xb5: {  	_ =	strace $0x90000051  }
0xb6: {  	_ =	sfence  }
0xb7: {  	s30 =	sld [smem:$0x0];
	_ =	sdelay $0x2  }
0xb8: {  	s31 =	sshll.u32 s1, $0xD;
	s1 =	sshrl.u32 s1, $0x2  }
0xb9: {  	s3 =	sand.u32 $0x4000, s31;
	s1 =	sadd.s32 s1, s30  }
0xba: {  	s0 =	sor.u32 s3, s0;
	s1 =	sshll.u32 s1, $0x11  }
0xbb: {  	s0 =	sor.u32 s1, s0  }
0xbc: {  	s0 =	sadd.s32 $0x8F2B, s0  }
0xbd: {  	[sflag:s0] =	ssyncadd.remote.s32 $0x1  }
0xbe: {  	_ =	sfence.sel $0xFFFF  }
0xbf: {  	[dreg:$0x0] =	wrdreg $0xFFFFFFFF;
	(pc) =	sbr.abs _section_cstart, $3  }
0xc0: {  	[dreg:$0x1] =	wrdreg $0xFFFFFFFF  }
0xc1: {  	_ =	task.clear_ibuf [dreg:s6], $0x2FFFF;
	_ =	strace $0x9FFFFFFF  }
0xc2: {  	(tm) =	ssettm $0x7FFFFFFF  }
0xc3: {  	_ =	shalt  }
tec
execute0_lowered:
.L_overlay_start_1:
0x0: {  	(tag) =	ssettag $0x1  }
0x1: {  	s4 =	rddreg [dreg:$0x0]  }
0x2: {  	s2 =	rddreg [dreg:$0x1]  }
0x3: {  	s0 =	rddreg [dreg:$0x2];
	s3 =	simm.s32 $0x0;
	s5 =	srdreg.scid  }
0x4: {  	s1 =	stileid.u32;
	s11 =	simm.s32 $0x1388;
	s12 =	simm.s32 $0x0  }
0x5: {  	s5 =	sand.u32 $0x1, s5;
	s6 =	sshll.u32 s1, $0x1;
	s7 =	smul.u32 $0x2710, s1  }
0x6: {  	[smem:$0x7FF] =	sst s3;
	s6 =	sor.u32 s5, s6;
	s8 =	smul.u32 $0x27100, s5  }
0x7: {  	_ =	strace $0x80000050;
	s5 =	ssub.s32 $0x2, s5;
	s9 =	smul.u32 $0x2710, s6  }
0x8: {  	s6 =	smul.u32 $0x271, s6;
	s10 =	sshrl.u32 s5, $0x1;
	s8 =	sadd.s32 s7, s8  }
0x9: {  	s10 =	ssub.s32 s5, s10;
	s9 =	sadd.s32 s9, s4;
	s8 =	sshrl.u32 s8, $0x3  }
0xa: {  	s6 =	sadd.s32 s6, s4;
	s8 =	sadd.s32 s8, s4;
	s4 =	sadd.s32 s7, s2  }
0xb: {  	s5 =	sadd.s32 $0x37400, s6;
	s6 =	sadd.s32 $0x63600, s9;
	s9 =	simm.s32 $0x14C08  }
0xc: {  	v0 =	vimm.f32 $0.0e+00;
	s7 =	sadd.s32 $0xB1800, s8;
	s8 =	smax.u32 s10, $0x1;
	s10 =	simm.s32 $0x1  }
.LBB2_1:
0xd: {  	s13 =	simm.s32 $0x40;
	s14 =	simm.s32 $0x0  }
.LBB2_2:
0xe: {  	p0 =	sne.s32 s13, $0x9C00;
	[tilespmem:s14+$0x14C08] =	vst v0;
	s14 =	smov.u32 s13;
	s13 =	sadd.s32 $0x40, s13  }
.Ltmp0:
0xf: {  	(pc) =	sbr.rel @p0 .LBB2_2-.Ltmp0, $2  }
0x10: {  	_ =	sdelay $0x2  }
0x11: {  	s14 =	sshra.s32 s14, $0x2  }
0x12: {  	[tilespmem:s14+$0x14C08] =	vst v0  }
0x13: {  	[spmem:s4] =	stream.linear.scatter [tilespmem:s9], [sflag:$0x1], $0x2710, $0x38;
	[tilespmem:$0x19A28] =	vst v63  }
0x14: {  	_ =	swait.ge [sflag:s10], $0x2710  }
0x15: {  	[sflag:s10] =	ssyncset.done $0x0  }
0x16: {  	[sflag:s10] =	ssyncadd.s32 $0xFFFFD8F0  }
0x17: {  	[bflag:$0x0] =	sbarrier.arrive $0xFFFF  }
0x18: {  	[tilespmem:s3], [sflag:$0x1] =	stream.linear.gather [hbm4b:s5+s3], $0x1388, $0x38;
	[tilespmem:$0x19A28] =	vst v63  }
0x19: {  	_ =	swait.ge [sflag:s10], $0x1388  }
0x1a: {  	[sflag:s10] =	ssyncset.done $0x0  }
0x1b: {  	[sflag:s10] =	ssyncadd.s32 $0xFFFFEC78  }
0x1c: {  	[tilespmem:s11], [sflag:$0x1] =	stream.linear.gather [hbm4b:s6+s3], $0x13880, $0x38;
	[tilespmem:$0x19A28] =	vst v63  }
0x1d: {  	_ =	swait.ge [sflag:s10], $0x13880  }
0x1e: {  	[sflag:s10] =	ssyncset.done $0x0  }
0x1f: {  	[sflag:s10] =	ssyncadd.s32 $0xFFFEC780  }
0x20: {  	[spmem:s2] =	stream.indirect.scatter.add.f32 [tilespmem:s11], [sflag:$0x1], $0x10, s3, s11, $0xb8;
	[tilespmem:$0x19A28] =	vst v63  }
0x21: {  	_ =	swait.ge [sflag:s10], $0x13880  }
0x22: {  	[sflag:s10] =	ssyncset.done $0x0  }
0x23: {  	[sflag:s10] =	ssyncadd.s32 $0xFFFEC780  }
0x24: {  	[bflag:$0x0] =	sbarrier.arrive $0xFFFF  }
0x25: {  	[tilespmem:s9], [sflag:$0x1] =	stream.linear.gather [spmem:s4], $0x2710, $0x38;
	[tilespmem:$0x19A28] =	vst v63  }
0x26: {  	s12 =	sadd.s32 $0x1, s12;
	_ =	swait.ge [sflag:s10], $0x2710  }
0x27: {  	p0 =	sne.s32 s12, s8;
	[sflag:s10] =	ssyncset.done $0x0  }
.Ltmp1:
0x28: {  	[sflag:s10] =	ssyncadd.s32 $0xFFFFD8F0;
	(pc) =	sbr.rel @p0 .LBB2_1-.Ltmp1, $4  }
0x29: {  	[hbm4b:s7+s3] =	stream.linear.scatter [tilespmem:s9], [sflag:$0x1], $0x2710, $0x38;
	[tilespmem:$0x19A28] =	vst v63  }
0x2a: {  	_ =	swait.ge [sflag:s10], $0x2710  }
0x2b: {  	[sflag:s10] =	ssyncset.done $0x0  }
0x2c: {  	[sflag:s10] =	ssyncadd.s32 $0xFFFFD8F0  }
0x2d: {  	_ =	sfence.sel $0x180000  }
0x2e: {  	[bflag:$0x0] =	sbarrier.arrive $0xFFFF  }
0x2f: {  	p0 =	sne.s32 s1, $0x0;
	_ =	strace $0x90000050  }
0x30: {  	s0 =	sadd.s32 @!p0 $0x100000, s0;
	[bflag:$0x2] =	sbarrier.arrive $0xFFFF  }
0x31: {  	[sflag:s0] =	ssyncadd.tile.s32 @!p0 $0x1;
	_ =	shalt  }
.Lfunc_end2:
_tile_overlayer_lowered:
.L_overlay_start_2:
0x32: {  	(tag) =	ssettag $0x2  }
0x33: {  	s0 =	rddreg [dreg:$0x0];
	s2 =	stileid.u32  }
0x34: {  	s1 =	rddreg [dreg:$0x1];
	p0 =	sne.s32 s2, $0x0  }
0x35: {  	s3 =	rddreg [dreg:$0x2];
	[bflag:$0x3] =	sbarrier.arrive $0xFFFF;
	s2 =	simm.s32 @!p0 $0x1C01  }
0x36: {  	[timem:s3], [sflag:s2] =	dma.local @!p0 [hbm:s0], s1  }
0x37: {  	s0 =	simm.s32 @!p0 $0x1  }
0x38: {  	_ =	swait.ge @!p0 [sflag:s0], s1  }
0x39: {  	s1 =	ssub.s32 @!p0 $0x0, s1;
	[sflag:s0] =	ssyncset.done @!p0 $0x0  }
0x3a: {  	[sflag:s0] =	ssyncadd.s32 @!p0 s1  }
0x3b: {  	[bflag:$0x3] =	sbarrier.arrive $0xFFFF  }
0x3c: {  	_ =	shalt  }

// kernel: kernel.29.cloned.1.call-start
scs
__scs_entry_jumppad:
0x0: {  	(pc) =	sbr.rel $0x88, $3  }
0x1: {  	(tag) =	ssettag $0x0;
	lr =	simm.s32 $0x1  }
0x2: {  	[smem:$0x3F8B] =	sst lr;
	_ =	strace $0xD0000000  }
0x3: {  	_ = 	snop  }
0x4: {  	_ = 	snop  }
0x5: {  	_ = 	snop  }
0x6: {  	_ = 	snop  }
0x7: {  	_ = 	snop  }
__scs_overlays_trampoline_lowered:
0x8: {  	[smem:$0x3F9A] =	sst s0  }
0x9: {  	[smem:$0x3F9B] =	sst s1  }
0xa: {  	[smem:$0x3F9C] =	sst s2  }
0xb: {  	[smem:$0x3F9D] =	sst s3  }
0xc: {  	[smem:$0x3F9E] =	sst s4  }
0xd: {  	[smem:$0x3F9F] =	sst s5  }
0xe: {  	[smem:$0x3FA0] =	sst s6  }
0xf: {  	[smem:$0x3FA1] =	sst s7  }
0x10: {  	[smem:$0x3FA2] =	sst s8  }
0x11: {  	[smem:$0x3FA3] =	sst s9;
	s0 =	simm.s32 @!p0 $0x0  }
0x12: {  	s1 =	sld [smem:$0x3F89];
	s0 =	simm.s32 @p0 $0x1  }
0x13: {  	[smem:$0x3FA4] =	sst s0;
	s0 =	simm.s32 @!p1 $0x0  }
0x14: {  	s2 =	sld [smem:$0x3F88];
	s0 =	simm.s32 @p1 $0x1  }
0x15: {  	[smem:$0x3FA5] =	sst s0;
	s0 =	simm.s32 @!p2 $0x0  }
0x16: {  	s3 =	sld [smem:$0x3FDB];
	s0 =	simm.s32 @p2 $0x1  }
0x17: {  	s4 =	simm.s32 $0x1BF5;
	[smem:$0x3FA7] =	sst s0  }
0x18: {  	s0 =	sld [smem:$0x3F8A];
	_ =	swait.ge [sflag:s4], $0x0  }
0x19: {  	s7 =	sld [smem:$0x3F8B]  }
0x1a: {  	s8 =	sadd.s32 $0xFFFFE003, lr  }
0x1b: {  	s9 =	sadd.s32 $0xFFFFFEF7, lr;
	s5 =	simm.s32 $0xFFFFFFFF;
	p2 =	slt.u32 s8, $0xFFFFF086  }
0x1c: {  	p1 =	slt.u32 s9, $0xF7A;
	s5 =	simm.s32 @!p2 $0x0  }
0x1d: {  	s5 =	simm.s32 @p1 $0x1;
	p0 =	seq.s32 s7, s2  }
0x1e: {  	s7 =	smul.u32 @!p0 $0xF7A, s2;
	p2 =	seq.s32 @!p0 s5, $0x0  }
0x1f: {  	s9 =	smul.u32 $0xF7A, s1;
	s8 =	simm.s32 @!p0 $0x1BF5;
	p2 =	por !p2, p0  }
0x20: {  	[sflag:s8] =	ssyncset.s32 @!p0 $0xFFFFF086;
	s6 =	sadd.s32 @!p0 s3, s7;
	s7 =	simm.s32 @!p0 $0x108  }
0x21: {  	s3 =	sadd.s32 s3, s9;
	s6 =	sadd.s32 @!p0 $0x88, s6;
	s7 =	simm.s32 @p2 $0x1082  }
0x22: {  	[simem:s7], [sflag:s8] =	dma.local @!p0 [hbm:s6], $0xF7A  }
0x23: {  	s9 =	sor.u32 $0xD0000000, s2;
	s6 =	simm.s32 $0x108;
	_ =	swait.ge @!p0 [sflag:s8], $0x0  }
0x24: {  	s3 =	sadd.s32 $0x88, s3;
	s6 =	simm.s32 @!p1 $0x1082;
	[sflag:s4] =	ssyncset.s32 $0xFFFFF086  }
0x25: {  	[simem:s6], [sflag:s4] =	dma.local [hbm:s3], $0xF7A  }
0x26: {  	[smem:$0x3F8B] =	sst s1;
	(tag) =	ssettag s2;
	_ =	strace s9  }
0x27: {  	s1 =	sld [smem:$0x3F9B]  }
0x28: {  	s2 =	sld [smem:$0x3F9C]  }
0x29: {  	s4 =	sld [smem:$0x3F9E]  }
0x2a: {  	p0 =	seq.s32 s5, $0x0;
	s5 =	sld [smem:$0x3F9F]  }
0x2b: {  	s6 =	sld [smem:$0x3FA0]  }
0x2c: {  	s7 =	sld [smem:$0x3FA1]  }
0x2d: {  	s3 =	simm.s32 $0x108;
	s8 =	sld [smem:$0x3FA2]  }
0x2e: {  	s3 =	simm.s32 @!p0 $0x1082;
	s9 =	sld [smem:$0x3FA3]  }
0x2f: {  	lr =	sadd.s32 s0, s3;
	s0 =	sld [smem:$0x3F9A]  }
0x30: {  	s3 =	sld [smem:$0x3F9D]  }
0x31: {  	[smem:$0x3FA6] =	sst s10  }
0x32: {  	s10 =	sld [smem:$0x3FA4];
	_ =	sdelay $0x3  }
0x33: {  	p0 =	seq.s32 s10, $0x1;
	s10 =	sld [smem:$0x3FA6];
	_ =	sdelay $0x3  }
0x34: {  	[smem:$0x3FA6] =	sst s10  }
0x35: {  	s10 =	sld [smem:$0x3FA5];
	_ =	sdelay $0x3  }
0x36: {  	p1 =	seq.s32 s10, $0x1;
	s10 =	sld [smem:$0x3FA6];
	_ =	sdelay $0x3  }
0x37: {  	[smem:$0x3FA6] =	sst s10  }
0x38: {  	s10 =	sld [smem:$0x3FA7]  }
0x39: {  	_ = 	snop;
	(pc) =	sbr.ind lr, $3  }
0x3a: {  	_ = 	snop  }
0x3b: {  	_ = 	snop  }
0x3c: {  	p2 =	seq.s32 s10, $0x1;
	s10 =	sld [smem:$0x3FA6]  }
0x3d: {  	_ =	shalt  }
0x3e: {  	_ =	shalt  }
0x3f: {  	_ =	shalt  }
0x40: {  	_ =	shalt  }
0x41: {  	_ =	shalt  }
0x42: {  	_ =	shalt  }
0x43: {  	_ =	shalt  }
0x44: {  	_ =	shalt  }
0x45: {  	_ =	shalt  }
0x46: {  	_ =	shalt  }
0x47: {  	_ =	shalt  }
0x48: {  	_ =	shalt  }
0x49: {  	_ =	shalt  }
0x4a: {  	_ =	shalt  }
0x4b: {  	_ =	shalt  }
0x4c: {  	_ =	shalt  }
0x4d: {  	_ =	shalt  }
0x4e: {  	_ =	shalt  }
0x4f: {  	_ =	shalt  }
0x50: {  	_ =	shalt  }
0x51: {  	_ =	shalt  }
0x52: {  	_ =	shalt  }
0x53: {  	_ =	shalt  }
0x54: {  	_ =	shalt  }
0x55: {  	_ =	shalt  }
0x56: {  	_ =	shalt  }
0x57: {  	_ =	shalt  }
0x58: {  	_ =	shalt  }
0x59: {  	_ =	shalt  }
0x5a: {  	_ =	shalt  }
0x5b: {  	_ =	shalt  }
0x5c: {  	_ =	shalt  }
0x5d: {  	_ =	shalt  }
0x5e: {  	_ =	shalt  }
0x5f: {  	_ =	shalt  }
0x60: {  	_ =	shalt  }
0x61: {  	_ =	shalt  }
0x62: {  	_ =	shalt  }
0x63: {  	_ =	shalt  }
0x64: {  	_ =	shalt  }
0x65: {  	_ =	shalt  }
0x66: {  	_ =	shalt  }
0x67: {  	_ =	shalt  }
0x68: {  	_ =	shalt  }
0x69: {  	_ =	shalt  }
0x6a: {  	_ =	shalt  }
0x6b: {  	_ =	shalt  }
0x6c: {  	_ =	shalt  }
0x6d: {  	_ =	shalt  }
0x6e: {  	_ =	shalt  }
0x6f: {  	_ =	shalt  }
0x70: {  	_ =	shalt  }
0x71: {  	_ =	shalt  }
0x72: {  	_ =	shalt  }
0x73: {  	_ =	shalt  }
0x74: {  	_ =	shalt  }
0x75: {  	_ =	shalt  }
0x76: {  	_ =	shalt  }
0x77: {  	_ =	shalt  }
0x78: {  	_ =	shalt  }
0x79: {  	_ =	shalt  }
0x7a: {  	_ =	shalt  }
0x7b: {  	_ =	shalt  }
0x7c: {  	_ =	shalt  }
0x7d: {  	_ =	shalt  }
0x7e: {  	_ =	shalt  }
0x7f: {  	_ =	shalt  }
0x80: {  	_ =	shalt  }
0x81: {  	_ =	shalt  }
0x82: {  	_ =	shalt  }
0x83: {  	_ =	shalt  }
0x84: {  	_ =	shalt  }
0x85: {  	_ =	shalt  }
0x86: {  	_ =	shalt  }
0x87: {  	_ =	shalt  }
.Lfunc_end0:
.L_simem_size_0:
called_computation.4_lowered:
.L_overlay_start_0:
0x88: {  	s2 =	sld [smem:$0x3FD9]  }
0x89: {  	s3 =	sld [smem:$0x3FFE];
	_ =	sdelay $0x1  }
0x8a: {  	s1 =	srdreg.scid  }
0x8b: {  	s0 =	sand.u32 $0x1, s1  }
0x8c: {  	s16 =	sshll.u32 s0, $0xA;
	s2 =	sadd.s32 s3, s2  }
0x8d: {  	s2 =	sadd.s32 s2, s16  }
0x8e: {  	[smem:$0x3FB2] =	sst s2  }
0x8f: {  	_ = 	snop  }
0x90: {  	(tm) =	ssettm $0x1  }
0x91: {  	s17 =	sld [smem:$0x3FFB];
	_ =	sdelay $0x3  }
0x92: {  	_ =	strace s17  }
0x93: {  	s2 =	sld [smem:$0x3FFC];
	_ =	sdelay $0x3  }
0x94: {  	_ =	strace s2  }
0x95: {  	s2 =	sld [smem:$0x3FFD];
	_ =	sdelay $0x3  }
0x96: {  	_ =	strace s2  }
0x97: {  	_ =	strace $0x8FFFFFFF  }
0x98: {  	s18 =	sld [smem:$0x3FDB];
	_ =	sdelay $0x1  }
0x99: {  	s19 =	simm.s32 $_scs_section_size  }
0x9a: {  	s4 =	simm.s32 $_size__tile_overlayer_lowered;
	s5 =	simm.s32 $_tile_overlayer_lowered  }
0x9b: {  	s22 =	simm.s32 $0x1BFF;
	s21 =	sshll.u32 s5, $0x1;
	s2 =	sadd.s32 s19, s18  }
0x9c: {  	s6 =	simm.s32 $0x0;
	s20 =	sshll.u32 s4, $0x1;
	s4 =	sadd.s32 s21, s2  }
0x9d: {  	[timem:s6], [sflag:s22] =	dma.local [hbm:s4], s20  }
0x9e: {  	_ =	swait.ge [sflag:s22], s20  }
0x9f: {  	s3 =	ssub.s32 $0x0, s20;
	[sflag:s22] =	ssyncset.done $0x0  }
0xa0: {  	[sflag:s22] =	ssyncadd.s32 s3;
	_ =	sdelay $0x1  }
0xa1: {  	s23 =	simm.s32 $0x1B8B  }
0xa2: {  	_ =	swait.ge [sflag:s23], $0x1  }
0xa3: {  	[sflag:s23] =	ssyncset.done $0x0  }
0xa4: {  	s25 =	simm.s32 $0x1B8E;
	s24 =	sld [smem:$0x3FFE];
	[sflag:s23] =	ssyncadd.s32 $0xFFFFFFFF  }
0xa5: {  	s26 =	simm.s32 $execute0_lowered;
	[smem:$0x3FD2] =	sst s25  }
0xa6: {  	s4 =	sshll.u32 s26, $0x1;
	_ =	strace $0x80000052;
	[dreg:$0x1] =	wrdreg $0xFFFFFFFF  }
0xa7: {  	s28 =	simm.s32 $_size_execute0_lowered;
	s2 =	sadd.s32 s2, s4;
	[dreg:$0x0] =	wrdreg $0x0  }
0xa8: {  	s4 =	sshll.u32 s28, $0x1;
	[dreg:$0x2] =	wrdreg s2  }
0xa9: {  	[dreg:$0x3] =	wrdreg s4  }
0xaa: {  	[dreg:$0x4] =	wrdreg $0xC0  }
0xab: {  	_ =	task [dreg:s6], $0x5FFFF  }
0xac: {  	[dreg:$0x1] =	wrdreg $0xFFFFFFFF  }
0xad: {  	[dreg:$0x0] =	wrdreg $0x60  }
0xae: {  	[dreg:$0x2] =	wrdreg s24  }
0xaf: {  	[dreg:$0x3] =	wrdreg $0x9  }
0xb0: {  	_ =	task.clear_ibuf [dreg:s6], $0x4FFFF;
	_ =	strace $0x90000052  }
0xb1: {  	s29 =	simm.s32 $0x9;
	_ =	strace $0x80000054  }
0xb2: {  	_ =	swait.ge [sflag:s29], $0x1  }
0xb3: {  	[sflag:s29] =	ssyncadd.s32 $0xFFFFFFFF  }
0xb4: {  	_ =	strace $0x90000054  }
0xb5: {  	_ =	sfence  }
0xb6: {  	s30 =	sld [smem:$0x0];
	_ =	sdelay $0x2  }
0xb7: {  	s31 =	sshll.u32 s1, $0xD;
	s1 =	sshrl.u32 s1, $0x2  }
0xb8: {  	s3 =	sand.u32 $0x4000, s31;
	s1 =	sadd.s32 s1, s30  }
0xb9: {  	s0 =	sor.u32 s3, s0;
	s1 =	sshll.u32 s1, $0x11  }
0xba: {  	s0 =	sor.u32 s1, s0  }
0xbb: {  	s0 =	sadd.s32 $0x8F2B, s0  }
0xbc: {  	[sflag:s0] =	ssyncadd.remote.s32 $0x1  }
0xbd: {  	_ =	sfence.sel $0xFFFF  }
0xbe: {  	[dreg:$0x0] =	wrdreg $0xFFFFFFFF;
	(pc) =	sbr.abs _section_cstart, $3  }
0xbf: {  	[dreg:$0x1] =	wrdreg $0xFFFFFFFF  }
0xc0: {  	_ =	task.clear_ibuf [dreg:s6], $0x2FFFF;
	_ =	strace $0x9FFFFFFF  }
0xc1: {  	(tm) =	ssettm $0x7FFFFFFF  }
tec
execute0_lowered:
.L_overlay_start_1:
0x0: {  	(tag) =	ssettag $0x1  }
0x1: {  	s1 =	srdreg.scid;
	s0 =	stileid.u32  }
0x2: {  	s6 =	sand.u32 $0x1, s1;
	s30 =	sshll.u32 s0, $0x1  }
0x3: {  	s8 =	rddreg [dreg:$0x0];
	s7 =	sor.u32 s6, s30  }
0x4: {  	s2 =	simm.s32 $0x0;
	s1 =	rddreg [dreg:$0x1];
	s3 =	smul.u32 $0x271, s7  }
0x5: {  	[smem:$0x7FF] =	sst s2;
	s5 =	sadd.s32 $0x2D400, s8  }
0x6: {  	_ =	strace $0x80000053;
	s10 =	ssub.s32 $0x2, s6;
	s3 =	sadd.s32 s3, s8  }
0x7: {  	s6 =	simm.s32 $0x1388;
	s4 =	sadd.s32 $0x32400, s3;
	s3 =	simm.s32 $0x2  }
0x8: {  	[tilespmem:s2], [sflag:$0x2] =	stream.linear.gather [hbm4b:s4+s2], $0x1388, $0x38;
	[tilespmem:$0x14C08] =	vst v63  }
0x9: {  	s9 =	smul.u32 $0x2710, s7;
	s11 =	sshrl.u32 s10, $0x1;
	_ =	swait.ge [sflag:s3], $0x1388  }
0xa: {  	s7 =	simm.s32 $0x1;
	s31 =	ssub.s32 s10, s11;
	[sflag:s3] =	ssyncset.done $0x0  }
0xb: {  	s8 =	sadd.s32 s9, s8;
	s9 =	smax.u32 s31, $0x1;
	[sflag:s3] =	ssyncadd.s32 $0xFFFFEC78  }
0xc: {  	[tilespmem:s6], [sflag:$0x1] =	stream.indirect.gather [hbm4b:s5+s6], $0x10, s2, s6, $0xb8;
	[tilespmem:$0x14C08] =	vst v63  }
0xd: {  	p0 =	sne.s32 s9, $0x1;
	_ =	swait.ge [sflag:s7], $0x13880  }
.Ltmp0:
0xe: {  	[sflag:s7] =	ssyncset.done $0x0;
	(pc) =	sbr.rel @!p0 .LBB2_2-.Ltmp0, $4  }
0xf: {  	s8 =	sadd.s32 $0x3C400, s8;
	[sflag:s7] =	ssyncadd.s32 $0xFFFEC780  }
0x10: {  	[hbm4b:s8+s2] =	stream.linear.scatter [tilespmem:s6], [sflag:$0x2], $0x13880, $0x38;
	[tilespmem:$0x14C08] =	vst v63  }
0x11: {  	_ =	swait.ge [sflag:s3], $0x13880  }
0x12: {  	s9 =	sadd.s32 $0xFFFFFFFF, s9;
	[sflag:s3] =	ssyncset.done $0x0  }
.LBB2_1:
0x13: {  	p0 =	sne.s32 s9, $0x1;
	s9 =	sadd.s32 $0xFFFFFFFF, s9;
	[sflag:s3] =	ssyncadd.s32 $0xFFFEC780  }
0x14: {  	[tilespmem:s2], [sflag:$0x2] =	stream.linear.gather [hbm4b:s4+s2], $0x1388, $0x38;
	[tilespmem:$0x14C08] =	vst v63  }
0x15: {  	_ =	swait.ge [sflag:s3], $0x1388  }
0x16: {  	[sflag:s3] =	ssyncset.done $0x0  }
0x17: {  	[sflag:s3] =	ssyncadd.s32 $0xFFFFEC78  }
0x18: {  	[tilespmem:s6], [sflag:$0x1] =	stream.indirect.gather [hbm4b:s5+s6], $0x10, s2, s6, $0xb8;
	[tilespmem:$0x14C08] =	vst v63  }
0x19: {  	_ =	swait.ge [sflag:s7], $0x13880  }
.Ltmp1:
0x1a: {  	[sflag:s7] =	ssyncset.done $0x0;
	(pc) =	sbr.rel @p0 .LBB2_1-.Ltmp1, $4  }
0x1b: {  	[sflag:s7] =	ssyncadd.s32 $0xFFFEC780  }
0x1c: {  	[hbm4b:s8+s2] =	stream.linear.scatter [tilespmem:s6], [sflag:$0x2], $0x13880, $0x38;
	[tilespmem:$0x14C08] =	vst v63  }
0x1d: {  	_ =	swait.ge [sflag:s3], $0x13880  }
0x1e: {  	[sflag:s3] =	ssyncset.done $0x0  }
.LBB2_2:
0x1f: {  	[sflag:s3] =	ssyncadd.s32 $0xFFFEC780  }
0x20: {  	_ =	sfence.sel $0x180000  }
0x21: {  	[bflag:$0x0] =	sbarrier.arrive $0xFFFF  }
0x22: {  	p0 =	sne.s32 s0, $0x0;
	_ =	strace $0x90000053  }
0x23: {  	s0 =	sadd.s32 @!p0 $0x100000, s1;
	[bflag:$0x2] =	sbarrier.arrive $0xFFFF  }
0x24: {  	[sflag:s0] =	ssyncadd.tile.s32 @!p0 $0x1;
	_ =	shalt  }
.Lfunc_end2:
_tile_overlayer_lowered:
.L_overlay_start_2:
0x25: {  	(tag) =	ssettag $0x2  }
0x26: {  	s0 =	rddreg [dreg:$0x0];
	s2 =	stileid.u32  }
0x27: {  	s1 =	rddreg [dreg:$0x1];
	p0 =	sne.s32 s2, $0x0  }
0x28: {  	s3 =	rddreg [dreg:$0x2];
	[bflag:$0x3] =	sbarrier.arrive $0xFFFF;
	s2 =	simm.s32 @!p0 $0x1C02  }
0x29: {  	[timem:s3], [sflag:s2] =	dma.local @!p0 [hbm:s0], s1  }
0x2a: {  	s0 =	simm.s32 @!p0 $0x2  }
0x2b: {  	_ =	swait.ge @!p0 [sflag:s0], s1  }
0x2c: {  	s1 =	ssub.s32 @!p0 $0x0, s1;
	[sflag:s0] =	ssyncset.done @!p0 $0x0  }
0x2d: {  	[sflag:s0] =	ssyncadd.s32 @!p0 s1  }
0x2e: {  	[bflag:$0x3] =	sbarrier.arrive $0xFFFF  }
0x2f: {  	_ =	shalt  }

// kernel: kernel.32.cloned.1.call-start
scs
__scs_entry_jumppad:
0x0: {  	(pc) =	sbr.rel $0x88, $3  }
0x1: {  	(tag) =	ssettag $0x0;
	lr =	simm.s32 $0x1  }
0x2: {  	[smem:$0x3F8B] =	sst lr;
	_ =	strace $0xD0000000  }
0x3: {  	_ = 	snop  }
0x4: {  	_ = 	snop  }
0x5: {  	_ = 	snop  }
0x6: {  	_ = 	snop  }
0x7: {  	_ = 	snop  }
__scs_overlays_trampoline_lowered:
0x8: {  	[smem:$0x3F9A] =	sst s0  }
0x9: {  	[smem:$0x3F9B] =	sst s1  }
0xa: {  	[smem:$0x3F9C] =	sst s2  }
0xb: {  	[smem:$0x3F9D] =	sst s3  }
0xc: {  	[smem:$0x3F9E] =	sst s4  }
0xd: {  	[smem:$0x3F9F] =	sst s5  }
0xe: {  	[smem:$0x3FA0] =	sst s6  }
0xf: {  	[smem:$0x3FA1] =	sst s7  }
0x10: {  	[smem:$0x3FA2] =	sst s8  }
0x11: {  	[smem:$0x3FA3] =	sst s9;
	s0 =	simm.s32 @!p0 $0x0  }
0x12: {  	s1 =	sld [smem:$0x3F89];
	s0 =	simm.s32 @p0 $0x1  }
0x13: {  	[smem:$0x3FA4] =	sst s0;
	s0 =	simm.s32 @!p1 $0x0  }
0x14: {  	s2 =	sld [smem:$0x3F88];
	s0 =	simm.s32 @p1 $0x1  }
0x15: {  	[smem:$0x3FA5] =	sst s0;
	s0 =	simm.s32 @!p2 $0x0  }
0x16: {  	s3 =	sld [smem:$0x3FDB];
	s0 =	simm.s32 @p2 $0x1  }
0x17: {  	s4 =	simm.s32 $0x1BF5;
	[smem:$0x3FA7] =	sst s0  }
0x18: {  	s0 =	sld [smem:$0x3F8A];
	_ =	swait.ge [sflag:s4], $0x0  }
0x19: {  	s7 =	sld [smem:$0x3F8B]  }
0x1a: {  	s8 =	sadd.s32 $0xFFFFE003, lr  }
0x1b: {  	s9 =	sadd.s32 $0xFFFFFEF7, lr;
	s5 =	simm.s32 $0xFFFFFFFF;
	p2 =	slt.u32 s8, $0xFFFFF086  }
0x1c: {  	p1 =	slt.u32 s9, $0xF7A;
	s5 =	simm.s32 @!p2 $0x0  }
0x1d: {  	s5 =	simm.s32 @p1 $0x1;
	p0 =	seq.s32 s7, s2  }
0x1e: {  	s7 =	smul.u32 @!p0 $0xF7A, s2;
	p2 =	seq.s32 @!p0 s5, $0x0  }
0x1f: {  	s9 =	smul.u32 $0xF7A, s1;
	s8 =	simm.s32 @!p0 $0x1BF5;
	p2 =	por !p2, p0  }
0x20: {  	[sflag:s8] =	ssyncset.s32 @!p0 $0xFFFFF086;
	s6 =	sadd.s32 @!p0 s3, s7;
	s7 =	simm.s32 @!p0 $0x108  }
0x21: {  	s3 =	sadd.s32 s3, s9;
	s6 =	sadd.s32 @!p0 $0x88, s6;
	s7 =	simm.s32 @p2 $0x1082  }
0x22: {  	[simem:s7], [sflag:s8] =	dma.local @!p0 [hbm:s6], $0xF7A  }
0x23: {  	s9 =	sor.u32 $0xD0000000, s2;
	s6 =	simm.s32 $0x108;
	_ =	swait.ge @!p0 [sflag:s8], $0x0  }
0x24: {  	s3 =	sadd.s32 $0x88, s3;
	s6 =	simm.s32 @!p1 $0x1082;
	[sflag:s4] =	ssyncset.s32 $0xFFFFF086  }
0x25: {  	[simem:s6], [sflag:s4] =	dma.local [hbm:s3], $0xF7A  }
0x26: {  	[smem:$0x3F8B] =	sst s1;
	(tag) =	ssettag s2;
	_ =	strace s9  }
0x27: {  	s1 =	sld [smem:$0x3F9B]  }
0x28: {  	s2 =	sld [smem:$0x3F9C]  }
0x29: {  	s4 =	sld [smem:$0x3F9E]  }
0x2a: {  	p0 =	seq.s32 s5, $0x0;
	s5 =	sld [smem:$0x3F9F]  }
0x2b: {  	s6 =	sld [smem:$0x3FA0]  }
0x2c: {  	s7 =	sld [smem:$0x3FA1]  }
0x2d: {  	s3 =	simm.s32 $0x108;
	s8 =	sld [smem:$0x3FA2]  }
0x2e: {  	s3 =	simm.s32 @!p0 $0x1082;
	s9 =	sld [smem:$0x3FA3]  }
0x2f: {  	lr =	sadd.s32 s0, s3;
	s0 =	sld [smem:$0x3F9A]  }
0x30: {  	s3 =	sld [smem:$0x3F9D]  }
0x31: {  	[smem:$0x3FA6] =	sst s10  }
0x32: {  	s10 =	sld [smem:$0x3FA4];
	_ =	sdelay $0x3  }
0x33: {  	p0 =	seq.s32 s10, $0x1;
	s10 =	sld [smem:$0x3FA6];
	_ =	sdelay $0x3  }
0x34: {  	[smem:$0x3FA6] =	sst s10  }
0x35: {  	s10 =	sld [smem:$0x3FA5];
	_ =	sdelay $0x3  }
0x36: {  	p1 =	seq.s32 s10, $0x1;
	s10 =	sld [smem:$0x3FA6];
	_ =	sdelay $0x3  }
0x37: {  	[smem:$0x3FA6] =	sst s10  }
0x38: {  	s10 =	sld [smem:$0x3FA7]  }
0x39: {  	_ = 	snop;
	(pc) =	sbr.ind lr, $3  }
0x3a: {  	_ = 	snop  }
0x3b: {  	_ = 	snop  }
0x3c: {  	p2 =	seq.s32 s10, $0x1;
	s10 =	sld [smem:$0x3FA6]  }
0x3d: {  	_ =	shalt  }
0x3e: {  	_ =	shalt  }
0x3f: {  	_ =	shalt  }
0x40: {  	_ =	shalt  }
0x41: {  	_ =	shalt  }
0x42: {  	_ =	shalt  }
0x43: {  	_ =	shalt  }
0x44: {  	_ =	shalt  }
0x45: {  	_ =	shalt  }
0x46: {  	_ =	shalt  }
0x47: {  	_ =	shalt  }
0x48: {  	_ =	shalt  }
0x49: {  	_ =	shalt  }
0x4a: {  	_ =	shalt  }
0x4b: {  	_ =	shalt  }
0x4c: {  	_ =	shalt  }
0x4d: {  	_ =	shalt  }
0x4e: {  	_ =	shalt  }
0x4f: {  	_ =	shalt  }
0x50: {  	_ =	shalt  }
0x51: {  	_ =	shalt  }
0x52: {  	_ =	shalt  }
0x53: {  	_ =	shalt  }
0x54: {  	_ =	shalt  }
0x55: {  	_ =	shalt  }
0x56: {  	_ =	shalt  }
0x57: {  	_ =	shalt  }
0x58: {  	_ =	shalt  }
0x59: {  	_ =	shalt  }
0x5a: {  	_ =	shalt  }
0x5b: {  	_ =	shalt  }
0x5c: {  	_ =	shalt  }
0x5d: {  	_ =	shalt  }
0x5e: {  	_ =	shalt  }
0x5f: {  	_ =	shalt  }
0x60: {  	_ =	shalt  }
0x61: {  	_ =	shalt  }
0x62: {  	_ =	shalt  }
0x63: {  	_ =	shalt  }
0x64: {  	_ =	shalt  }
0x65: {  	_ =	shalt  }
0x66: {  	_ =	shalt  }
0x67: {  	_ =	shalt  }
0x68: {  	_ =	shalt  }
0x69: {  	_ =	shalt  }
0x6a: {  	_ =	shalt  }
0x6b: {  	_ =	shalt  }
0x6c: {  	_ =	shalt  }
0x6d: {  	_ =	shalt  }
0x6e: {  	_ =	shalt  }
0x6f: {  	_ =	shalt  }
0x70: {  	_ =	shalt  }
0x71: {  	_ =	shalt  }
0x72: {  	_ =	shalt  }
0x73: {  	_ =	shalt  }
0x74: {  	_ =	shalt  }
0x75: {  	_ =	shalt  }
0x76: {  	_ =	shalt  }
0x77: {  	_ =	shalt  }
0x78: {  	_ =	shalt  }
0x79: {  	_ =	shalt  }
0x7a: {  	_ =	shalt  }
0x7b: {  	_ =	shalt  }
0x7c: {  	_ =	shalt  }
0x7d: {  	_ =	shalt  }
0x7e: {  	_ =	shalt  }
0x7f: {  	_ =	shalt  }
0x80: {  	_ =	shalt  }
0x81: {  	_ =	shalt  }
0x82: {  	_ =	shalt  }
0x83: {  	_ =	shalt  }
0x84: {  	_ =	shalt  }
0x85: {  	_ =	shalt  }
0x86: {  	_ =	shalt  }
0x87: {  	_ =	shalt  }
.Lfunc_end0:
.L_simem_size_0:
called_computation.5_lowered:
.L_overlay_start_0:
0x88: {  	s2 =	sld [smem:$0x3FD9]  }
0x89: {  	s3 =	sld [smem:$0x3FFE];
	_ =	sdelay $0x1  }
0x8a: {  	s1 =	srdreg.scid  }
0x8b: {  	s0 =	sand.u32 $0x1, s1  }
0x8c: {  	s16 =	sshll.u32 s0, $0xA;
	s2 =	sadd.s32 s3, s2  }
0x8d: {  	s2 =	sadd.s32 s2, s16  }
0x8e: {  	[smem:$0x3FB2] =	sst s2  }
0x8f: {  	_ = 	snop  }
0x90: {  	(tm) =	ssettm $0x1  }
0x91: {  	s17 =	sld [smem:$0x3FFB];
	_ =	sdelay $0x3  }
0x92: {  	_ =	strace s17  }
0x93: {  	s2 =	sld [smem:$0x3FFC];
	_ =	sdelay $0x3  }
0x94: {  	_ =	strace s2  }
0x95: {  	s2 =	sld [smem:$0x3FFD];
	_ =	sdelay $0x3  }
0x96: {  	_ =	strace s2  }
0x97: {  	_ =	strace $0x8FFFFFFF  }
0x98: {  	s18 =	sld [smem:$0x3FDB];
	_ =	sdelay $0x1  }
0x99: {  	s19 =	simm.s32 $_scs_section_size  }
0x9a: {  	s4 =	simm.s32 $_size__tile_overlayer_lowered;
	s5 =	simm.s32 $_tile_overlayer_lowered  }
0x9b: {  	s22 =	simm.s32 $0x1BFF;
	s21 =	sshll.u32 s5, $0x1;
	s2 =	sadd.s32 s19, s18  }
0x9c: {  	s6 =	simm.s32 $0x0;
	s20 =	sshll.u32 s4, $0x1;
	s4 =	sadd.s32 s21, s2  }
0x9d: {  	[timem:s6], [sflag:s22] =	dma.local [hbm:s4], s20  }
0x9e: {  	_ =	swait.ge [sflag:s22], s20  }
0x9f: {  	s3 =	ssub.s32 $0x0, s20;
	[sflag:s22] =	ssyncset.done $0x0  }
0xa0: {  	[sflag:s22] =	ssyncadd.s32 s3;
	_ =	sdelay $0x1  }
0xa1: {  	s23 =	simm.s32 $0x1B8B  }
0xa2: {  	_ =	swait.ge [sflag:s23], $0x1  }
0xa3: {  	[sflag:s23] =	ssyncset.done $0x0  }
0xa4: {  	s25 =	simm.s32 $0x1B8E;
	s24 =	sld [smem:$0x3FFE];
	[sflag:s23] =	ssyncadd.s32 $0xFFFFFFFF  }
0xa5: {  	s26 =	simm.s32 $execute0_lowered;
	[smem:$0x3FD2] =	sst s25  }
0xa6: {  	s4 =	sshll.u32 s26, $0x1;
	_ =	strace $0x80000055;
	[dreg:$0x1] =	wrdreg $0xFFFFFFFF  }
0xa7: {  	s28 =	simm.s32 $_size_execute0_lowered;
	s2 =	sadd.s32 s2, s4;
	[dreg:$0x0] =	wrdreg $0x0  }
0xa8: {  	s4 =	sshll.u32 s28, $0x1;
	[dreg:$0x2] =	wrdreg s2  }
0xa9: {  	[dreg:$0x3] =	wrdreg s4  }
0xaa: {  	[dreg:$0x4] =	wrdreg $0xC0  }
0xab: {  	_ =	task [dreg:s6], $0x5FFFF  }
0xac: {  	[dreg:$0x1] =	wrdreg $0xFFFFFFFF  }
0xad: {  	[dreg:$0x0] =	wrdreg $0x60  }
0xae: {  	[dreg:$0x2] =	wrdreg s24  }
0xaf: {  	[dreg:$0x3] =	wrdreg $0x173180  }
0xb0: {  	[dreg:$0x4] =	wrdreg $0x9  }
0xb1: {  	_ =	task.clear_ibuf [dreg:s6], $0x5FFFF;
	_ =	strace $0x90000055  }
0xb2: {  	s29 =	simm.s32 $0x9;
	_ =	strace $0x80000057  }
0xb3: {  	_ =	swait.ge [sflag:s29], $0x1  }
0xb4: {  	[sflag:s29] =	ssyncadd.s32 $0xFFFFFFFF  }
0xb5: {  	_ =	strace $0x90000057  }
0xb6: {  	_ =	sfence  }
0xb7: {  	s30 =	sld [smem:$0x0];
	_ =	sdelay $0x2  }
0xb8: {  	s31 =	sshll.u32 s1, $0xD;
	s1 =	sshrl.u32 s1, $0x2  }
0xb9: {  	s3 =	sand.u32 $0x4000, s31;
	s1 =	sadd.s32 s1, s30  }
0xba: {  	s0 =	sor.u32 s3, s0;
	s1 =	sshll.u32 s1, $0x11  }
0xbb: {  	s0 =	sor.u32 s1, s0  }
0xbc: {  	s0 =	sadd.s32 $0x8F2B, s0  }
0xbd: {  	[sflag:s0] =	ssyncadd.remote.s32 $0x1  }
0xbe: {  	_ =	sfence.sel $0xFFFF  }
0xbf: {  	[dreg:$0x0] =	wrdreg $0xFFFFFFFF;
	(pc) =	sbr.abs _section_cstart, $3  }
0xc0: {  	[dreg:$0x1] =	wrdreg $0xFFFFFFFF  }
0xc1: {  	_ =	task.clear_ibuf [dreg:s6], $0x2FFFF;
	_ =	strace $0x9FFFFFFF  }
0xc2: {  	(tm) =	ssettm $0x7FFFFFFF  }
0xc3: {  	_ =	shalt  }
tec
execute0_lowered:
.L_overlay_start_1:
0x0: {  	(tag) =	ssettag $0x1  }
0x1: {  	s4 =	rddreg [dreg:$0x0]  }
0x2: {  	s2 =	rddreg [dreg:$0x1]  }
0x3: {  	s0 =	rddreg [dreg:$0x2];
	s3 =	simm.s32 $0x0;
	s5 =	srdreg.scid  }
0x4: {  	s1 =	stileid.u32;
	s11 =	simm.s32 $0x1388;
	s12 =	simm.s32 $0x0  }
0x5: {  	s5 =	sand.u32 $0x1, s5;
	s6 =	sshll.u32 s1, $0x1;
	s7 =	smul.u32 $0x2710, s1  }
0x6: {  	[smem:$0x7FF] =	sst s3;
	s6 =	sor.u32 s5, s6;
	s8 =	smul.u32 $0x27100, s5  }
0x7: {  	_ =	strace $0x80000056;
	s5 =	ssub.s32 $0x2, s5;
	s9 =	smul.u32 $0x2710, s6  }
0x8: {  	s6 =	smul.u32 $0x271, s6;
	s10 =	sshrl.u32 s5, $0x1;
	s8 =	sadd.s32 s7, s8  }
0x9: {  	s10 =	ssub.s32 s5, s10;
	s9 =	sadd.s32 s9, s4;
	s8 =	sshrl.u32 s8, $0x3  }
0xa: {  	s6 =	sadd.s32 s6, s4;
	s8 =	sadd.s32 s8, s4;
	s4 =	sadd.s32 s7, s2  }
0xb: {  	s5 =	sadd.s32 $0x37400, s6;
	s6 =	sadd.s32 $0x3C400, s9;
	s9 =	simm.s32 $0x14C08  }
0xc: {  	v0 =	vimm.f32 $0.0e+00;
	s7 =	sadd.s32 $0x2D400, s8;
	s8 =	smax.u32 s10, $0x1;
	s10 =	simm.s32 $0x1  }
.LBB2_1:
0xd: {  	s13 =	simm.s32 $0x40;
	s14 =	simm.s32 $0x0  }
.LBB2_2:
0xe: {  	p0 =	sne.s32 s13, $0x9C00;
	[tilespmem:s14+$0x14C08] =	vst v0;
	s14 =	smov.u32 s13;
	s13 =	sadd.s32 $0x40, s13  }
.Ltmp0:
0xf: {  	(pc) =	sbr.rel @p0 .LBB2_2-.Ltmp0, $2  }
0x10: {  	_ =	sdelay $0x2  }
0x11: {  	s14 =	sshra.s32 s14, $0x2  }
0x12: {  	[tilespmem:s14+$0x14C08] =	vst v0  }
0x13: {  	[spmem:s4] =	stream.linear.scatter [tilespmem:s9], [sflag:$0x1], $0x2710, $0x38;
	[tilespmem:$0x19A28] =	vst v63  }
0x14: {  	_ =	swait.ge [sflag:s10], $0x2710  }
0x15: {  	[sflag:s10] =	ssyncset.done $0x0  }
0x16: {  	[sflag:s10] =	ssyncadd.s32 $0xFFFFD8F0  }
0x17: {  	[bflag:$0x0] =	sbarrier.arrive $0xFFFF  }
0x18: {  	[tilespmem:s3], [sflag:$0x1] =	stream.linear.gather [hbm4b:s5+s3], $0x1388, $0x38;
	[tilespmem:$0x19A28] =	vst v63  }
0x19: {  	_ =	swait.ge [sflag:s10], $0x1388  }
0x1a: {  	[sflag:s10] =	ssyncset.done $0x0  }
0x1b: {  	[sflag:s10] =	ssyncadd.s32 $0xFFFFEC78  }
0x1c: {  	[tilespmem:s11], [sflag:$0x1] =	stream.linear.gather [hbm4b:s6+s3], $0x13880, $0x38;
	[tilespmem:$0x19A28] =	vst v63  }
0x1d: {  	_ =	swait.ge [sflag:s10], $0x13880  }
0x1e: {  	[sflag:s10] =	ssyncset.done $0x0  }
0x1f: {  	[sflag:s10] =	ssyncadd.s32 $0xFFFEC780  }
0x20: {  	[spmem:s2] =	stream.indirect.scatter.add.f32 [tilespmem:s11], [sflag:$0x1], $0x10, s3, s11, $0xb8;
	[tilespmem:$0x19A28] =	vst v63  }
0x21: {  	_ =	swait.ge [sflag:s10], $0x13880  }
0x22: {  	[sflag:s10] =	ssyncset.done $0x0  }
0x23: {  	[sflag:s10] =	ssyncadd.s32 $0xFFFEC780  }
0x24: {  	[bflag:$0x0] =	sbarrier.arrive $0xFFFF  }
0x25: {  	[tilespmem:s9], [sflag:$0x1] =	stream.linear.gather [spmem:s4], $0x2710, $0x38;
	[tilespmem:$0x19A28] =	vst v63  }
0x26: {  	s12 =	sadd.s32 $0x1, s12;
	_ =	swait.ge [sflag:s10], $0x2710  }
0x27: {  	p0 =	sne.s32 s12, s8;
	[sflag:s10] =	ssyncset.done $0x0  }
.Ltmp1:
0x28: {  	[sflag:s10] =	ssyncadd.s32 $0xFFFFD8F0;
	(pc) =	sbr.rel @p0 .LBB2_1-.Ltmp1, $4  }
0x29: {  	[hbm4b:s7+s3] =	stream.linear.scatter [tilespmem:s9], [sflag:$0x1], $0x2710, $0x38;
	[tilespmem:$0x19A28] =	vst v63  }
0x2a: {  	_ =	swait.ge [sflag:s10], $0x2710  }
0x2b: {  	[sflag:s10] =	ssyncset.done $0x0  }
0x2c: {  	[sflag:s10] =	ssyncadd.s32 $0xFFFFD8F0  }
0x2d: {  	_ =	sfence.sel $0x180000  }
0x2e: {  	[bflag:$0x0] =	sbarrier.arrive $0xFFFF  }
0x2f: {  	p0 =	sne.s32 s1, $0x0;
	_ =	strace $0x90000056  }
0x30: {  	s0 =	sadd.s32 @!p0 $0x100000, s0;
	[bflag:$0x2] =	sbarrier.arrive $0xFFFF  }
0x31: {  	[sflag:s0] =	ssyncadd.tile.s32 @!p0 $0x1;
	_ =	shalt  }
.Lfunc_end2:
_tile_overlayer_lowered:
.L_overlay_start_2:
0x32: {  	(tag) =	ssettag $0x2  }
0x33: {  	s0 =	rddreg [dreg:$0x0];
	s2 =	stileid.u32  }
0x34: {  	s1 =	rddreg [dreg:$0x1];
	p0 =	sne.s32 s2, $0x0  }
0x35: {  	s3 =	rddreg [dreg:$0x2];
	[bflag:$0x3] =	sbarrier.arrive $0xFFFF;
	s2 =	simm.s32 @!p0 $0x1C01  }
0x36: {  	[timem:s3], [sflag:s2] =	dma.local @!p0 [hbm:s0], s1  }
0x37: {  	s0 =	simm.s32 @!p0 $0x1  }
0x38: {  	_ =	swait.ge @!p0 [sflag:s0], s1  }
0x39: {  	s1 =	ssub.s32 @!p0 $0x0, s1;
	[sflag:s0] =	ssyncset.done @!p0 $0x0  }
0x3a: {  	[sflag:s0] =	ssyncadd.s32 @!p0 s1  }
0x3b: {  	[bflag:$0x3] =	sbarrier.arrive $0xFFFF  }
0x3c: {  	_ =	shalt  }

// kernel: kernel.35.cloned.1.call-start
scs
__scs_entry_jumppad:
0x0: {  	(pc) =	sbr.rel $0x88, $3  }
0x1: {  	(tag) =	ssettag $0x0;
	lr =	simm.s32 $0x1  }
0x2: {  	[smem:$0x3F8B] =	sst lr;
	_ =	strace $0xD0000000  }
0x3: {  	_ = 	snop  }
0x4: {  	_ = 	snop  }
0x5: {  	_ = 	snop  }
0x6: {  	_ = 	snop  }
0x7: {  	_ = 	snop  }
__scs_overlays_trampoline_lowered:
0x8: {  	[smem:$0x3F9A] =	sst s0  }
0x9: {  	[smem:$0x3F9B] =	sst s1  }
0xa: {  	[smem:$0x3F9C] =	sst s2  }
0xb: {  	[smem:$0x3F9D] =	sst s3  }
0xc: {  	[smem:$0x3F9E] =	sst s4  }
0xd: {  	[smem:$0x3F9F] =	sst s5  }
0xe: {  	[smem:$0x3FA0] =	sst s6  }
0xf: {  	[smem:$0x3FA1] =	sst s7  }
0x10: {  	[smem:$0x3FA2] =	sst s8  }
0x11: {  	[smem:$0x3FA3] =	sst s9;
	s0 =	simm.s32 @!p0 $0x0  }
0x12: {  	s1 =	sld [smem:$0x3F89];
	s0 =	simm.s32 @p0 $0x1  }
0x13: {  	[smem:$0x3FA4] =	sst s0;
	s0 =	simm.s32 @!p1 $0x0  }
0x14: {  	s2 =	sld [smem:$0x3F88];
	s0 =	simm.s32 @p1 $0x1  }
0x15: {  	[smem:$0x3FA5] =	sst s0;
	s0 =	simm.s32 @!p2 $0x0  }
0x16: {  	s3 =	sld [smem:$0x3FDB];
	s0 =	simm.s32 @p2 $0x1  }
0x17: {  	s4 =	simm.s32 $0x1BF5;
	[smem:$0x3FA7] =	sst s0  }
0x18: {  	s0 =	sld [smem:$0x3F8A];
	_ =	swait.ge [sflag:s4], $0x0  }
0x19: {  	s7 =	sld [smem:$0x3F8B]  }
0x1a: {  	s8 =	sadd.s32 $0xFFFFE003, lr  }
0x1b: {  	s9 =	sadd.s32 $0xFFFFFEF7, lr;
	s5 =	simm.s32 $0xFFFFFFFF;
	p2 =	slt.u32 s8, $0xFFFFF086  }
0x1c: {  	p1 =	slt.u32 s9, $0xF7A;
	s5 =	simm.s32 @!p2 $0x0  }
0x1d: {  	s5 =	simm.s32 @p1 $0x1;
	p0 =	seq.s32 s7, s2  }
0x1e: {  	s7 =	smul.u32 @!p0 $0xF7A, s2;
	p2 =	seq.s32 @!p0 s5, $0x0  }
0x1f: {  	s9 =	smul.u32 $0xF7A, s1;
	s8 =	simm.s32 @!p0 $0x1BF5;
	p2 =	por !p2, p0  }
0x20: {  	[sflag:s8] =	ssyncset.s32 @!p0 $0xFFFFF086;
	s6 =	sadd.s32 @!p0 s3, s7;
	s7 =	simm.s32 @!p0 $0x108  }
0x21: {  	s3 =	sadd.s32 s3, s9;
	s6 =	sadd.s32 @!p0 $0x88, s6;
	s7 =	simm.s32 @p2 $0x1082  }
0x22: {  	[simem:s7], [sflag:s8] =	dma.local @!p0 [hbm:s6], $0xF7A  }
0x23: {  	s9 =	sor.u32 $0xD0000000, s2;
	s6 =	simm.s32 $0x108;
	_ =	swait.ge @!p0 [sflag:s8], $0x0  }
0x24: {  	s3 =	sadd.s32 $0x88, s3;
	s6 =	simm.s32 @!p1 $0x1082;
	[sflag:s4] =	ssyncset.s32 $0xFFFFF086  }
0x25: {  	[simem:s6], [sflag:s4] =	dma.local [hbm:s3], $0xF7A  }
0x26: {  	[smem:$0x3F8B] =	sst s1;
	(tag) =	ssettag s2;
	_ =	strace s9  }
0x27: {  	s1 =	sld [smem:$0x3F9B]  }
0x28: {  	s2 =	sld [smem:$0x3F9C]  }
0x29: {  	s4 =	sld [smem:$0x3F9E]  }
0x2a: {  	p0 =	seq.s32 s5, $0x0;
	s5 =	sld [smem:$0x3F9F]  }
0x2b: {  	s6 =	sld [smem:$0x3FA0]  }
0x2c: {  	s7 =	sld [smem:$0x3FA1]  }
0x2d: {  	s3 =	simm.s32 $0x108;
	s8 =	sld [smem:$0x3FA2]  }
0x2e: {  	s3 =	simm.s32 @!p0 $0x1082;
	s9 =	sld [smem:$0x3FA3]  }
0x2f: {  	lr =	sadd.s32 s0, s3;
	s0 =	sld [smem:$0x3F9A]  }
0x30: {  	s3 =	sld [smem:$0x3F9D]  }
0x31: {  	[smem:$0x3FA6] =	sst s10  }
0x32: {  	s10 =	sld [smem:$0x3FA4];
	_ =	sdelay $0x3  }
0x33: {  	p0 =	seq.s32 s10, $0x1;
	s10 =	sld [smem:$0x3FA6];
	_ =	sdelay $0x3  }
0x34: {  	[smem:$0x3FA6] =	sst s10  }
0x35: {  	s10 =	sld [smem:$0x3FA5];
	_ =	sdelay $0x3  }
0x36: {  	p1 =	seq.s32 s10, $0x1;
	s10 =	sld [smem:$0x3FA6];
	_ =	sdelay $0x3  }
0x37: {  	[smem:$0x3FA6] =	sst s10  }
0x38: {  	s10 =	sld [smem:$0x3FA7]  }
0x39: {  	_ = 	snop;
	(pc) =	sbr.ind lr, $3  }
0x3a: {  	_ = 	snop  }
0x3b: {  	_ = 	snop  }
0x3c: {  	p2 =	seq.s32 s10, $0x1;
	s10 =	sld [smem:$0x3FA6]  }
0x3d: {  	_ =	shalt  }
0x3e: {  	_ =	shalt  }
0x3f: {  	_ =	shalt  }
0x40: {  	_ =	shalt  }
0x41: {  	_ =	shalt  }
0x42: {  	_ =	shalt  }
0x43: {  	_ =	shalt  }
0x44: {  	_ =	shalt  }
0x45: {  	_ =	shalt  }
0x46: {  	_ =	shalt  }
0x47: {  	_ =	shalt  }
0x48: {  	_ =	shalt  }
0x49: {  	_ =	shalt  }
0x4a: {  	_ =	shalt  }
0x4b: {  	_ =	shalt  }
0x4c: {  	_ =	shalt  }
0x4d: {  	_ =	shalt  }
0x4e: {  	_ =	shalt  }
0x4f: {  	_ =	shalt  }
0x50: {  	_ =	shalt  }
0x51: {  	_ =	shalt  }
0x52: {  	_ =	shalt  }
0x53: {  	_ =	shalt  }
0x54: {  	_ =	shalt  }
0x55: {  	_ =	shalt  }
0x56: {  	_ =	shalt  }
0x57: {  	_ =	shalt  }
0x58: {  	_ =	shalt  }
0x59: {  	_ =	shalt  }
0x5a: {  	_ =	shalt  }
0x5b: {  	_ =	shalt  }
0x5c: {  	_ =	shalt  }
0x5d: {  	_ =	shalt  }
0x5e: {  	_ =	shalt  }
0x5f: {  	_ =	shalt  }
0x60: {  	_ =	shalt  }
0x61: {  	_ =	shalt  }
0x62: {  	_ =	shalt  }
0x63: {  	_ =	shalt  }
0x64: {  	_ =	shalt  }
0x65: {  	_ =	shalt  }
0x66: {  	_ =	shalt  }
0x67: {  	_ =	shalt  }
0x68: {  	_ =	shalt  }
0x69: {  	_ =	shalt  }
0x6a: {  	_ =	shalt  }
0x6b: {  	_ =	shalt  }
0x6c: {  	_ =	shalt  }
0x6d: {  	_ =	shalt  }
0x6e: {  	_ =	shalt  }
0x6f: {  	_ =	shalt  }
0x70: {  	_ =	shalt  }
0x71: {  	_ =	shalt  }
0x72: {  	_ =	shalt  }
0x73: {  	_ =	shalt  }
0x74: {  	_ =	shalt  }
0x75: {  	_ =	shalt  }
0x76: {  	_ =	shalt  }
0x77: {  	_ =	shalt  }
0x78: {  	_ =	shalt  }
0x79: {  	_ =	shalt  }
0x7a: {  	_ =	shalt  }
0x7b: {  	_ =	shalt  }
0x7c: {  	_ =	shalt  }
0x7d: {  	_ =	shalt  }
0x7e: {  	_ =	shalt  }
0x7f: {  	_ =	shalt  }
0x80: {  	_ =	shalt  }
0x81: {  	_ =	shalt  }
0x82: {  	_ =	shalt  }
0x83: {  	_ =	shalt  }
0x84: {  	_ =	shalt  }
0x85: {  	_ =	shalt  }
0x86: {  	_ =	shalt  }
0x87: {  	_ =	shalt  }
.Lfunc_end0:
.L_simem_size_0:
called_computation.6_lowered:
.L_overlay_start_0:
0x88: {  	s2 =	sld [smem:$0x3FD9]  }
0x89: {  	s3 =	sld [smem:$0x3FFE];
	_ =	sdelay $0x1  }
0x8a: {  	s1 =	srdreg.scid  }
0x8b: {  	s0 =	sand.u32 $0x1, s1  }
0x8c: {  	s17 =	sshll.u32 s0, $0xA;
	s2 =	sadd.s32 s3, s2  }
0x8d: {  	s2 =	sadd.s32 s2, s17  }
0x8e: {  	[smem:$0x3FB2] =	sst s2  }
0x8f: {  	_ = 	snop  }
0x90: {  	s2 =	sld [smem:$0x3FC6]  }
0x91: {  	s18 =	sld [smem:$0x3FC5];
	(tm) =	ssettm $0x1  }
0x92: {  	s4 =	sld [smem:$0x3FFB];
	_ =	sdelay $0x3  }
0x93: {  	_ =	strace s4  }
0x94: {  	s4 =	sld [smem:$0x3FFC];
	_ =	sdelay $0x3  }
0x95: {  	_ =	strace s4  }
0x96: {  	s4 =	sld [smem:$0x3FFD];
	_ =	sdelay $0x3  }
0x97: {  	_ =	strace s4  }
0x98: {  	_ =	strace $0x8FFFFFFF  }
0x99: {  	s19 =	sld [smem:$0x3FDB];
	_ =	sdelay $0x1  }
0x9a: {  	s5 =	simm.s32 $_scs_section_size  }
0x9b: {  	s6 =	simm.s32 $_size__tile_overlayer_lowered;
	s7 =	simm.s32 $_tile_overlayer_lowered  }
0x9c: {  	s22 =	simm.s32 $0x1BFF;
	s21 =	sshll.u32 s7, $0x1;
	s4 =	sadd.s32 s5, s19  }
0x9d: {  	s8 =	simm.s32 $0x0;
	s20 =	sshll.u32 s6, $0x1;
	s6 =	sadd.s32 s21, s4  }
0x9e: {  	[timem:s8], [sflag:s22] =	dma.local [hbm:s6], s20  }
0x9f: {  	_ =	swait.ge [sflag:s22], s20  }
0xa0: {  	s5 =	ssub.s32 $0x0, s20;
	[sflag:s22] =	ssyncset.done $0x0  }
0xa1: {  	[sflag:s22] =	ssyncadd.s32 s5;
	_ =	sdelay $0x1  }
0xa2: {  	s23 =	simm.s32 $0x1B8B  }
0xa3: {  	_ =	swait.ge [sflag:s23], $0x1  }
0xa4: {  	[sflag:s23] =	ssyncset.done $0x0  }
0xa5: {  	s25 =	simm.s32 $0x1B8E;
	s24 =	sld [smem:$0x3FFE];
	[sflag:s23] =	ssyncadd.s32 $0xFFFFFFFF  }
0xa6: {  	s26 =	simm.s32 $execute0_lowered;
	[smem:$0x3FD2] =	sst s25  }
0xa7: {  	s6 =	sshll.u32 s26, $0x1;
	_ =	strace $0x80000058;
	[dreg:$0x1] =	wrdreg $0xFFFFFFFF  }
0xa8: {  	s28 =	simm.s32 $_size_execute0_lowered;
	s4 =	sadd.s32 s4, s6;
	[dreg:$0x0] =	wrdreg $0x0  }
0xa9: {  	s6 =	sshll.u32 s28, $0x1;
	[dreg:$0x2] =	wrdreg s4  }
0xaa: {  	[dreg:$0x3] =	wrdreg s6  }
0xab: {  	[dreg:$0x4] =	wrdreg $0xC0  }
0xac: {  	_ =	task [dreg:s8], $0x5FFFF  }
0xad: {  	[dreg:$0x1] =	wrdreg $0xFFFFFFFF  }
0xae: {  	[dreg:$0x0] =	wrdreg $0x60  }
0xaf: {  	[dreg:$0x2] =	wrdreg s24  }
0xb0: {  	[dreg:$0x3] =	wrdreg s2  }
0xb1: {  	[dreg:$0x4] =	wrdreg s18  }
0xb2: {  	[dreg:$0x5] =	wrdreg $0x9  }
0xb3: {  	_ =	task.clear_ibuf [dreg:s8], $0x6FFFF;
	_ =	strace $0x90000058  }
0xb4: {  	s29 =	simm.s32 $0x9;
	_ =	strace $0x8000005A  }
0xb5: {  	_ =	swait.ge [sflag:s29], $0x1  }
0xb6: {  	[sflag:s29] =	ssyncadd.s32 $0xFFFFFFFF  }
0xb7: {  	_ =	strace $0x9000005A  }
0xb8: {  	_ =	sfence  }
0xb9: {  	s30 =	sld [smem:$0x0];
	_ =	sdelay $0x2  }
0xba: {  	s31 =	sshll.u32 s1, $0xD;
	s1 =	sshrl.u32 s1, $0x2  }
0xbb: {  	s3 =	sand.u32 $0x4000, s31;
	s1 =	sadd.s32 s1, s30  }
0xbc: {  	s0 =	sor.u32 s3, s0;
	s1 =	sshll.u32 s1, $0x11  }
0xbd: {  	s0 =	sor.u32 s1, s0  }
0xbe: {  	s0 =	sadd.s32 $0x8F2B, s0  }
0xbf: {  	[sflag:s0] =	ssyncadd.remote.s32 $0x1  }
0xc0: {  	_ =	sfence.sel $0xFFFF  }
0xc1: {  	[dreg:$0x0] =	wrdreg $0xFFFFFFFF;
	(pc) =	sbr.abs _section_cstart, $3  }
0xc2: {  	[dreg:$0x1] =	wrdreg $0xFFFFFFFF  }
0xc3: {  	_ =	task.clear_ibuf [dreg:s8], $0x2FFFF;
	_ =	strace $0x9FFFFFFF  }
0xc4: {  	(tm) =	ssettm $0x7FFFFFFF  }
0xc5: {  	_ =	shalt  }
tec
execute0_lowered:
.L_overlay_start_1:
0x0: {  	(tag) =	ssettag $0x1  }
0x1: {  	s1 =	srdreg.scid;
	s0 =	stileid.u32  }
0x2: {  	s30 =	sand.u32 $0x1, s1;
	s0 =	sshll.u32 s0, $0x1  }
0x3: {  	s1 =	sor.u32 s30, s0  }
0x4: {  	s13 =	rddreg [dreg:$0x0];
	s29 =	smul.u32 $0x1388, s1  }
0x5: {  	s26 =	rddreg [dreg:$0x1]  }
0x6: {  	s28 =	rddreg [dreg:$0x2];
	s2 =	simm.s32 $0x0;
	s7 =	sshrl.u32 s29, $0x3  }
0x7: {  	[smem:$0x7FF] =	sst s2;
	s3 =	sadd.s32 s26, s7  }
0x8: {  	_ =	strace $0x80000059;
	[dreg:$0x4] =	wrdreg s3  }
0x9: {  	s3 =	simm.s32 $0x3;
	s4 =	rddreg [dreg:$0x4]  }
0xa: {  	[tilespmem:s2], [sflag:$0x3] =	stream.linear.gather [hbm4b:s4+s2], $0x3E8, $0x38;
	[tilespmem:$0x84D0] =	vst v63  }
0xb: {  	_ =	swait.ge [sflag:s3], $0x3E8  }
0xc: {  	s5 =	simm.s32 $0x3E8;
	[sflag:s3] =	ssyncset.done $0x0  }
0xd: {  	s6 =	simm.s32 $0x7D0;
	s4 =	sadd.s32 $0xB200, s13;
	[sflag:s3] =	ssyncadd.s32 $0xFFFFFC18  }
0xe: {  	[tilespmem:s6], [sflag:$0x1] =	stream.indirect.gather [hbm4b:s4+s5], $0x10, s2, s5, $0xb8;
	[tilespmem:$0x84D0] =	vst v63  }
0xf: {  	s7 =	sadd.s32 s28, s7  }
0x10: {  	[tilespmem:s5], [sflag:$0x3] =	stream.linear.gather [hbm4b:s7+s2], $0x3E8, $0x38;
	[tilespmem:$0x84D0] =	vst v63  }
0x11: {  	_ =	swait.ge [sflag:s3], $0x3E8  }
0x12: {  	s9 =	simm.s32 $0x4650;
	[sflag:s3] =	ssyncset.done $0x0  }
0x13: {  	s10 =	simm.s32 $0x1;
	s8 =	sadd.s32 $0x6200, s13;
	[sflag:s3] =	ssyncadd.s32 $0xFFFFFC18  }
0x14: {  	[tilespmem:s9], [sflag:$0x2] =	stream.indirect.gather [hbm4b:s8+s5], $0x10, s5, s5, $0xb8;
	[tilespmem:$0x84D0] =	vst v63  }
0x15: {  	s14 =	smul.u32 $0x2710, s1;
	_ =	swait.ge [sflag:s10], $0x3E80  }
0x16: {  	s1 =	sadd.s32 $0x10200, s13;
	[sflag:s10] =	ssyncset.done $0x0  }
0x17: {  	s11 =	sadd.s32 s1, s14;
	[sflag:s10] =	ssyncadd.s32 $0xFFFFC180  }
0x18: {  	[hbm4b:s11+s2] =	stream.linear.scatter [tilespmem:s6], [sflag:$0x3], $0x3E80, $0x38;
	[tilespmem:$0x84D0] =	vst v63  }
0x19: {  	_ =	swait.ge [sflag:s3], $0x3E80  }
0x1a: {  	[sflag:s3] =	ssyncset.done $0x0  }
0x1b: {  	s12 =	simm.s32 $0x2;
	[sflag:s3] =	ssyncadd.s32 $0xFFFFC180  }
0x1c: {  	_ =	swait.ge [sflag:s12], $0x3E80  }
0x1d: {  	s31 =	sadd.s32 $0x5E400, s13;
	[sflag:s12] =	ssyncset.done $0x0  }
0x1e: {  	s13 =	sadd.s32 s31, s14;
	[sflag:s12] =	ssyncadd.s32 $0xFFFFC180  }
0x1f: {  	[hbm4b:s13+s2] =	stream.linear.scatter [tilespmem:s9], [sflag:$0x3], $0x3E80, $0x38;
	[tilespmem:$0x84D0] =	vst v63  }
0x20: {  	s16 =	sadd.s32 $0x3E8, s29;
	_ =	swait.ge [sflag:s3], $0x3E80  }
0x21: {  	s15 =	sshrl.u32 s16, $0x3;
	[sflag:s3] =	ssyncset.done $0x0  }
0x22: {  	s14 =	sadd.s32 s26, s15;
	[sflag:s3] =	ssyncadd.s32 $0xFFFFC180  }
0x23: {  	[tilespmem:s2], [sflag:$0x3] =	stream.linear.gather [hbm4b:s14+s2], $0x3E8, $0x38;
	[tilespmem:$0x84D0] =	vst v63  }
0x24: {  	_ =	swait.ge [sflag:s3], $0x3E8  }
0x25: {  	[sflag:s3] =	ssyncset.done $0x0  }
0x26: {  	[sflag:s3] =	ssyncadd.s32 $0xFFFFFC18  }
0x27: {  	[tilespmem:s6], [sflag:$0x1] =	stream.indirect.gather [hbm4b:s4+s5], $0x10, s2, s5, $0xb8;
	[tilespmem:$0x84D0] =	vst v63  }
0x28: {  	s15 =	sadd.s32 s28, s15  }
0x29: {  	[tilespmem:s5], [sflag:$0x3] =	stream.linear.gather [hbm4b:s15+s2], $0x3E8, $0x38;
	[tilespmem:$0x84D0] =	vst v63  }
0x2a: {  	_ =	swait.ge [sflag:s3], $0x3E8  }
0x2b: {  	[sflag:s3] =	ssyncset.done $0x0  }
0x2c: {  	[sflag:s3] =	ssyncadd.s32 $0xFFFFFC18  }
0x2d: {  	[tilespmem:s9], [sflag:$0x2] =	stream.indirect.gather [hbm4b:s8+s5], $0x10, s5, s5, $0xb8;
	[tilespmem:$0x84D0] =	vst v63  }
0x2e: {  	_ =	swait.ge [sflag:s10], $0x3E80  }
0x2f: {  	s17 =	sshll.u32 s16, $0x1;
	[sflag:s10] =	ssyncset.done $0x0  }
0x30: {  	s16 =	sadd.s32 s1, s17;
	[sflag:s10] =	ssyncadd.s32 $0xFFFFC180  }
0x31: {  	[hbm4b:s16+s2] =	stream.linear.scatter [tilespmem:s6], [sflag:$0x3], $0x3E80, $0x38;
	[tilespmem:$0x84D0] =	vst v63  }
0x32: {  	_ =	swait.ge [sflag:s3], $0x3E80  }
0x33: {  	[sflag:s3] =	ssyncset.done $0x0  }
0x34: {  	[sflag:s3] =	ssyncadd.s32 $0xFFFFC180  }
0x35: {  	_ =	swait.ge [sflag:s12], $0x3E80  }
0x36: {  	[sflag:s12] =	ssyncset.done $0x0  }
0x37: {  	s17 =	sadd.s32 s31, s17;
	[sflag:s12] =	ssyncadd.s32 $0xFFFFC180  }
0x38: {  	[hbm4b:s17+s2] =	stream.linear.scatter [tilespmem:s9], [sflag:$0x3], $0x3E80, $0x38;
	[tilespmem:$0x84D0] =	vst v63  }
0x39: {  	s20 =	sadd.s32 $0x7D0, s29;
	_ =	swait.ge [sflag:s3], $0x3E80  }
0x3a: {  	s19 =	sshrl.u32 s20, $0x3;
	[sflag:s3] =	ssyncset.done $0x0  }
0x3b: {  	s18 =	sadd.s32 s26, s19;
	[sflag:s3] =	ssyncadd.s32 $0xFFFFC180  }
0x3c: {  	[tilespmem:s2], [sflag:$0x3] =	stream.linear.gather [hbm4b:s18+s2], $0x3E8, $0x38;
	[tilespmem:$0x84D0] =	vst v63  }
0x3d: {  	_ =	swait.ge [sflag:s3], $0x3E8  }
0x3e: {  	[sflag:s3] =	ssyncset.done $0x0  }
0x3f: {  	[sflag:s3] =	ssyncadd.s32 $0xFFFFFC18  }
0x40: {  	[tilespmem:s6], [sflag:$0x1] =	stream.indirect.gather [hbm4b:s4+s5], $0x10, s2, s5, $0xb8;
	[tilespmem:$0x84D0] =	vst v63  }
0x41: {  	s19 =	sadd.s32 s28, s19  }
0x42: {  	[tilespmem:s5], [sflag:$0x3] =	stream.linear.gather [hbm4b:s19+s2], $0x3E8, $0x38;
	[tilespmem:$0x84D0] =	vst v63  }
0x43: {  	_ =	swait.ge [sflag:s3], $0x3E8  }
0x44: {  	[sflag:s3] =	ssyncset.done $0x0  }
0x45: {  	[sflag:s3] =	ssyncadd.s32 $0xFFFFFC18  }
0x46: {  	[tilespmem:s9], [sflag:$0x2] =	stream.indirect.gather [hbm4b:s8+s5], $0x10, s5, s5, $0xb8;
	[tilespmem:$0x84D0] =	vst v63  }
0x47: {  	_ =	swait.ge [sflag:s10], $0x3E80  }
0x48: {  	s21 =	sshll.u32 s20, $0x1;
	[sflag:s10] =	ssyncset.done $0x0  }
0x49: {  	s20 =	sadd.s32 s1, s21;
	[sflag:s10] =	ssyncadd.s32 $0xFFFFC180  }
0x4a: {  	[hbm4b:s20+s2] =	stream.linear.scatter [tilespmem:s6], [sflag:$0x3], $0x3E80, $0x38;
	[tilespmem:$0x84D0] =	vst v63  }
0x4b: {  	_ =	swait.ge [sflag:s3], $0x3E80  }
0x4c: {  	[sflag:s3] =	ssyncset.done $0x0  }
0x4d: {  	[sflag:s3] =	ssyncadd.s32 $0xFFFFC180  }
0x4e: {  	_ =	swait.ge [sflag:s12], $0x3E80  }
0x4f: {  	[sflag:s12] =	ssyncset.done $0x0  }
0x50: {  	s21 =	sadd.s32 s31, s21;
	[sflag:s12] =	ssyncadd.s32 $0xFFFFC180  }
0x51: {  	[hbm4b:s21+s2] =	stream.linear.scatter [tilespmem:s9], [sflag:$0x3], $0x3E80, $0x38;
	[tilespmem:$0x84D0] =	vst v63  }
0x52: {  	s24 =	sadd.s32 $0xBB8, s29;
	_ =	swait.ge [sflag:s3], $0x3E80  }
0x53: {  	s23 =	sshrl.u32 s24, $0x3;
	[sflag:s3] =	ssyncset.done $0x0  }
0x54: {  	s22 =	sadd.s32 s26, s23;
	[sflag:s3] =	ssyncadd.s32 $0xFFFFC180  }
0x55: {  	[tilespmem:s2], [sflag:$0x3] =	stream.linear.gather [hbm4b:s22+s2], $0x3E8, $0x38;
	[tilespmem:$0x84D0] =	vst v63  }
0x56: {  	_ =	swait.ge [sflag:s3], $0x3E8  }
0x57: {  	[sflag:s3] =	ssyncset.done $0x0  }
0x58: {  	[sflag:s3] =	ssyncadd.s32 $0xFFFFFC18  }
0x59: {  	[tilespmem:s6], [sflag:$0x1] =	stream.indirect.gather [hbm4b:s4+s5], $0x10, s2, s5, $0xb8;
	[tilespmem:$0x84D0] =	vst v63  }
0x5a: {  	s23 =	sadd.s32 s28, s23  }
0x5b: {  	[tilespmem:s5], [sflag:$0x3] =	stream.linear.gather [hbm4b:s23+s2], $0x3E8, $0x38;
	[tilespmem:$0x84D0] =	vst v63  }
0x5c: {  	_ =	swait.ge [sflag:s3], $0x3E8  }
0x5d: {  	[sflag:s3] =	ssyncset.done $0x0  }
0x5e: {  	[sflag:s3] =	ssyncadd.s32 $0xFFFFFC18  }
0x5f: {  	[tilespmem:s9], [sflag:$0x2] =	stream.indirect.gather [hbm4b:s8+s5], $0x10, s5, s5, $0xb8;
	[tilespmem:$0x84D0] =	vst v63  }
0x60: {  	_ =	swait.ge [sflag:s10], $0x3E80  }
0x61: {  	s25 =	sshll.u32 s24, $0x1;
	[sflag:s10] =	ssyncset.done $0x0  }
0x62: {  	s24 =	sadd.s32 s1, s25;
	[sflag:s10] =	ssyncadd.s32 $0xFFFFC180  }
0x63: {  	[hbm4b:s24+s2] =	stream.linear.scatter [tilespmem:s6], [sflag:$0x3], $0x3E80, $0x38;
	[tilespmem:$0x84D0] =	vst v63  }
0x64: {  	_ =	swait.ge [sflag:s3], $0x3E80  }
0x65: {  	[sflag:s3] =	ssyncset.done $0x0  }
0x66: {  	[sflag:s3] =	ssyncadd.s32 $0xFFFFC180  }
0x67: {  	_ =	swait.ge [sflag:s12], $0x3E80  }
0x68: {  	[sflag:s12] =	ssyncset.done $0x0  }
0x69: {  	s25 =	sadd.s32 s31, s25;
	[sflag:s12] =	ssyncadd.s32 $0xFFFFC180  }
0x6a: {  	[hbm4b:s25+s2] =	stream.linear.scatter [tilespmem:s9], [sflag:$0x3], $0x3E80, $0x38;
	[tilespmem:$0x84D0] =	vst v63  }
0x6b: {  	s29 =	sadd.s32 $0xFA0, s29;
	_ =	swait.ge [sflag:s3], $0x3E80  }
0x6c: {  	s0 =	sshrl.u32 s29, $0x3;
	[sflag:s3] =	ssyncset.done $0x0  }
0x6d: {  	s26 =	sadd.s32 s26, s0;
	[sflag:s3] =	ssyncadd.s32 $0xFFFFC180  }
0x6e: {  	[tilespmem:s2], [sflag:$0x3] =	stream.linear.gather [hbm4b:s26+s2], $0x3E8, $0x38;
	[tilespmem:$0x84D0] =	vst v63  }
0x6f: {  	_ =	swait.ge [sflag:s3], $0x3E8  }
0x70: {  	[sflag:s3] =	ssyncset.done $0x0  }
0x71: {  	[sflag:s3] =	ssyncadd.s32 $0xFFFFFC18  }
0x72: {  	[tilespmem:s6], [sflag:$0x1] =	stream.indirect.gather [hbm4b:s4+s5], $0x10, s2, s5, $0xb8;
	[tilespmem:$0x84D0] =	vst v63  }
0x73: {  	s28 =	sadd.s32 s28, s0  }
0x74: {  	[tilespmem:s5], [sflag:$0x3] =	stream.linear.gather [hbm4b:s28+s2], $0x3E8, $0x38;
	[tilespmem:$0x84D0] =	vst v63  }
0x75: {  	_ =	swait.ge [sflag:s3], $0x3E8  }
0x76: {  	[sflag:s3] =	ssyncset.done $0x0  }
0x77: {  	[sflag:s3] =	ssyncadd.s32 $0xFFFFFC18  }
0x78: {  	[tilespmem:s9], [sflag:$0x2] =	stream.indirect.gather [hbm4b:s8+s5], $0x10, s5, s5, $0xb8;
	[tilespmem:$0x84D0] =	vst v63  }
0x79: {  	s0 =	sshll.u32 s29, $0x1;
	_ =	swait.ge [sflag:s10], $0x3E80  }
0x7a: {  	s29 =	sadd.s32 s1, s0;
	s1 =	ssub.s32 $0x2, s30;
	[sflag:s10] =	ssyncset.done $0x0  }
0x7b: {  	s30 =	sshrl.u32 s1, $0x1;
	[sflag:s10] =	ssyncadd.s32 $0xFFFFC180  }
0x7c: {  	[hbm4b:s29+s2] =	stream.linear.scatter [tilespmem:s6], [sflag:$0x3], $0x3E80, $0x38;
	[tilespmem:$0x84D0] =	vst v63  }
0x7d: {  	s1 =	ssub.s32 s1, s30;
	_ =	swait.ge [sflag:s3], $0x3E80  }
0x7e: {  	s1 =	smax.u32 s1, $0x1;
	[sflag:s3] =	ssyncset.done $0x0  }
0x7f: {  	p0 =	sne.s32 s1, $0x1;
	[sflag:s3] =	ssyncadd.s32 $0xFFFFC180  }
.Ltmp0:
0x80: {  	_ =	swait.ge [sflag:s12], $0x3E80;
	(pc) =	sbr.rel @!p0 .LBB2_2-.Ltmp0, $4  }
0x81: {  	[sflag:s12] =	ssyncset.done $0x0  }
0x82: {  	s30 =	sadd.s32 s31, s0;
	[sflag:s12] =	ssyncadd.s32 $0xFFFFC180  }
0x83: {  	[hbm4b:s30+s2] =	stream.linear.scatter [tilespmem:s9], [sflag:$0x3], $0x3E80, $0x38;
	[tilespmem:$0x84D0] =	vst v63  }
0x84: {  	s31 =	sadd.s32 $0xFFFFFFFF, s1;
	_ =	swait.ge [sflag:s3], $0x3E80  }
.LBB2_1:
0x85: {  	[sflag:s3] =	ssyncset.done $0x0  }
0x86: {  	s0 =	rddreg [dreg:$0x4];
	[sflag:s3] =	ssyncadd.s32 $0xFFFFC180  }
0x87: {  	[tilespmem:s2], [sflag:$0x3] =	stream.linear.gather [hbm4b:s0+s2], $0x3E8, $0x38;
	[tilespmem:$0x84D0] =	vst v63  }
0x88: {  	_ =	swait.ge [sflag:s3], $0x3E8  }
0x89: {  	[sflag:s3] =	ssyncset.done $0x0  }
0x8a: {  	[sflag:s3] =	ssyncadd.s32 $0xFFFFFC18  }
0x8b: {  	[tilespmem:s6], [sflag:$0x1] =	stream.indirect.gather [hbm4b:s4+s5], $0x10, s2, s5, $0xb8;
	[tilespmem:$0x84D0] =	vst v63  }
0x8c: {  	_ = 	snop  }
0x8d: {  	[tilespmem:s5], [sflag:$0x3] =	stream.linear.gather [hbm4b:s7+s2], $0x3E8, $0x38;
	[tilespmem:$0x84D0] =	vst v63  }
0x8e: {  	_ =	swait.ge [sflag:s3], $0x3E8  }
0x8f: {  	[sflag:s3] =	ssyncset.done $0x0  }
0x90: {  	[sflag:s3] =	ssyncadd.s32 $0xFFFFFC18  }
0x91: {  	[tilespmem:s9], [sflag:$0x2] =	stream.indirect.gather [hbm4b:s8+s5], $0x10, s5, s5, $0xb8;
	[tilespmem:$0x84D0] =	vst v63  }
0x92: {  	_ =	swait.ge [sflag:s10], $0x3E80  }
0x93: {  	[sflag:s10] =	ssyncset.done $0x0  }
0x94: {  	[sflag:s10] =	ssyncadd.s32 $0xFFFFC180  }
0x95: {  	[hbm4b:s11+s2] =	stream.linear.scatter [tilespmem:s6], [sflag:$0x3], $0x3E80, $0x38;
	[tilespmem:$0x84D0] =	vst v63  }
0x96: {  	_ =	swait.ge [sflag:s3], $0x3E80  }
0x97: {  	[sflag:s3] =	ssyncset.done $0x0  }
0x98: {  	[sflag:s3] =	ssyncadd.s32 $0xFFFFC180  }
0x99: {  	_ =	swait.ge [sflag:s12], $0x3E80  }
0x9a: {  	[sflag:s12] =	ssyncset.done $0x0  }
0x9b: {  	[sflag:s12] =	ssyncadd.s32 $0xFFFFC180  }
0x9c: {  	[hbm4b:s13+s2] =	stream.linear.scatter [tilespmem:s9], [sflag:$0x3], $0x3E80, $0x38;
	[tilespmem:$0x84D0] =	vst v63  }
0x9d: {  	_ =	swait.ge [sflag:s3], $0x3E80  }
0x9e: {  	[sflag:s3] =	ssyncset.done $0x0  }
0x9f: {  	[sflag:s3] =	ssyncadd.s32 $0xFFFFC180  }
0xa0: {  	[tilespmem:s2], [sflag:$0x3] =	stream.linear.gather [hbm4b:s14+s2], $0x3E8, $0x38;
	[tilespmem:$0x84D0] =	vst v63  }
0xa1: {  	_ =	swait.ge [sflag:s3], $0x3E8  }
0xa2: {  	[sflag:s3] =	ssyncset.done $0x0  }
0xa3: {  	[sflag:s3] =	ssyncadd.s32 $0xFFFFFC18  }
0xa4: {  	[tilespmem:s6], [sflag:$0x1] =	stream.indirect.gather [hbm4b:s4+s5], $0x10, s2, s5, $0xb8;
	[tilespmem:$0x84D0] =	vst v63  }
0xa5: {  	_ = 	snop  }
0xa6: {  	[tilespmem:s5], [sflag:$0x3] =	stream.linear.gather [hbm4b:s15+s2], $0x3E8, $0x38;
	[tilespmem:$0x84D0] =	vst v63  }
0xa7: {  	_ =	swait.ge [sflag:s3], $0x3E8  }
0xa8: {  	[sflag:s3] =	ssyncset.done $0x0  }
0xa9: {  	[sflag:s3] =	ssyncadd.s32 $0xFFFFFC18  }
0xaa: {  	[tilespmem:s9], [sflag:$0x2] =	stream.indirect.gather [hbm4b:s8+s5], $0x10, s5, s5, $0xb8;
	[tilespmem:$0x84D0] =	vst v63  }
0xab: {  	_ =	swait.ge [sflag:s10], $0x3E80  }
0xac: {  	[sflag:s10] =	ssyncset.done $0x0  }
0xad: {  	[sflag:s10] =	ssyncadd.s32 $0xFFFFC180  }
0xae: {  	[hbm4b:s16+s2] =	stream.linear.scatter [tilespmem:s6], [sflag:$0x3], $0x3E80, $0x38;
	[tilespmem:$0x84D0] =	vst v63  }
0xaf: {  	_ =	swait.ge [sflag:s3], $0x3E80  }
0xb0: {  	[sflag:s3] =	ssyncset.done $0x0  }
0xb1: {  	[sflag:s3] =	ssyncadd.s32 $0xFFFFC180  }
0xb2: {  	_ =	swait.ge [sflag:s12], $0x3E80  }
0xb3: {  	[sflag:s12] =	ssyncset.done $0x0  }
0xb4: {  	[sflag:s12] =	ssyncadd.s32 $0xFFFFC180  }
0xb5: {  	[hbm4b:s17+s2] =	stream.linear.scatter [tilespmem:s9], [sflag:$0x3], $0x3E80, $0x38;
	[tilespmem:$0x84D0] =	vst v63  }
0xb6: {  	_ =	swait.ge [sflag:s3], $0x3E80  }
0xb7: {  	[sflag:s3] =	ssyncset.done $0x0  }
0xb8: {  	[sflag:s3] =	ssyncadd.s32 $0xFFFFC180  }
0xb9: {  	[tilespmem:s2], [sflag:$0x3] =	stream.linear.gather [hbm4b:s18+s2], $0x3E8, $0x38;
	[tilespmem:$0x84D0] =	vst v63  }
0xba: {  	_ =	swait.ge [sflag:s3], $0x3E8  }
0xbb: {  	[sflag:s3] =	ssyncset.done $0x0  }
0xbc: {  	[sflag:s3] =	ssyncadd.s32 $0xFFFFFC18  }
0xbd: {  	[tilespmem:s6], [sflag:$0x1] =	stream.indirect.gather [hbm4b:s4+s5], $0x10, s2, s5, $0xb8;
	[tilespmem:$0x84D0] =	vst v63  }
0xbe: {  	_ = 	snop  }
0xbf: {  	[tilespmem:s5], [sflag:$0x3] =	stream.linear.gather [hbm4b:s19+s2], $0x3E8, $0x38;
	[tilespmem:$0x84D0] =	vst v63  }
0xc0: {  	_ =	swait.ge [sflag:s3], $0x3E8  }
0xc1: {  	[sflag:s3] =	ssyncset.done $0x0  }
0xc2: {  	[sflag:s3] =	ssyncadd.s32 $0xFFFFFC18  }
0xc3: {  	[tilespmem:s9], [sflag:$0x2] =	stream.indirect.gather [hbm4b:s8+s5], $0x10, s5, s5, $0xb8;
	[tilespmem:$0x84D0] =	vst v63  }
0xc4: {  	_ =	swait.ge [sflag:s10], $0x3E80  }
0xc5: {  	[sflag:s10] =	ssyncset.done $0x0  }
0xc6: {  	[sflag:s10] =	ssyncadd.s32 $0xFFFFC180  }
0xc7: {  	[hbm4b:s20+s2] =	stream.linear.scatter [tilespmem:s6], [sflag:$0x3], $0x3E80, $0x38;
	[tilespmem:$0x84D0] =	vst v63  }
0xc8: {  	_ =	swait.ge [sflag:s3], $0x3E80  }
0xc9: {  	[sflag:s3] =	ssyncset.done $0x0  }
0xca: {  	[sflag:s3] =	ssyncadd.s32 $0xFFFFC180  }
0xcb: {  	_ =	swait.ge [sflag:s12], $0x3E80  }
0xcc: {  	[sflag:s12] =	ssyncset.done $0x0  }
0xcd: {  	[sflag:s12] =	ssyncadd.s32 $0xFFFFC180  }
0xce: {  	[hbm4b:s21+s2] =	stream.linear.scatter [tilespmem:s9], [sflag:$0x3], $0x3E80, $0x38;
	[tilespmem:$0x84D0] =	vst v63  }
0xcf: {  	_ =	swait.ge [sflag:s3], $0x3E80  }
0xd0: {  	[sflag:s3] =	ssyncset.done $0x0  }
0xd1: {  	[sflag:s3] =	ssyncadd.s32 $0xFFFFC180  }
0xd2: {  	[tilespmem:s2], [sflag:$0x3] =	stream.linear.gather [hbm4b:s22+s2], $0x3E8, $0x38;
	[tilespmem:$0x84D0] =	vst v63  }
0xd3: {  	_ =	swait.ge [sflag:s3], $0x3E8  }
0xd4: {  	[sflag:s3] =	ssyncset.done $0x0  }
0xd5: {  	[sflag:s3] =	ssyncadd.s32 $0xFFFFFC18  }
0xd6: {  	[tilespmem:s6], [sflag:$0x1] =	stream.indirect.gather [hbm4b:s4+s5], $0x10, s2, s5, $0xb8;
	[tilespmem:$0x84D0] =	vst v63  }
0xd7: {  	_ = 	snop  }
0xd8: {  	[tilespmem:s5], [sflag:$0x3] =	stream.linear.gather [hbm4b:s23+s2], $0x3E8, $0x38;
	[tilespmem:$0x84D0] =	vst v63  }
0xd9: {  	_ =	swait.ge [sflag:s3], $0x3E8  }
0xda: {  	[sflag:s3] =	ssyncset.done $0x0  }
0xdb: {  	[sflag:s3] =	ssyncadd.s32 $0xFFFFFC18  }
0xdc: {  	[tilespmem:s9], [sflag:$0x2] =	stream.indirect.gather [hbm4b:s8+s5], $0x10, s5, s5, $0xb8;
	[tilespmem:$0x84D0] =	vst v63  }
0xdd: {  	_ =	swait.ge [sflag:s10], $0x3E80  }
0xde: {  	[sflag:s10] =	ssyncset.done $0x0  }
0xdf: {  	[sflag:s10] =	ssyncadd.s32 $0xFFFFC180  }
0xe0: {  	[hbm4b:s24+s2] =	stream.linear.scatter [tilespmem:s6], [sflag:$0x3], $0x3E80, $0x38;
	[tilespmem:$0x84D0] =	vst v63  }
0xe1: {  	_ =	swait.ge [sflag:s3], $0x3E80  }
0xe2: {  	[sflag:s3] =	ssyncset.done $0x0  }
0xe3: {  	[sflag:s3] =	ssyncadd.s32 $0xFFFFC180  }
0xe4: {  	_ =	swait.ge [sflag:s12], $0x3E80  }
0xe5: {  	[sflag:s12] =	ssyncset.done $0x0  }
0xe6: {  	[sflag:s12] =	ssyncadd.s32 $0xFFFFC180  }
0xe7: {  	[hbm4b:s25+s2] =	stream.linear.scatter [tilespmem:s9], [sflag:$0x3], $0x3E80, $0x38;
	[tilespmem:$0x84D0] =	vst v63  }
0xe8: {  	_ =	swait.ge [sflag:s3], $0x3E80  }
0xe9: {  	[sflag:s3] =	ssyncset.done $0x0  }
0xea: {  	[sflag:s3] =	ssyncadd.s32 $0xFFFFC180  }
0xeb: {  	[tilespmem:s2], [sflag:$0x3] =	stream.linear.gather [hbm4b:s26+s2], $0x3E8, $0x38;
	[tilespmem:$0x84D0] =	vst v63  }
0xec: {  	_ =	swait.ge [sflag:s3], $0x3E8  }
0xed: {  	[sflag:s3] =	ssyncset.done $0x0  }
0xee: {  	[sflag:s3] =	ssyncadd.s32 $0xFFFFFC18  }
0xef: {  	[tilespmem:s6], [sflag:$0x1] =	stream.indirect.gather [hbm4b:s4+s5], $0x10, s2, s5, $0xb8;
	[tilespmem:$0x84D0] =	vst v63  }
0xf0: {  	_ = 	snop  }
0xf1: {  	[tilespmem:s5], [sflag:$0x3] =	stream.linear.gather [hbm4b:s28+s2], $0x3E8, $0x38;
	[tilespmem:$0x84D0] =	vst v63  }
0xf2: {  	_ =	swait.ge [sflag:s3], $0x3E8  }
0xf3: {  	[sflag:s3] =	ssyncset.done $0x0  }
0xf4: {  	[sflag:s3] =	ssyncadd.s32 $0xFFFFFC18  }
0xf5: {  	[tilespmem:s9], [sflag:$0x2] =	stream.indirect.gather [hbm4b:s8+s5], $0x10, s5, s5, $0xb8;
	[tilespmem:$0x84D0] =	vst v63  }
0xf6: {  	_ =	swait.ge [sflag:s10], $0x3E80  }
0xf7: {  	[sflag:s10] =	ssyncset.done $0x0  }
0xf8: {  	[sflag:s10] =	ssyncadd.s32 $0xFFFFC180  }
0xf9: {  	[hbm4b:s29+s2] =	stream.linear.scatter [tilespmem:s6], [sflag:$0x3], $0x3E80, $0x38;
	[tilespmem:$0x84D0] =	vst v63  }
0xfa: {  	_ =	swait.ge [sflag:s3], $0x3E80  }
0xfb: {  	[sflag:s3] =	ssyncset.done $0x0  }
0xfc: {  	p0 =	sne.s32 s31, $0x1;
	[sflag:s3] =	ssyncadd.s32 $0xFFFFC180  }
.Ltmp1:
0xfd: {  	_ =	swait.ge [sflag:s12], $0x3E80;
	(pc) =	sbr.rel @p0 .LBB2_1-.Ltmp1, $4  }
0xfe: {  	[sflag:s12] =	ssyncset.done $0x0  }
0xff: {  	[sflag:s12] =	ssyncadd.s32 $0xFFFFC180  }
0x100: {  	[hbm4b:s30+s2] =	stream.linear.scatter [tilespmem:s9], [sflag:$0x3], $0x3E80, $0x38;
	[tilespmem:$0x84D0] =	vst v63  }
0x101: {  	s31 =	sadd.s32 $0xFFFFFFFF, s31;
	_ =	swait.ge [sflag:s3], $0x3E80  }
.LBB2_2:
0x102: {  	[sflag:s3] =	ssyncset.done $0x0  }
0x103: {  	[sflag:s3] =	ssyncadd.s32 $0xFFFFC180  }
0x104: {  	_ =	sfence.sel $0x180000  }
0x105: {  	[bflag:$0x0] =	sbarrier.arrive $0xFFFF  }
0x106: {  	_ =	strace $0x90000059  }
0x107: {  	s0 =	stileid.u32;
	[bflag:$0x2] =	sbarrier.arrive $0xFFFF  }
0x108: {  	p0 =	sne.s32 s0, $0x0;
	s0 =	rddreg [dreg:$0x3]  }
0x109: {  	s0 =	sadd.s32 @!p0 $0x100000, s0  }
0x10a: {  	[sflag:s0] =	ssyncadd.tile.s32 @!p0 $0x1;
	_ =	shalt  }
.Lfunc_end2:
_tile_overlayer_lowered:
.L_overlay_start_2:
0x10b: {  	(tag) =	ssettag $0x2  }
0x10c: {  	s0 =	rddreg [dreg:$0x0];
	s2 =	stileid.u32  }
0x10d: {  	s1 =	rddreg [dreg:$0x1];
	p0 =	sne.s32 s2, $0x0  }
0x10e: {  	s3 =	rddreg [dreg:$0x2];
	[bflag:$0x3] =	sbarrier.arrive $0xFFFF;
	s2 =	simm.s32 @!p0 $0x1C03  }
0x10f: {  	[timem:s3], [sflag:s2] =	dma.local @!p0 [hbm:s0], s1  }
0x110: {  	s0 =	simm.s32 @!p0 $0x3  }
0x111: {  	_ =	swait.ge @!p0 [sflag:s0], s1  }
0x112: {  	s1 =	ssub.s32 @!p0 $0x0, s1;
	[sflag:s0] =	ssyncset.done @!p0 $0x0  }
0x113: {  	[sflag:s0] =	ssyncadd.s32 @!p0 s1  }
0x114: {  	[bflag:$0x3] =	sbarrier.arrive $0xFFFF  }
0x115: {  	_ =	shalt  }

</sc_bundles>
